<compile_context>
chip_gen: v7x
topology: tpu7x:2x2x1
jax: 0.10.2.dev20260603
libtpu: 0.0.44.dev20260713+nightly
codegen_flags: <defaults>
</compile_context>

<pallas_src>
import functools

import jax
import jax.numpy as jnp
from jax import lax
from jax.experimental import pallas as pl
from jax.experimental.pallas import tpu as pltpu
from jax.experimental.pallas import tpu_sc as plsc

N = 10000
E = 320000
D_NODE = 128
D_EDGE = 16
D_OUT = 128

NC = 2
NS = 16
NW = NC * NS
C = 128
E_PAD = 327680
T = E_PAD // (NW * C)
N_PAD = 10240
NPS = N_PAD // NS

KSPLIT = 2
E_SPLIT = E_PAD // KSPLIT
TK = T // KSPLIT

GBUF = 2
SBUF = 2

BE = 5120
BPS = E_SPLIT // BE
EF_LAST = (E - 1) // BE


@functools.lru_cache(maxsize=None)
def _sc_mesh():
    return plsc.VectorSubcoreMesh(
        core_axis_name="c", subcore_axis_name="s", num_cores=NC, num_subcores=NS
    )


def _x1_body(node_ref, w_ref, b_ref, o_ref):
    o_ref[...] = (
        jnp.dot(node_ref[...], w_ref[...], preferred_element_type=jnp.float32)
        + b_ref[...]
    )


def _x1(node_pad, w1n_t, b_msg):
    return pl.pallas_call(
        _x1_body,
        out_shape=jax.ShapeDtypeStruct((N_PAD, D_OUT), jnp.float32),
    )(node_pad, w1n_t, b_msg.reshape(1, D_OUT))


def _gather_body(x1_hbm, src_hbm, out_hbm, idx_v, rows_v, x1_sh, gsem, osem):
    cid = lax.axis_index("c")
    sid = lax.axis_index("s")
    wid = cid * NS + sid
    base = wid * (TK * C)
    pltpu.sync_copy(x1_hbm.at[pl.ds(sid * NPS, NPS)],
                    x1_sh.at[pl.ds(sid * NPS, NPS)])
    pltpu.sync_copy(src_hbm.at[wid], idx_v)
    plsc.subcore_barrier()

    for b in range(GBUF):
        pltpu.async_copy(x1_sh.at[idx_v.at[b]], rows_v.at[b], gsem.at[b])

    def group(i, carry):
        for b in range(GBUF):
            t = i * GBUF + b
            pltpu.make_async_copy(x1_sh.at[idx_v.at[t]],
                                  rows_v.at[b], gsem.at[b]).wait()
            pltpu.async_copy(rows_v.at[b],
                             out_hbm.at[pl.ds(base + t * C, C)], osem.at[b])
        for b in range(GBUF):
            t2 = (i + 1) * GBUF + b
            pltpu.make_async_copy(rows_v.at[b],
                                  out_hbm.at[pl.ds(base, C)], osem.at[b]).wait()
            pltpu.async_copy(x1_sh.at[idx_v.at[t2]], rows_v.at[b], gsem.at[b])
        return carry

    lax.fori_loop(0, TK // GBUF - 1, group, 0)

    for b in range(GBUF):
        t = (TK // GBUF - 1) * GBUF + b
        pltpu.make_async_copy(x1_sh.at[idx_v.at[t]],
                              rows_v.at[b], gsem.at[b]).wait()
        pltpu.async_copy(rows_v.at[b],
                         out_hbm.at[pl.ds(base + t * C, C)], osem.at[b])
    for b in range(GBUF):
        pltpu.make_async_copy(rows_v.at[b],
                              out_hbm.at[pl.ds(base, C)], osem.at[b]).wait()


@functools.lru_cache(maxsize=None)
def _gather_kernel():
    return pl.kernel(
        _gather_body,
        out_type=jax.ShapeDtypeStruct((E_SPLIT, D_OUT), jnp.float32),
        mesh=_sc_mesh(),
        scratch_types=[
            pltpu.VMEM((TK, C), jnp.int32),
            pltpu.VMEM((GBUF, C, D_OUT), jnp.float32),
            pltpu.VMEM_SHARED((N_PAD, D_OUT), jnp.float32),
            pltpu.SemaphoreType.DMA((GBUF,)),
            pltpu.SemaphoreType.DMA((GBUF,)),
        ],
    )


def _mlp_body(g_ref, eft_ref, w1e_ref, w2_ref, b2_ref, o_ref):
    ef_part = lax.dot_general(
        eft_ref[...], w1e_ref[...],
        (((0,), (0,)), ((), ())),
        preferred_element_type=jnp.float32,
    )
    m1 = jnp.maximum(g_ref[...] + ef_part, 0.0)
    o_ref[...] = jnp.maximum(
        jnp.dot(m1, w2_ref[...], preferred_element_type=jnp.float32) + b2_ref[...],
        0.0,
    )


def _mlp(g, eft, w1e_t, w2_t, b2, split):
    off = split * BPS

    def ef_map(i):
        return (0, jnp.minimum(off + i, EF_LAST))

    return pl.pallas_call(
        _mlp_body,
        grid=(BPS,),
        in_specs=[
            pl.BlockSpec((BE, D_OUT), lambda i: (i, 0)),
            pl.BlockSpec((D_EDGE, BE), ef_map),
            pl.BlockSpec((D_EDGE, D_OUT), lambda i: (0, 0)),
            pl.BlockSpec((D_OUT, D_OUT), lambda i: (0, 0)),
            pl.BlockSpec((1, D_OUT), lambda i: (0, 0)),
        ],
        out_specs=pl.BlockSpec((BE, D_OUT), lambda i: (i, 0)),
        out_shape=jax.ShapeDtypeStruct((E_SPLIT, D_OUT), jnp.float32),
    )(g, eft, w1e_t, w2_t, b2.reshape(1, D_OUT))


def _scatter_body(m_hbm, dst_hbm, p2_hbm, p1_hbm, s_out, d_out,
                  dst_v, mrow_v, ones_v, acc_sh, deg_sh, lsem, asem, dsem):
    cid = lax.axis_index("c")
    sid = lax.axis_index("s")
    wid = cid * NS + sid
    base = wid * (TK * C)

    pltpu.sync_copy(p2_hbm.at[cid, pl.ds(sid * NPS, NPS)],
                    acc_sh.at[pl.ds(sid * NPS, NPS)])
    pltpu.sync_copy(p1_hbm.at[cid, pl.ds(sid * NPS, NPS)],
                    deg_sh.at[pl.ds(sid * NPS, NPS)])
    for i in range(C // 16):
        ones_v[pl.ds(i * 16, 16)] = jnp.ones((16,), jnp.float32)
    pltpu.sync_copy(dst_hbm.at[wid], dst_v)
    plsc.subcore_barrier()

    for b in range(SBUF):
        pltpu.async_copy(m_hbm.at[pl.ds(base + b * C, C)],
                         mrow_v.at[b], lsem.at[b])

    def group(i, carry):
        for b in range(SBUF):
            t = i * SBUF + b
            pltpu.make_async_copy(m_hbm.at[pl.ds(base, C)],
                                  mrow_v.at[b], lsem.at[b]).wait()
            pltpu.async_copy(mrow_v.at[b], acc_sh.at[dst_v.at[t]],
                             asem.at[b], add=True)
            pltpu.async_copy(ones_v, deg_sh.at[dst_v.at[t]],
                             dsem.at[b], add=True)
        for b in range(SBUF):
            t2 = (i + 1) * SBUF + b
            pltpu.make_async_copy(mrow_v.at[b], acc_sh.at[dst_v.at[0]],
                                  asem.at[b]).wait()
            pltpu.make_async_copy(ones_v, deg_sh.at[dst_v.at[0]],
                                  dsem.at[b]).wait()
            pltpu.async_copy(m_hbm.at[pl.ds(base + t2 * C, C)],
                             mrow_v.at[b], lsem.at[b])
        return carry

    lax.fori_loop(0, TK // SBUF - 1, group, 0)

    for b in range(SBUF):
        t = (TK // SBUF - 1) * SBUF + b
        pltpu.make_async_copy(m_hbm.at[pl.ds(base, C)],
                              mrow_v.at[b], lsem.at[b]).wait()
        pltpu.async_copy(mrow_v.at[b], acc_sh.at[dst_v.at[t]],
                         asem.at[b], add=True)
        pltpu.async_copy(ones_v, deg_sh.at[dst_v.at[t]],
                         dsem.at[b], add=True)
    for b in range(SBUF):
        pltpu.make_async_copy(mrow_v.at[b], acc_sh.at[dst_v.at[0]],
                              asem.at[b]).wait()
        pltpu.make_async_copy(ones_v, deg_sh.at[dst_v.at[0]],
                              dsem.at[b]).wait()
    plsc.subcore_barrier()

    pltpu.sync_copy(acc_sh.at[pl.ds(sid * NPS, NPS)],
                    s_out.at[cid, pl.ds(sid * NPS, NPS)])
    pltpu.sync_copy(deg_sh.at[pl.ds(sid * NPS, NPS)],
                    d_out.at[cid, pl.ds(sid * NPS, NPS)])


@functools.lru_cache(maxsize=None)
def _scatter_kernel():
    return pl.kernel(
        _scatter_body,
        out_type=(
            jax.ShapeDtypeStruct((NC, N_PAD, D_OUT), jnp.float32),
            jax.ShapeDtypeStruct((NC, N_PAD), jnp.float32),
        ),
        mesh=_sc_mesh(),
        scratch_types=[
            pltpu.VMEM((TK, C), jnp.int32),
            pltpu.VMEM((SBUF, C, D_OUT), jnp.float32),
            pltpu.VMEM((C,), jnp.float32),
            pltpu.VMEM_SHARED((N_PAD, D_OUT), jnp.float32),
            pltpu.VMEM_SHARED((N_PAD,), jnp.float32),
            pltpu.SemaphoreType.DMA((SBUF,)),
            pltpu.SemaphoreType.DMA((SBUF,)),
            pltpu.SemaphoreType.DMA((SBUF,)),
        ],
    )


def _apply_body(node_ref, s_ref, d_ref, wan_ref, wah_ref, b_ref, o_ref):
    s = s_ref[0] + s_ref[1]
    deg = d_ref[0] + d_ref[1]
    inv = 1.0 / jnp.maximum(deg, 1.0)
    h = s * inv[:, None]
    o_ref[...] = (
        jnp.dot(node_ref[...], wan_ref[...], preferred_element_type=jnp.float32)
        + jnp.dot(h, wah_ref[...], preferred_element_type=jnp.float32)
        + b_ref[...]
    )


def _apply(node_pad, s2, d2, wan_t, wah_t, b_apply):
    BN = 1024
    grid = (N_PAD // BN,)
    return pl.pallas_call(
        _apply_body,
        grid=grid,
        in_specs=[
            pl.BlockSpec((BN, D_NODE), lambda i: (i, 0)),
            pl.BlockSpec((NC, BN, D_OUT), lambda i: (0, i, 0)),
            pl.BlockSpec((NC, BN), lambda i: (0, i)),
            pl.BlockSpec((D_NODE, D_OUT), lambda i: (0, 0)),
            pl.BlockSpec((D_OUT, D_OUT), lambda i: (0, 0)),
            pl.BlockSpec((1, D_OUT), lambda i: (0, 0)),
        ],
        out_specs=pl.BlockSpec((BN, D_OUT), lambda i: (i, 0)),
        out_shape=jax.ShapeDtypeStruct((N, D_OUT), jnp.float32),
    )(node_pad, s2, d2, wan_t, wah_t, b_apply.reshape(1, D_OUT))


def kernel(node_features, edge_index, edge_features,
           W_msg, b_msg, W_msg_2, b_msg_2, W_apply, b_apply):
    src = edge_index[0]
    dst = edge_index[1]

    w1n_t = W_msg[:, :D_NODE].T
    w1e_t = W_msg[:, D_NODE:].T
    w2_t = W_msg_2.T
    wan_t = W_apply[:, :D_NODE].T
    wah_t = W_apply[:, D_NODE:].T

    pad = E_PAD - E
    src_p = jnp.concatenate([src, jnp.zeros((pad,), jnp.int32)])
    dst_p = jnp.concatenate([dst, jnp.full((pad,), N, jnp.int32)])
    src_r = src_p.reshape(KSPLIT, NW, TK, C)
    dst_r = dst_p.reshape(KSPLIT, NW, TK, C)

    node_pad = jnp.pad(node_features, ((0, N_PAD - N), (0, 0)))
    x1 = _x1(node_pad, w1n_t, b_msg)

    eft = edge_features.T
    s2 = jnp.zeros((NC, N_PAD, D_OUT), jnp.float32)
    d2 = jnp.zeros((NC, N_PAD), jnp.float32)
    for k in range(KSPLIT):
        g = _gather_kernel()(x1, src_r[k])
        m = _mlp(g, eft, w1e_t, w2_t, b_msg_2, k)
        s2, d2 = _scatter_kernel()(m, dst_r[k], s2, d2)

    return _apply(node_pad, s2, d2, wan_t, wah_t, b_apply)

# --- scband reference (transcript-rebuilt; emitter-appended) ---
"""Pipeline reference for scband-gcnelayer-28003186769969 (READ-ONLY COPY).

The authoritative reference and input builder live on the scoring server;
editing this copy changes nothing except your own understanding.
"""

import jax, jax.numpy as jnp
import numpy as np

N = 10000
E = 320000
D_NODE = 128
D_EDGE = 16
D_OUT = 128


def setup_inputs(seed: int = 0) -> dict:
    key = jax.random.key(seed)
    ks = jax.random.split(key, 9)
    node_features = jax.random.normal(ks[0], (N, D_NODE), dtype=jnp.float32)
    edge_index = jax.random.randint(ks[1], (2, E), 0, N, dtype=jnp.int32)
    edge_features = jax.random.normal(ks[2], (E, D_EDGE), dtype=jnp.float32)
    # Linear params in torch convention: y = x @ W.T + b
    W_msg = jax.random.normal(ks[3], (D_OUT, D_NODE + D_EDGE), dtype=jnp.float32) * (1.0 / np.sqrt(D_NODE + D_EDGE))
    b_msg = jnp.zeros((D_OUT,), dtype=jnp.float32)
    W_msg_2 = jax.random.normal(ks[4], (D_OUT, D_OUT), dtype=jnp.float32) * (1.0 / np.sqrt(D_OUT))
    b_msg_2 = jnp.zeros((D_OUT,), dtype=jnp.float32)
    W_apply = jax.random.normal(ks[5], (D_OUT, D_OUT + D_NODE), dtype=jnp.float32) * (1.0 / np.sqrt(D_OUT + D_NODE))
    b_apply = jnp.zeros((D_OUT,), dtype=jnp.float32)
    return {
        "node_features": node_features,
        "edge_index": edge_index,
        "edge_features": edge_features,
        "W_msg": W_msg,
        "b_msg": b_msg,
        "W_msg_2": W_msg_2,
        "b_msg_2": b_msg_2,
        "W_apply": W_apply,
        "b_apply": b_apply,
    }


def reference(node_features, edge_index, edge_features, W_msg, b_msg, W_msg_2, b_msg_2, W_apply, b_apply):
    src = edge_index[0]
    dst = edge_index[1]
    # message: relu(W_msg_2(relu(W_msg(cat[src_h, edge_h]))))
    h_src = jnp.take(node_features, src, axis=0)              # [E, D_NODE] gather
    msg_in = jnp.concatenate([h_src, edge_features], axis=1)   # [E, D_NODE + D_EDGE]
    m = jax.nn.relu(msg_in @ W_msg.T + b_msg)                  # [E, D_OUT]
    m = jax.nn.relu(m @ W_msg_2.T + b_msg_2)                   # [E, D_OUT]
    # fn.mean('m', 'h_neigh'): mean over incoming edges per dst node
    msg_sum = jax.ops.segment_sum(m, dst, num_segments=N)      # [N, D_OUT] scatter-add
    deg = jax.ops.segment_sum(jnp.ones((E,), dtype=jnp.float32), dst, num_segments=N)
    h_neigh = msg_sum / jnp.maximum(deg, 1.0)[:, None]
    out = jnp.concatenate([node_features, h_neigh], axis=1) @ W_apply.T + b_apply
    return out

if __name__ == "__main__":
    import jax
    _d = setup_inputs()
    print(jax.jit(kernel)(*tuple(_d.values())))

</pallas_src>

<mosaic_0001>
#map = affine_map<(d0, d1) -> (0, 0)>
#map1 = affine_map<(d0, d1) -> (0, 0, 0)>
module attributes {stable_mosaic.version = 14 : i64} {
  func.func @_gather_body(%arg0: i32, %arg1: i32, %arg2: memref<10240x128xf32, #tpu.memory_space<hbm>>, %arg3: memref<32x40x128xi32, #tpu.memory_space<hbm>>, %arg4: memref<163840x128xf32, #tpu.memory_space<hbm>>, %arg5: memref<40x128xi32, #tpu.memory_space<vmem>>, %arg6: memref<2x128x128xf32, #tpu.memory_space<vmem>>, %arg7: memref<10240x128xf32, #tpu.memory_space<vmem_shared>>, %arg8: memref<2x!tpu.dma_semaphore, #tpu.memory_space<semaphore_mem>>, %arg9: memref<2x!tpu.dma_semaphore, #tpu.memory_space<semaphore_mem>>) attributes {dimension_semantics = [#tpu.dimension_semantics<core_parallel>, #tpu.dimension_semantics<subcore_parallel>], iteration_bounds = array<i64: 2, 16>, scalar_prefetch = 0 : i64, scratch_operands = 5 : i64, tpu.core_type = #tpu.core_type<sc_vector_subcore>, window_params = [{transform_indices = #map}, {transform_indices = #map1}, {transform_indices = #map}]} {
    %mul3A = arith.constant 16 : i32
    %mul3A_0 = arith.muli %arg0, %mul3A : i32
    %add3A = arith.addi %mul3A_0, %arg1 : i32
    %mul3A_1 = arith.constant 5120 : i32
    %mul3A_2 = arith.muli %add3A, %mul3A_1 : i32
    %mul3A_3 = arith.constant 640 : i32
    %mul3A_4 = arith.muli %arg1, %mul3A_3 : i32
    %mul3A_5 = arith.constant 640 : i32
    %mul3A_6 = arith.muli %arg1, %mul3A_5 : i32
    "tpu.region"() ({
      %run_scoped3A = tpu.sem_alloc : memref<!tpu.dma_semaphore, #tpu.memory_space<semaphore_mem>>
      %dma_start3A_138 = arith.constant 0 : i32
      %dma_start3A_139 = tpu.memref_slice %arg7[%mul3A_6, %dma_start3A_138] : memref<10240x128xf32, #tpu.memory_space<vmem_shared>> -> memref<640x128xf32, #tpu.memory_space<vmem_shared>>
      %dma_start3A_140 = arith.constant 0 : i32
      %dma_start3A_141 = tpu.memref_slice %arg2[%mul3A_4, %dma_start3A_140] : memref<10240x128xf32, #tpu.memory_space<hbm>> -> memref<640x128xf32, #tpu.memory_space<hbm>>
      tpu.enqueue_dma source(%dma_start3A_141 : memref<640x128xf32, #tpu.memory_space<hbm>>) target(%dma_start3A_139 : memref<640x128xf32, #tpu.memory_space<vmem_shared>>) target_semaphore(%run_scoped3A : memref<!tpu.dma_semaphore, #tpu.memory_space<semaphore_mem>>)
      %dma_wait3A_142 = arith.constant 0 : i32
      %dma_wait3A_143 = tpu.memref_slice %arg7[%mul3A_6, %dma_wait3A_142] : memref<10240x128xf32, #tpu.memory_space<vmem_shared>> -> memref<640x128xf32, #tpu.memory_space<vmem_shared>>
      %dma_wait3A_144 = arith.constant 0 : i32
      %dma_wait3A_145 = tpu.memref_slice %arg2[%mul3A_4, %dma_wait3A_144] : memref<10240x128xf32, #tpu.memory_space<hbm>> -> memref<640x128xf32, #tpu.memory_space<hbm>>
      tpu.wait_dma2 semaphore(%run_scoped3A : memref<!tpu.dma_semaphore, #tpu.memory_space<semaphore_mem>>) src(%dma_wait3A_145 : memref<640x128xf32, #tpu.memory_space<hbm>>) dst(%dma_wait3A_143 : memref<640x128xf32, #tpu.memory_space<vmem_shared>>)
      tpu.yield
    }) : () -> ()
    "tpu.region"() ({
      %run_scoped3A = tpu.sem_alloc : memref<!tpu.dma_semaphore, #tpu.memory_space<semaphore_mem>>
      %dma_start3A_138 = arith.constant 0 : i32
      %dma_start3A_139 = arith.constant 0 : i32
      %dma_start3A_140 = tpu.memref_slice %arg3[%add3A, %dma_start3A_138, %dma_start3A_139] : memref<32x40x128xi32, #tpu.memory_space<hbm>> -> memref<1x40x128xi32, #tpu.memory_space<hbm>>
      %dma_start3A_141 = tpu.memref_squeeze %dma_start3A_140 : memref<1x40x128xi32, #tpu.memory_space<hbm>> -> memref<40x128xi32, #tpu.memory_space<hbm>>
      %dma_start3A_142 = arith.constant 0 : i32
      %dma_start3A_143 = arith.constant 0 : i32
      %dma_start3A_144 = tpu.memref_slice %arg3[%add3A, %dma_start3A_142, %dma_start3A_143] : memref<32x40x128xi32, #tpu.memory_space<hbm>> -> memref<1x40x128xi32, #tpu.memory_space<hbm>>
      %dma_start3A_145 = tpu.memref_squeeze %dma_start3A_144 : memref<1x40x128xi32, #tpu.memory_space<hbm>> -> memref<40x128xi32, #tpu.memory_space<hbm>>
      tpu.enqueue_dma source(%dma_start3A_145 : memref<40x128xi32, #tpu.memory_space<hbm>>) target(%arg5 : memref<40x128xi32, #tpu.memory_space<vmem>>) target_semaphore(%run_scoped3A : memref<!tpu.dma_semaphore, #tpu.memory_space<semaphore_mem>>)
      %dma_wait3A_146 = arith.constant 0 : i32
      %dma_wait3A_147 = arith.constant 0 : i32
      %dma_wait3A_148 = tpu.memref_slice %arg3[%add3A, %dma_wait3A_146, %dma_wait3A_147] : memref<32x40x128xi32, #tpu.memory_space<hbm>> -> memref<1x40x128xi32, #tpu.memory_space<hbm>>
      %dma_wait3A_149 = tpu.memref_squeeze %dma_wait3A_148 : memref<1x40x128xi32, #tpu.memory_space<hbm>> -> memref<40x128xi32, #tpu.memory_space<hbm>>
      %dma_wait3A_150 = arith.constant 0 : i32
      %dma_wait3A_151 = arith.constant 0 : i32
      %dma_wait3A_152 = tpu.memref_slice %arg3[%add3A, %dma_wait3A_150, %dma_wait3A_151] : memref<32x40x128xi32, #tpu.memory_space<hbm>> -> memref<1x40x128xi32, #tpu.memory_space<hbm>>
      %dma_wait3A_153 = tpu.memref_squeeze %dma_wait3A_152 : memref<1x40x128xi32, #tpu.memory_space<hbm>> -> memref<40x128xi32, #tpu.memory_space<hbm>>
      tpu.wait_dma2 semaphore(%run_scoped3A : memref<!tpu.dma_semaphore, #tpu.memory_space<semaphore_mem>>) src(%dma_wait3A_153 : memref<40x128xi32, #tpu.memory_space<hbm>>) dst(%arg5 : memref<40x128xi32, #tpu.memory_space<vmem>>)
      tpu.yield
    }) : () -> ()
    %barrier3A = arith.constant 0 : index
    tpu.barrier barrier_id(%barrier3A)
    %dma_start3A = arith.constant 0 : i32
    %dma_start3A_7 = arith.constant 0 : i32
    %dma_start3A_8 = arith.constant 0 : i32
    %dma_start3A_9 = arith.constant 0 : i32
    %dma_start3A_10 = arith.constant 0 : i32
    %dma_start3A_11 = tpu.memref_slice %arg6[%dma_start3A_7, %dma_start3A_9, %dma_start3A_10] : memref<2x128x128xf32, #tpu.memory_space<vmem>> -> memref<1x128x128xf32, #tpu.memory_space<vmem>>
    %dma_start3A_12 = tpu.memref_squeeze %dma_start3A_11 : memref<1x128x128xf32, #tpu.memory_space<vmem>> -> memref<128x128xf32, #tpu.memory_space<vmem>>
    %dma_start3A_13 = arith.constant 0 : i32
    %dma_start3A_14 = tpu.memref_slice %arg5[%dma_start3A, %dma_start3A_13] : memref<40x128xi32, #tpu.memory_space<vmem>> -> memref<1x128xi32, #tpu.memory_space<vmem>>
    %dma_start3A_15 = tpu.memref_squeeze %dma_start3A_14 : memref<1x128xi32, #tpu.memory_space<vmem>> -> memref<128xi32, #tpu.memory_space<vmem>>
    %dma_start3A_16 = arith.constant 0 : i32
    %dma_start3A_17 = arith.constant 0 : i32
    %dma_start3A_18 = tpu.memref_slice %arg7[%dma_start3A_16, %dma_start3A_17] : memref<10240x128xf32, #tpu.memory_space<vmem_shared>> -> memref<10240x128xf32, #tpu.memory_space<vmem_shared>>
    %dma_start3A_19 = tpu.memref_slice %arg8[%dma_start3A_8] : memref<2x!tpu.dma_semaphore, #tpu.memory_space<semaphore_mem>> -> memref<1x!tpu.dma_semaphore, #tpu.memory_space<semaphore_mem>>
    %dma_start3A_20 = tpu.memref_squeeze %dma_start3A_19 : memref<1x!tpu.dma_semaphore, #tpu.memory_space<semaphore_mem>> -> memref<!tpu.dma_semaphore, #tpu.memory_space<semaphore_mem>>
    tpu.enqueue_indirect_dma source(%dma_start3A_18 : memref<10240x128xf32, #tpu.memory_space<vmem_shared>>) target(%dma_start3A_12 : memref<128x128xf32, #tpu.memory_space<vmem>>) offsets(%dma_start3A_15 : memref<128xi32, #tpu.memory_space<vmem>>) semaphore(%dma_start3A_20 : memref<!tpu.dma_semaphore, #tpu.memory_space<semaphore_mem>>)
    %dma_start3A_21 = arith.constant 1 : i32
    %dma_start3A_22 = arith.constant 1 : i32
    %dma_start3A_23 = arith.constant 1 : i32
    %dma_start3A_24 = arith.constant 0 : i32
    %dma_start3A_25 = arith.constant 0 : i32
    %dma_start3A_26 = tpu.memref_slice %arg6[%dma_start3A_22, %dma_start3A_24, %dma_start3A_25] : memref<2x128x128xf32, #tpu.memory_space<vmem>> -> memref<1x128x128xf32, #tpu.memory_space<vmem>>
    %dma_start3A_27 = tpu.memref_squeeze %dma_start3A_26 : memref<1x128x128xf32, #tpu.memory_space<vmem>> -> memref<128x128xf32, #tpu.memory_space<vmem>>
    %dma_start3A_28 = arith.constant 0 : i32
    %dma_start3A_29 = tpu.memref_slice %arg5[%dma_start3A_21, %dma_start3A_28] : memref<40x128xi32, #tpu.memory_space<vmem>> -> memref<1x128xi32, #tpu.memory_space<vmem>>
    %dma_start3A_30 = tpu.memref_squeeze %dma_start3A_29 : memref<1x128xi32, #tpu.memory_space<vmem>> -> memref<128xi32, #tpu.memory_space<vmem>>
    %dma_start3A_31 = arith.constant 0 : i32
    %dma_start3A_32 = arith.constant 0 : i32
    %dma_start3A_33 = tpu.memref_slice %arg7[%dma_start3A_31, %dma_start3A_32] : memref<10240x128xf32, #tpu.memory_space<vmem_shared>> -> memref<10240x128xf32, #tpu.memory_space<vmem_shared>>
    %dma_start3A_34 = tpu.memref_slice %arg8[%dma_start3A_23] : memref<2x!tpu.dma_semaphore, #tpu.memory_space<semaphore_mem>> -> memref<1x!tpu.dma_semaphore, #tpu.memory_space<semaphore_mem>>
    %dma_start3A_35 = tpu.memref_squeeze %dma_start3A_34 : memref<1x!tpu.dma_semaphore, #tpu.memory_space<semaphore_mem>> -> memref<!tpu.dma_semaphore, #tpu.memory_space<semaphore_mem>>
    tpu.enqueue_indirect_dma source(%dma_start3A_33 : memref<10240x128xf32, #tpu.memory_space<vmem_shared>>) target(%dma_start3A_27 : memref<128x128xf32, #tpu.memory_space<vmem>>) offsets(%dma_start3A_30 : memref<128xi32, #tpu.memory_space<vmem>>) semaphore(%dma_start3A_35 : memref<!tpu.dma_semaphore, #tpu.memory_space<semaphore_mem>>)
    %scan3A = arith.constant 0 : i32
    %scan3A_36 = arith.constant 0 : i32
    %scan3A_37 = arith.constant 19 : i32
    %scan3A_38 = arith.addi %scan3A_36, %scan3A_37 : i32
    %scan3A_39 = arith.constant 1 : i32
    scf.for %scan3A_138 = %scan3A_36 to %scan3A_38 step %scan3A_39  : i32 {
      %mul3A_139 = arith.constant 2 : i32
      %mul3A_140 = arith.muli %scan3A_138, %mul3A_139 : i32
      %add3A_141 = arith.constant 0 : i32
      %add3A_142 = arith.addi %mul3A_140, %add3A_141 : i32
      %dma_wait3A_143 = arith.constant 0 : i32
      %dma_wait3A_144 = arith.constant 0 : i32
      %dma_wait3A_145 = arith.constant 0 : i32
      %dma_wait3A_146 = arith.constant 0 : i32
      %dma_wait3A_147 = tpu.memref_slice %arg6[%dma_wait3A_143, %dma_wait3A_145, %dma_wait3A_146] : memref<2x128x128xf32, #tpu.memory_space<vmem>> -> memref<1x128x128xf32, #tpu.memory_space<vmem>>
      %dma_wait3A_148 = tpu.memref_squeeze %dma_wait3A_147 : memref<1x128x128xf32, #tpu.memory_space<vmem>> -> memref<128x128xf32, #tpu.memory_space<vmem>>
      %dma_wait3A_149 = arith.constant 0 : i32
      %dma_wait3A_150 = tpu.memref_slice %arg5[%add3A_142, %dma_wait3A_149] : memref<40x128xi32, #tpu.memory_space<vmem>> -> memref<1x128xi32, #tpu.memory_space<vmem>>
      %dma_wait3A_151 = tpu.memref_squeeze %dma_wait3A_150 : memref<1x128xi32, #tpu.memory_space<vmem>> -> memref<128xi32, #tpu.memory_space<vmem>>
      %dma_wait3A_152 = arith.constant 0 : i32
      %dma_wait3A_153 = arith.constant 0 : i32
      %dma_wait3A_154 = tpu.memref_slice %arg7[%dma_wait3A_152, %dma_wait3A_153] : memref<10240x128xf32, #tpu.memory_space<vmem_shared>> -> memref<10240x128xf32, #tpu.memory_space<vmem_shared>>
      %dma_wait3A_155 = tpu.memref_slice %arg8[%dma_wait3A_144] : memref<2x!tpu.dma_semaphore, #tpu.memory_space<semaphore_mem>> -> memref<1x!tpu.dma_semaphore, #tpu.memory_space<semaphore_mem>>
      %dma_wait3A_156 = tpu.memref_squeeze %dma_wait3A_155 : memref<1x!tpu.dma_semaphore, #tpu.memory_space<semaphore_mem>> -> memref<!tpu.dma_semaphore, #tpu.memory_space<semaphore_mem>>
      tpu.wait_indirect_dma semaphore(%dma_wait3A_156 : memref<!tpu.dma_semaphore, #tpu.memory_space<semaphore_mem>>) src(%dma_wait3A_154 : memref<10240x128xf32, #tpu.memory_space<vmem_shared>>) dst(%dma_wait3A_148 : memref<128x128xf32, #tpu.memory_space<vmem>>)
      %mul3A_157 = arith.constant 128 : i32
      %mul3A_158 = arith.muli %add3A_142, %mul3A_157 : i32
      %add3A_159 = arith.addi %mul3A_2, %mul3A_158 : i32
      %dma_start3A_160 = arith.constant 0 : i32
      %dma_start3A_161 = arith.constant 0 : i32
      %dma_start3A_162 = arith.constant 0 : i32
      %dma_start3A_163 = arith.constant 0 : i32
      %dma_start3A_164 = tpu.memref_slice %arg6[%dma_start3A_160, %dma_start3A_162, %dma_start3A_163] : memref<2x128x128xf32, #tpu.memory_space<vmem>> -> memref<1x128x128xf32, #tpu.memory_space<vmem>>
      %dma_start3A_165 = tpu.memref_squeeze %dma_start3A_164 : memref<1x128x128xf32, #tpu.memory_space<vmem>> -> memref<128x128xf32, #tpu.memory_space<vmem>>
      %dma_start3A_166 = arith.constant 0 : i32
      %dma_start3A_167 = tpu.memref_slice %arg4[%add3A_159, %dma_start3A_166] : memref<163840x128xf32, #tpu.memory_space<hbm>> -> memref<128x128xf32, #tpu.memory_space<hbm>>
      %dma_start3A_168 = tpu.memref_slice %arg9[%dma_start3A_161] : memref<2x!tpu.dma_semaphore, #tpu.memory_space<semaphore_mem>> -> memref<1x!tpu.dma_semaphore, #tpu.memory_space<semaphore_mem>>
      %dma_start3A_169 = tpu.memref_squeeze %dma_start3A_168 : memref<1x!tpu.dma_semaphore, #tpu.memory_space<semaphore_mem>> -> memref<!tpu.dma_semaphore, #tpu.memory_space<semaphore_mem>>
      %dma_start3A_170 = arith.constant 0 : i32
      %dma_start3A_171 = tpu.memref_slice %arg4[%add3A_159, %dma_start3A_170] : memref<163840x128xf32, #tpu.memory_space<hbm>> -> memref<128x128xf32, #tpu.memory_space<hbm>>
      %dma_start3A_172 = arith.constant 0 : i32
      %dma_start3A_173 = arith.constant 0 : i32
      %dma_start3A_174 = tpu.memref_slice %arg6[%dma_start3A_160, %dma_start3A_172, %dma_start3A_173] : memref<2x128x128xf32, #tpu.memory_space<vmem>> -> memref<1x128x128xf32, #tpu.memory_space<vmem>>
      %dma_start3A_175 = tpu.memref_squeeze %dma_start3A_174 : memref<1x128x128xf32, #tpu.memory_space<vmem>> -> memref<128x128xf32, #tpu.memory_space<vmem>>
      tpu.enqueue_dma source(%dma_start3A_175 : memref<128x128xf32, #tpu.memory_space<vmem>>) target(%dma_start3A_171 : memref<128x128xf32, #tpu.memory_space<hbm>>) target_semaphore(%dma_start3A_169 : memref<!tpu.dma_semaphore, #tpu.memory_space<semaphore_mem>>)
      %mul3A_176 = arith.constant 2 : i32
      %mul3A_177 = arith.muli %scan3A_138, %mul3A_176 : i32
      %add3A_178 = arith.constant 1 : i32
      %add3A_179 = arith.addi %mul3A_177, %add3A_178 : i32
      %dma_wait3A_180 = arith.constant 1 : i32
      %dma_wait3A_181 = arith.constant 1 : i32
      %dma_wait3A_182 = arith.constant 0 : i32
      %dma_wait3A_183 = arith.constant 0 : i32
      %dma_wait3A_184 = tpu.memref_slice %arg6[%dma_wait3A_180, %dma_wait3A_182, %dma_wait3A_183] : memref<2x128x128xf32, #tpu.memory_space<vmem>> -> memref<1x128x128xf32, #tpu.memory_space<vmem>>
      %dma_wait3A_185 = tpu.memref_squeeze %dma_wait3A_184 : memref<1x128x128xf32, #tpu.memory_space<vmem>> -> memref<128x128xf32, #tpu.memory_space<vmem>>
      %dma_wait3A_186 = arith.constant 0 : i32
      %dma_wait3A_187 = tpu.memref_slice %arg5[%add3A_179, %dma_wait3A_186] : memref<40x128xi32, #tpu.memory_space<vmem>> -> memref<1x128xi32, #tpu.memory_space<vmem>>
      %dma_wait3A_188 = tpu.memref_squeeze %dma_wait3A_187 : memref<1x128xi32, #tpu.memory_space<vmem>> -> memref<128xi32, #tpu.memory_space<vmem>>
      %dma_wait3A_189 = arith.constant 0 : i32
      %dma_wait3A_190 = arith.constant 0 : i32
      %dma_wait3A_191 = tpu.memref_slice %arg7[%dma_wait3A_189, %dma_wait3A_190] : memref<10240x128xf32, #tpu.memory_space<vmem_shared>> -> memref<10240x128xf32, #tpu.memory_space<vmem_shared>>
      %dma_wait3A_192 = tpu.memref_slice %arg8[%dma_wait3A_181] : memref<2x!tpu.dma_semaphore, #tpu.memory_space<semaphore_mem>> -> memref<1x!tpu.dma_semaphore, #tpu.memory_space<semaphore_mem>>
      %dma_wait3A_193 = tpu.memref_squeeze %dma_wait3A_192 : memref<1x!tpu.dma_semaphore, #tpu.memory_space<semaphore_mem>> -> memref<!tpu.dma_semaphore, #tpu.memory_space<semaphore_mem>>
      tpu.wait_indirect_dma semaphore(%dma_wait3A_193 : memref<!tpu.dma_semaphore, #tpu.memory_space<semaphore_mem>>) src(%dma_wait3A_191 : memref<10240x128xf32, #tpu.memory_space<vmem_shared>>) dst(%dma_wait3A_185 : memref<128x128xf32, #tpu.memory_space<vmem>>)
      %mul3A_194 = arith.constant 128 : i32
      %mul3A_195 = arith.muli %add3A_179, %mul3A_194 : i32
      %add3A_196 = arith.addi %mul3A_2, %mul3A_195 : i32
      %dma_start3A_197 = arith.constant 1 : i32
      %dma_start3A_198 = arith.constant 1 : i32
      %dma_start3A_199 = arith.constant 0 : i32
      %dma_start3A_200 = arith.constant 0 : i32
      %dma_start3A_201 = tpu.memref_slice %arg6[%dma_start3A_197, %dma_start3A_199, %dma_start3A_200] : memref<2x128x128xf32, #tpu.memory_space<vmem>> -> memref<1x128x128xf32, #tpu.memory_space<vmem>>
      %dma_start3A_202 = tpu.memref_squeeze %dma_start3A_201 : memref<1x128x128xf32, #tpu.memory_space<vmem>> -> memref<128x128xf32, #tpu.memory_space<vmem>>
      %dma_start3A_203 = arith.constant 0 : i32
      %dma_start3A_204 = tpu.memref_slice %arg4[%add3A_196, %dma_start3A_203] : memref<163840x128xf32, #tpu.memory_space<hbm>> -> memref<128x128xf32, #tpu.memory_space<hbm>>
      %dma_start3A_205 = tpu.memref_slice %arg9[%dma_start3A_198] : memref<2x!tpu.dma_semaphore, #tpu.memory_space<semaphore_mem>> -> memref<1x!tpu.dma_semaphore, #tpu.memory_space<semaphore_mem>>
      %dma_start3A_206 = tpu.memref_squeeze %dma_start3A_205 : memref<1x!tpu.dma_semaphore, #tpu.memory_space<semaphore_mem>> -> memref<!tpu.dma_semaphore, #tpu.memory_space<semaphore_mem>>
      %dma_start3A_207 = arith.constant 0 : i32
      %dma_start3A_208 = tpu.memref_slice %arg4[%add3A_196, %dma_start3A_207] : memref<163840x128xf32, #tpu.memory_space<hbm>> -> memref<128x128xf32, #tpu.memory_space<hbm>>
      %dma_start3A_209 = arith.constant 0 : i32
      %dma_start3A_210 = arith.constant 0 : i32
      %dma_start3A_211 = tpu.memref_slice %arg6[%dma_start3A_197, %dma_start3A_209, %dma_start3A_210] : memref<2x128x128xf32, #tpu.memory_space<vmem>> -> memref<1x128x128xf32, #tpu.memory_space<vmem>>
      %dma_start3A_212 = tpu.memref_squeeze %dma_start3A_211 : memref<1x128x128xf32, #tpu.memory_space<vmem>> -> memref<128x128xf32, #tpu.memory_space<vmem>>
      tpu.enqueue_dma source(%dma_start3A_212 : memref<128x128xf32, #tpu.memory_space<vmem>>) target(%dma_start3A_208 : memref<128x128xf32, #tpu.memory_space<hbm>>) target_semaphore(%dma_start3A_206 : memref<!tpu.dma_semaphore, #tpu.memory_space<semaphore_mem>>)
      %add3A_213 = arith.constant 1 : i32
      %add3A_214 = arith.addi %scan3A_138, %add3A_213 : i32
      %mul3A_215 = arith.constant 2 : i32
      %mul3A_216 = arith.muli %add3A_214, %mul3A_215 : i32
      %add3A_217 = arith.constant 0 : i32
      %add3A_218 = arith.addi %mul3A_216, %add3A_217 : i32
      %dma_wait3A_219 = arith.constant 0 : i32
      %dma_wait3A_220 = arith.constant 0 : i32
      %dma_wait3A_221 = arith.constant 0 : i32
      %dma_wait3A_222 = arith.constant 0 : i32
      %dma_wait3A_223 = tpu.memref_slice %arg6[%dma_wait3A_219, %dma_wait3A_221, %dma_wait3A_222] : memref<2x128x128xf32, #tpu.memory_space<vmem>> -> memref<1x128x128xf32, #tpu.memory_space<vmem>>
      %dma_wait3A_224 = tpu.memref_squeeze %dma_wait3A_223 : memref<1x128x128xf32, #tpu.memory_space<vmem>> -> memref<128x128xf32, #tpu.memory_space<vmem>>
      %dma_wait3A_225 = arith.constant 0 : i32
      %dma_wait3A_226 = tpu.memref_slice %arg4[%mul3A_2, %dma_wait3A_225] : memref<163840x128xf32, #tpu.memory_space<hbm>> -> memref<128x128xf32, #tpu.memory_space<hbm>>
      %dma_wait3A_227 = tpu.memref_slice %arg9[%dma_wait3A_220] : memref<2x!tpu.dma_semaphore, #tpu.memory_space<semaphore_mem>> -> memref<1x!tpu.dma_semaphore, #tpu.memory_space<semaphore_mem>>
      %dma_wait3A_228 = tpu.memref_squeeze %dma_wait3A_227 : memref<1x!tpu.dma_semaphore, #tpu.memory_space<semaphore_mem>> -> memref<!tpu.dma_semaphore, #tpu.memory_space<semaphore_mem>>
      %dma_wait3A_229 = arith.constant 0 : i32
      %dma_wait3A_230 = tpu.memref_slice %arg4[%mul3A_2, %dma_wait3A_229] : memref<163840x128xf32, #tpu.memory_space<hbm>> -> memref<128x128xf32, #tpu.memory_space<hbm>>
      %dma_wait3A_231 = arith.constant 0 : i32
      %dma_wait3A_232 = arith.constant 0 : i32
      %dma_wait3A_233 = tpu.memref_slice %arg6[%dma_wait3A_219, %dma_wait3A_231, %dma_wait3A_232] : memref<2x128x128xf32, #tpu.memory_space<vmem>> -> memref<1x128x128xf32, #tpu.memory_space<vmem>>
      %dma_wait3A_234 = tpu.memref_squeeze %dma_wait3A_233 : memref<1x128x128xf32, #tpu.memory_space<vmem>> -> memref<128x128xf32, #tpu.memory_space<vmem>>
      tpu.wait_dma2 semaphore(%dma_wait3A_228 : memref<!tpu.dma_semaphore, #tpu.memory_space<semaphore_mem>>) src(%dma_wait3A_234 : memref<128x128xf32, #tpu.memory_space<vmem>>) dst(%dma_wait3A_230 : memref<128x128xf32, #tpu.memory_space<hbm>>)
      %dma_start3A_235 = arith.constant 0 : i32
      %dma_start3A_236 = arith.constant 0 : i32
      %dma_start3A_237 = arith.constant 0 : i32
      %dma_start3A_238 = arith.constant 0 : i32
      %dma_start3A_239 = tpu.memref_slice %arg6[%dma_start3A_235, %dma_start3A_237, %dma_start3A_238] : memref<2x128x128xf32, #tpu.memory_space<vmem>> -> memref<1x128x128xf32, #tpu.memory_space<vmem>>
      %dma_start3A_240 = tpu.memref_squeeze %dma_start3A_239 : memref<1x128x128xf32, #tpu.memory_space<vmem>> -> memref<128x128xf32, #tpu.memory_space<vmem>>
      %dma_start3A_241 = arith.constant 0 : i32
      %dma_start3A_242 = tpu.memref_slice %arg5[%add3A_218, %dma_start3A_241] : memref<40x128xi32, #tpu.memory_space<vmem>> -> memref<1x128xi32, #tpu.memory_space<vmem>>
      %dma_start3A_243 = tpu.memref_squeeze %dma_start3A_242 : memref<1x128xi32, #tpu.memory_space<vmem>> -> memref<128xi32, #tpu.memory_space<vmem>>
      %dma_start3A_244 = arith.constant 0 : i32
      %dma_start3A_245 = arith.constant 0 : i32
      %dma_start3A_246 = tpu.memref_slice %arg7[%dma_start3A_244, %dma_start3A_245] : memref<10240x128xf32, #tpu.memory_space<vmem_shared>> -> memref<10240x128xf32, #tpu.memory_space<vmem_shared>>
      %dma_start3A_247 = tpu.memref_slice %arg8[%dma_start3A_236] : memref<2x!tpu.dma_semaphore, #tpu.memory_space<semaphore_mem>> -> memref<1x!tpu.dma_semaphore, #tpu.memory_space<semaphore_mem>>
      %dma_start3A_248 = tpu.memref_squeeze %dma_start3A_247 : memref<1x!tpu.dma_semaphore, #tpu.memory_space<semaphore_mem>> -> memref<!tpu.dma_semaphore, #tpu.memory_space<semaphore_mem>>
      tpu.enqueue_indirect_dma source(%dma_start3A_246 : memref<10240x128xf32, #tpu.memory_space<vmem_shared>>) target(%dma_start3A_240 : memref<128x128xf32, #tpu.memory_space<vmem>>) offsets(%dma_start3A_243 : memref<128xi32, #tpu.memory_space<vmem>>) semaphore(%dma_start3A_248 : memref<!tpu.dma_semaphore, #tpu.memory_space<semaphore_mem>>)
      %add3A_249 = arith.constant 1 : i32
      %add3A_250 = arith.addi %scan3A_138, %add3A_249 : i32
      %mul3A_251 = arith.constant 2 : i32
      %mul3A_252 = arith.muli %add3A_250, %mul3A_251 : i32
      %add3A_253 = arith.constant 1 : i32
      %add3A_254 = arith.addi %mul3A_252, %add3A_253 : i32
      %dma_wait3A_255 = arith.constant 1 : i32
      %dma_wait3A_256 = arith.constant 1 : i32
      %dma_wait3A_257 = arith.constant 0 : i32
      %dma_wait3A_258 = arith.constant 0 : i32
      %dma_wait3A_259 = tpu.memref_slice %arg6[%dma_wait3A_255, %dma_wait3A_257, %dma_wait3A_258] : memref<2x128x128xf32, #tpu.memory_space<vmem>> -> memref<1x128x128xf32, #tpu.memory_space<vmem>>
      %dma_wait3A_260 = tpu.memref_squeeze %dma_wait3A_259 : memref<1x128x128xf32, #tpu.memory_space<vmem>> -> memref<128x128xf32, #tpu.memory_space<vmem>>
      %dma_wait3A_261 = arith.constant 0 : i32
      %dma_wait3A_262 = tpu.memref_slice %arg4[%mul3A_2, %dma_wait3A_261] : memref<163840x128xf32, #tpu.memory_space<hbm>> -> memref<128x128xf32, #tpu.memory_space<hbm>>
      %dma_wait3A_263 = tpu.memref_slice %arg9[%dma_wait3A_256] : memref<2x!tpu.dma_semaphore, #tpu.memory_space<semaphore_mem>> -> memref<1x!tpu.dma_semaphore, #tpu.memory_space<semaphore_mem>>
      %dma_wait3A_264 = tpu.memref_squeeze %dma_wait3A_263 : memref<1x!tpu.dma_semaphore, #tpu.memory_space<semaphore_mem>> -> memref<!tpu.dma_semaphore, #tpu.memory_space<semaphore_mem>>
      %dma_wait3A_265 = arith.constant 0 : i32
      %dma_wait3A_266 = tpu.memref_slice %arg4[%mul3A_2, %dma_wait3A_265] : memref<163840x128xf32, #tpu.memory_space<hbm>> -> memref<128x128xf32, #tpu.memory_space<hbm>>
      %dma_wait3A_267 = arith.constant 0 : i32
      %dma_wait3A_268 = arith.constant 0 : i32
      %dma_wait3A_269 = tpu.memref_slice %arg6[%dma_wait3A_255, %dma_wait3A_267, %dma_wait3A_268] : memref<2x128x128xf32, #tpu.memory_space<vmem>> -> memref<1x128x128xf32, #tpu.memory_space<vmem>>
      %dma_wait3A_270 = tpu.memref_squeeze %dma_wait3A_269 : memref<1x128x128xf32, #tpu.memory_space<vmem>> -> memref<128x128xf32, #tpu.memory_space<vmem>>
      tpu.wait_dma2 semaphore(%dma_wait3A_264 : memref<!tpu.dma_semaphore, #tpu.memory_space<semaphore_mem>>) src(%dma_wait3A_270 : memref<128x128xf32, #tpu.memory_space<vmem>>) dst(%dma_wait3A_266 : memref<128x128xf32, #tpu.memory_space<hbm>>)
      %dma_start3A_271 = arith.constant 1 : i32
      %dma_start3A_272 = arith.constant 1 : i32
      %dma_start3A_273 = arith.constant 0 : i32
      %dma_start3A_274 = arith.constant 0 : i32
      %dma_start3A_275 = tpu.memref_slice %arg6[%dma_start3A_271, %dma_start3A_273, %dma_start3A_274] : memref<2x128x128xf32, #tpu.memory_space<vmem>> -> memref<1x128x128xf32, #tpu.memory_space<vmem>>
      %dma_start3A_276 = tpu.memref_squeeze %dma_start3A_275 : memref<1x128x128xf32, #tpu.memory_space<vmem>> -> memref<128x128xf32, #tpu.memory_space<vmem>>
      %dma_start3A_277 = arith.constant 0 : i32
      %dma_start3A_278 = tpu.memref_slice %arg5[%add3A_254, %dma_start3A_277] : memref<40x128xi32, #tpu.memory_space<vmem>> -> memref<1x128xi32, #tpu.memory_space<vmem>>
      %dma_start3A_279 = tpu.memref_squeeze %dma_start3A_278 : memref<1x128xi32, #tpu.memory_space<vmem>> -> memref<128xi32, #tpu.memory_space<vmem>>
      %dma_start3A_280 = arith.constant 0 : i32
      %dma_start3A_281 = arith.constant 0 : i32
      %dma_start3A_282 = tpu.memref_slice %arg7[%dma_start3A_280, %dma_start3A_281] : memref<10240x128xf32, #tpu.memory_space<vmem_shared>> -> memref<10240x128xf32, #tpu.memory_space<vmem_shared>>
      %dma_start3A_283 = tpu.memref_slice %arg8[%dma_start3A_272] : memref<2x!tpu.dma_semaphore, #tpu.memory_space<semaphore_mem>> -> memref<1x!tpu.dma_semaphore, #tpu.memory_space<semaphore_mem>>
      %dma_start3A_284 = tpu.memref_squeeze %dma_start3A_283 : memref<1x!tpu.dma_semaphore, #tpu.memory_space<semaphore_mem>> -> memref<!tpu.dma_semaphore, #tpu.memory_space<semaphore_mem>>
      tpu.enqueue_indirect_dma source(%dma_start3A_282 : memref<10240x128xf32, #tpu.memory_space<vmem_shared>>) target(%dma_start3A_276 : memref<128x128xf32, #tpu.memory_space<vmem>>) offsets(%dma_start3A_279 : memref<128xi32, #tpu.memory_space<vmem>>) semaphore(%dma_start3A_284 : memref<!tpu.dma_semaphore, #tpu.memory_space<semaphore_mem>>)
    }
    %scan3A_40 = arith.constant 19 : i32
    %dma_wait3A = arith.constant 38 : i32
    %dma_wait3A_41 = arith.constant 0 : i32
    %dma_wait3A_42 = arith.constant 0 : i32
    %dma_wait3A_43 = arith.constant 0 : i32
    %dma_wait3A_44 = arith.constant 0 : i32
    %dma_wait3A_45 = tpu.memref_slice %arg6[%dma_wait3A_41, %dma_wait3A_43, %dma_wait3A_44] : memref<2x128x128xf32, #tpu.memory_space<vmem>> -> memref<1x128x128xf32, #tpu.memory_space<vmem>>
    %dma_wait3A_46 = tpu.memref_squeeze %dma_wait3A_45 : memref<1x128x128xf32, #tpu.memory_space<vmem>> -> memref<128x128xf32, #tpu.memory_space<vmem>>
    %dma_wait3A_47 = arith.constant 0 : i32
    %dma_wait3A_48 = tpu.memref_slice %arg5[%dma_wait3A, %dma_wait3A_47] : memref<40x128xi32, #tpu.memory_space<vmem>> -> memref<1x128xi32, #tpu.memory_space<vmem>>
    %dma_wait3A_49 = tpu.memref_squeeze %dma_wait3A_48 : memref<1x128xi32, #tpu.memory_space<vmem>> -> memref<128xi32, #tpu.memory_space<vmem>>
    %dma_wait3A_50 = arith.constant 0 : i32
    %dma_wait3A_51 = arith.constant 0 : i32
    %dma_wait3A_52 = tpu.memref_slice %arg7[%dma_wait3A_50, %dma_wait3A_51] : memref<10240x128xf32, #tpu.memory_space<vmem_shared>> -> memref<10240x128xf32, #tpu.memory_space<vmem_shared>>
    %dma_wait3A_53 = tpu.memref_slice %arg8[%dma_wait3A_42] : memref<2x!tpu.dma_semaphore, #tpu.memory_space<semaphore_mem>> -> memref<1x!tpu.dma_semaphore, #tpu.memory_space<semaphore_mem>>
    %dma_wait3A_54 = tpu.memref_squeeze %dma_wait3A_53 : memref<1x!tpu.dma_semaphore, #tpu.memory_space<semaphore_mem>> -> memref<!tpu.dma_semaphore, #tpu.memory_space<semaphore_mem>>
    tpu.wait_indirect_dma semaphore(%dma_wait3A_54 : memref<!tpu.dma_semaphore, #tpu.memory_space<semaphore_mem>>) src(%dma_wait3A_52 : memref<10240x128xf32, #tpu.memory_space<vmem_shared>>) dst(%dma_wait3A_46 : memref<128x128xf32, #tpu.memory_space<vmem>>)
    %add3A_55 = arith.constant 4864 : i32
    %add3A_56 = arith.addi %mul3A_2, %add3A_55 : i32
    %dma_start3A_57 = arith.constant 0 : i32
    %dma_start3A_58 = arith.constant 0 : i32
    %dma_start3A_59 = arith.constant 0 : i32
    %dma_start3A_60 = arith.constant 0 : i32
    %dma_start3A_61 = tpu.memref_slice %arg6[%dma_start3A_57, %dma_start3A_59, %dma_start3A_60] : memref<2x128x128xf32, #tpu.memory_space<vmem>> -> memref<1x128x128xf32, #tpu.memory_space<vmem>>
    %dma_start3A_62 = tpu.memref_squeeze %dma_start3A_61 : memref<1x128x128xf32, #tpu.memory_space<vmem>> -> memref<128x128xf32, #tpu.memory_space<vmem>>
    %dma_start3A_63 = arith.constant 0 : i32
    %dma_start3A_64 = tpu.memref_slice %arg4[%add3A_56, %dma_start3A_63] : memref<163840x128xf32, #tpu.memory_space<hbm>> -> memref<128x128xf32, #tpu.memory_space<hbm>>
    %dma_start3A_65 = tpu.memref_slice %arg9[%dma_start3A_58] : memref<2x!tpu.dma_semaphore, #tpu.memory_space<semaphore_mem>> -> memref<1x!tpu.dma_semaphore, #tpu.memory_space<semaphore_mem>>
    %dma_start3A_66 = tpu.memref_squeeze %dma_start3A_65 : memref<1x!tpu.dma_semaphore, #tpu.memory_space<semaphore_mem>> -> memref<!tpu.dma_semaphore, #tpu.memory_space<semaphore_mem>>
    %dma_start3A_67 = arith.constant 0 : i32
    %dma_start3A_68 = tpu.memref_slice %arg4[%add3A_56, %dma_start3A_67] : memref<163840x128xf32, #tpu.memory_space<hbm>> -> memref<128x128xf32, #tpu.memory_space<hbm>>
    %dma_start3A_69 = arith.constant 0 : i32
    %dma_start3A_70 = arith.constant 0 : i32
    %dma_start3A_71 = tpu.memref_slice %arg6[%dma_start3A_57, %dma_start3A_69, %dma_start3A_70] : memref<2x128x128xf32, #tpu.memory_space<vmem>> -> memref<1x128x128xf32, #tpu.memory_space<vmem>>
    %dma_start3A_72 = tpu.memref_squeeze %dma_start3A_71 : memref<1x128x128xf32, #tpu.memory_space<vmem>> -> memref<128x128xf32, #tpu.memory_space<vmem>>
    tpu.enqueue_dma source(%dma_start3A_72 : memref<128x128xf32, #tpu.memory_space<vmem>>) target(%dma_start3A_68 : memref<128x128xf32, #tpu.memory_space<hbm>>) target_semaphore(%dma_start3A_66 : memref<!tpu.dma_semaphore, #tpu.memory_space<semaphore_mem>>)
    %dma_wait3A_73 = arith.constant 39 : i32
    %dma_wait3A_74 = arith.constant 1 : i32
    %dma_wait3A_75 = arith.constant 1 : i32
    %dma_wait3A_76 = arith.constant 0 : i32
    %dma_wait3A_77 = arith.constant 0 : i32
    %dma_wait3A_78 = tpu.memref_slice %arg6[%dma_wait3A_74, %dma_wait3A_76, %dma_wait3A_77] : memref<2x128x128xf32, #tpu.memory_space<vmem>> -> memref<1x128x128xf32, #tpu.memory_space<vmem>>
    %dma_wait3A_79 = tpu.memref_squeeze %dma_wait3A_78 : memref<1x128x128xf32, #tpu.memory_space<vmem>> -> memref<128x128xf32, #tpu.memory_space<vmem>>
    %dma_wait3A_80 = arith.constant 0 : i32
    %dma_wait3A_81 = tpu.memref_slice %arg5[%dma_wait3A_73, %dma_wait3A_80] : memref<40x128xi32, #tpu.memory_space<vmem>> -> memref<1x128xi32, #tpu.memory_space<vmem>>
    %dma_wait3A_82 = tpu.memref_squeeze %dma_wait3A_81 : memref<1x128xi32, #tpu.memory_space<vmem>> -> memref<128xi32, #tpu.memory_space<vmem>>
    %dma_wait3A_83 = arith.constant 0 : i32
    %dma_wait3A_84 = arith.constant 0 : i32
    %dma_wait3A_85 = tpu.memref_slice %arg7[%dma_wait3A_83, %dma_wait3A_84] : memref<10240x128xf32, #tpu.memory_space<vmem_shared>> -> memref<10240x128xf32, #tpu.memory_space<vmem_shared>>
    %dma_wait3A_86 = tpu.memref_slice %arg8[%dma_wait3A_75] : memref<2x!tpu.dma_semaphore, #tpu.memory_space<semaphore_mem>> -> memref<1x!tpu.dma_semaphore, #tpu.memory_space<semaphore_mem>>
    %dma_wait3A_87 = tpu.memref_squeeze %dma_wait3A_86 : memref<1x!tpu.dma_semaphore, #tpu.memory_space<semaphore_mem>> -> memref<!tpu.dma_semaphore, #tpu.memory_space<semaphore_mem>>
    tpu.wait_indirect_dma semaphore(%dma_wait3A_87 : memref<!tpu.dma_semaphore, #tpu.memory_space<semaphore_mem>>) src(%dma_wait3A_85 : memref<10240x128xf32, #tpu.memory_space<vmem_shared>>) dst(%dma_wait3A_79 : memref<128x128xf32, #tpu.memory_space<vmem>>)
    %add3A_88 = arith.constant 4992 : i32
    %add3A_89 = arith.addi %mul3A_2, %add3A_88 : i32
    %dma_start3A_90 = arith.constant 1 : i32
    %dma_start3A_91 = arith.constant 1 : i32
    %dma_start3A_92 = arith.constant 0 : i32
    %dma_start3A_93 = arith.constant 0 : i32
    %dma_start3A_94 = tpu.memref_slice %arg6[%dma_start3A_90, %dma_start3A_92, %dma_start3A_93] : memref<2x128x128xf32, #tpu.memory_space<vmem>> -> memref<1x128x128xf32, #tpu.memory_space<vmem>>
    %dma_start3A_95 = tpu.memref_squeeze %dma_start3A_94 : memref<1x128x128xf32, #tpu.memory_space<vmem>> -> memref<128x128xf32, #tpu.memory_space<vmem>>
    %dma_start3A_96 = arith.constant 0 : i32
    %dma_start3A_97 = tpu.memref_slice %arg4[%add3A_89, %dma_start3A_96] : memref<163840x128xf32, #tpu.memory_space<hbm>> -> memref<128x128xf32, #tpu.memory_space<hbm>>
    %dma_start3A_98 = tpu.memref_slice %arg9[%dma_start3A_91] : memref<2x!tpu.dma_semaphore, #tpu.memory_space<semaphore_mem>> -> memref<1x!tpu.dma_semaphore, #tpu.memory_space<semaphore_mem>>
    %dma_start3A_99 = tpu.memref_squeeze %dma_start3A_98 : memref<1x!tpu.dma_semaphore, #tpu.memory_space<semaphore_mem>> -> memref<!tpu.dma_semaphore, #tpu.memory_space<semaphore_mem>>
    %dma_start3A_100 = arith.constant 0 : i32
    %dma_start3A_101 = tpu.memref_slice %arg4[%add3A_89, %dma_start3A_100] : memref<163840x128xf32, #tpu.memory_space<hbm>> -> memref<128x128xf32, #tpu.memory_space<hbm>>
    %dma_start3A_102 = arith.constant 0 : i32
    %dma_start3A_103 = arith.constant 0 : i32
    %dma_start3A_104 = tpu.memref_slice %arg6[%dma_start3A_90, %dma_start3A_102, %dma_start3A_103] : memref<2x128x128xf32, #tpu.memory_space<vmem>> -> memref<1x128x128xf32, #tpu.memory_space<vmem>>
    %dma_start3A_105 = tpu.memref_squeeze %dma_start3A_104 : memref<1x128x128xf32, #tpu.memory_space<vmem>> -> memref<128x128xf32, #tpu.memory_space<vmem>>
    tpu.enqueue_dma source(%dma_start3A_105 : memref<128x128xf32, #tpu.memory_space<vmem>>) target(%dma_start3A_101 : memref<128x128xf32, #tpu.memory_space<hbm>>) target_semaphore(%dma_start3A_99 : memref<!tpu.dma_semaphore, #tpu.memory_space<semaphore_mem>>)
    %dma_wait3A_106 = arith.constant 0 : i32
    %dma_wait3A_107 = arith.constant 0 : i32
    %dma_wait3A_108 = arith.constant 0 : i32
    %dma_wait3A_109 = arith.constant 0 : i32
    %dma_wait3A_110 = tpu.memref_slice %arg6[%dma_wait3A_106, %dma_wait3A_108, %dma_wait3A_109] : memref<2x128x128xf32, #tpu.memory_space<vmem>> -> memref<1x128x128xf32, #tpu.memory_space<vmem>>
    %dma_wait3A_111 = tpu.memref_squeeze %dma_wait3A_110 : memref<1x128x128xf32, #tpu.memory_space<vmem>> -> memref<128x128xf32, #tpu.memory_space<vmem>>
    %dma_wait3A_112 = arith.constant 0 : i32
    %dma_wait3A_113 = tpu.memref_slice %arg4[%mul3A_2, %dma_wait3A_112] : memref<163840x128xf32, #tpu.memory_space<hbm>> -> memref<128x128xf32, #tpu.memory_space<hbm>>
    %dma_wait3A_114 = tpu.memref_slice %arg9[%dma_wait3A_107] : memref<2x!tpu.dma_semaphore, #tpu.memory_space<semaphore_mem>> -> memref<1x!tpu.dma_semaphore, #tpu.memory_space<semaphore_mem>>
    %dma_wait3A_115 = tpu.memref_squeeze %dma_wait3A_114 : memref<1x!tpu.dma_semaphore, #tpu.memory_space<semaphore_mem>> -> memref<!tpu.dma_semaphore, #tpu.memory_space<semaphore_mem>>
    %dma_wait3A_116 = arith.constant 0 : i32
    %dma_wait3A_117 = tpu.memref_slice %arg4[%mul3A_2, %dma_wait3A_116] : memref<163840x128xf32, #tpu.memory_space<hbm>> -> memref<128x128xf32, #tpu.memory_space<hbm>>
    %dma_wait3A_118 = arith.constant 0 : i32
    %dma_wait3A_119 = arith.constant 0 : i32
    %dma_wait3A_120 = tpu.memref_slice %arg6[%dma_wait3A_106, %dma_wait3A_118, %dma_wait3A_119] : memref<2x128x128xf32, #tpu.memory_space<vmem>> -> memref<1x128x128xf32, #tpu.memory_space<vmem>>
    %dma_wait3A_121 = tpu.memref_squeeze %dma_wait3A_120 : memref<1x128x128xf32, #tpu.memory_space<vmem>> -> memref<128x128xf32, #tpu.memory_space<vmem>>
    tpu.wait_dma2 semaphore(%dma_wait3A_115 : memref<!tpu.dma_semaphore, #tpu.memory_space<semaphore_mem>>) src(%dma_wait3A_121 : memref<128x128xf32, #tpu.memory_space<vmem>>) dst(%dma_wait3A_117 : memref<128x128xf32, #tpu.memory_space<hbm>>)
    %dma_wait3A_122 = arith.constant 1 : i32
    %dma_wait3A_123 = arith.constant 1 : i32
    %dma_wait3A_124 = arith.constant 0 : i32
    %dma_wait3A_125 = arith.constant 0 : i32
    %dma_wait3A_126 = tpu.memref_slice %arg6[%dma_wait3A_122, %dma_wait3A_124, %dma_wait3A_125] : memref<2x128x128xf32, #tpu.memory_space<vmem>> -> memref<1x128x128xf32, #tpu.memory_space<vmem>>
    %dma_wait3A_127 = tpu.memref_squeeze %dma_wait3A_126 : memref<1x128x128xf32, #tpu.memory_space<vmem>> -> memref<128x128xf32, #tpu.memory_space<vmem>>
    %dma_wait3A_128 = arith.constant 0 : i32
    %dma_wait3A_129 = tpu.memref_slice %arg4[%mul3A_2, %dma_wait3A_128] : memref<163840x128xf32, #tpu.memory_space<hbm>> -> memref<128x128xf32, #tpu.memory_space<hbm>>
    %dma_wait3A_130 = tpu.memref_slice %arg9[%dma_wait3A_123] : memref<2x!tpu.dma_semaphore, #tpu.memory_space<semaphore_mem>> -> memref<1x!tpu.dma_semaphore, #tpu.memory_space<semaphore_mem>>
    %dma_wait3A_131 = tpu.memref_squeeze %dma_wait3A_130 : memref<1x!tpu.dma_semaphore, #tpu.memory_space<semaphore_mem>> -> memref<!tpu.dma_semaphore, #tpu.memory_space<semaphore_mem>>
    %dma_wait3A_132 = arith.constant 0 : i32
    %dma_wait3A_133 = tpu.memref_slice %arg4[%mul3A_2, %dma_wait3A_132] : memref<163840x128xf32, #tpu.memory_space<hbm>> -> memref<128x128xf32, #tpu.memory_space<hbm>>
    %dma_wait3A_134 = arith.constant 0 : i32
    %dma_wait3A_135 = arith.constant 0 : i32
    %dma_wait3A_136 = tpu.memref_slice %arg6[%dma_wait3A_122, %dma_wait3A_134, %dma_wait3A_135] : memref<2x128x128xf32, #tpu.memory_space<vmem>> -> memref<1x128x128xf32, #tpu.memory_space<vmem>>
    %dma_wait3A_137 = tpu.memref_squeeze %dma_wait3A_136 : memref<1x128x128xf32, #tpu.memory_space<vmem>> -> memref<128x128xf32, #tpu.memory_space<vmem>>
    tpu.wait_dma2 semaphore(%dma_wait3A_131 : memref<!tpu.dma_semaphore, #tpu.memory_space<semaphore_mem>>) src(%dma_wait3A_137 : memref<128x128xf32, #tpu.memory_space<vmem>>) dst(%dma_wait3A_133 : memref<128x128xf32, #tpu.memory_space<hbm>>)
    return
  }
}

#map = affine_map<(d0, d1) -> (0, 0)>
#map1 = affine_map<(d0, d1) -> (0, 0, 0)>
module attributes {stable_mosaic.version = 14 : i64} {
  func.func @_gather_body(%arg0: i32, %arg1: i32, %arg2: memref<10240x128xf32, #tpu.memory_space<hbm>>, %arg3: memref<32x40x128xi32, #tpu.memory_space<hbm>>, %arg4: memref<163840x128xf32, #tpu.memory_space<hbm>>, %arg5: memref<40x128xi32, #tpu.memory_space<vmem>>, %arg6: memref<2x128x128xf32, #tpu.memory_space<vmem>>, %arg7: memref<10240x128xf32, #tpu.memory_space<vmem_shared>>, %arg8: memref<2x!tpu.dma_semaphore, #tpu.memory_space<semaphore_mem>>, %arg9: memref<2x!tpu.dma_semaphore, #tpu.memory_space<semaphore_mem>>) attributes {dimension_semantics = [#tpu.dimension_semantics<core_parallel>, #tpu.dimension_semantics<subcore_parallel>], iteration_bounds = array<i64: 2, 16>, scalar_prefetch = 0 : i64, scratch_operands = 5 : i64, tpu.core_type = #tpu.core_type<sc_vector_subcore>, window_params = [{transform_indices = #map}, {transform_indices = #map1}, {transform_indices = #map}]} {
    %mul3A = arith.constant 16 : i32
    %mul3A_0 = arith.muli %arg0, %mul3A : i32
    %add3A = arith.addi %mul3A_0, %arg1 : i32
    %mul3A_1 = arith.constant 5120 : i32
    %mul3A_2 = arith.muli %add3A, %mul3A_1 : i32
    %mul3A_3 = arith.constant 640 : i32
    %mul3A_4 = arith.muli %arg1, %mul3A_3 : i32
    %mul3A_5 = arith.constant 640 : i32
    %mul3A_6 = arith.muli %arg1, %mul3A_5 : i32
    "tpu.region"() ({
      %run_scoped3A = tpu.sem_alloc : memref<!tpu.dma_semaphore, #tpu.memory_space<semaphore_mem>>
      %dma_start3A_138 = arith.constant 0 : i32
      %dma_start3A_139 = tpu.memref_slice %arg7[%mul3A_6, %dma_start3A_138] : memref<10240x128xf32, #tpu.memory_space<vmem_shared>> -> memref<640x128xf32, #tpu.memory_space<vmem_shared>>
      %dma_start3A_140 = arith.constant 0 : i32
      %dma_start3A_141 = tpu.memref_slice %arg2[%mul3A_4, %dma_start3A_140] : memref<10240x128xf32, #tpu.memory_space<hbm>> -> memref<640x128xf32, #tpu.memory_space<hbm>>
      tpu.enqueue_dma source(%dma_start3A_141 : memref<640x128xf32, #tpu.memory_space<hbm>>) target(%dma_start3A_139 : memref<640x128xf32, #tpu.memory_space<vmem_shared>>) target_semaphore(%run_scoped3A : memref<!tpu.dma_semaphore, #tpu.memory_space<semaphore_mem>>)
      %dma_wait3A_142 = arith.constant 0 : i32
      %dma_wait3A_143 = tpu.memref_slice %arg7[%mul3A_6, %dma_wait3A_142] : memref<10240x128xf32, #tpu.memory_space<vmem_shared>> -> memref<640x128xf32, #tpu.memory_space<vmem_shared>>
      %dma_wait3A_144 = arith.constant 0 : i32
      %dma_wait3A_145 = tpu.memref_slice %arg2[%mul3A_4, %dma_wait3A_144] : memref<10240x128xf32, #tpu.memory_space<hbm>> -> memref<640x128xf32, #tpu.memory_space<hbm>>
      tpu.wait_dma2 semaphore(%run_scoped3A : memref<!tpu.dma_semaphore, #tpu.memory_space<semaphore_mem>>) src(%dma_wait3A_145 : memref<640x128xf32, #tpu.memory_space<hbm>>) dst(%dma_wait3A_143 : memref<640x128xf32, #tpu.memory_space<vmem_shared>>)
      tpu.yield
    }) : () -> ()
    "tpu.region"() ({
      %run_scoped3A = tpu.sem_alloc : memref<!tpu.dma_semaphore, #tpu.memory_space<semaphore_mem>>
      %dma_start3A_138 = arith.constant 0 : i32
      %dma_start3A_139 = arith.constant 0 : i32
      %dma_start3A_140 = tpu.memref_slice %arg3[%add3A, %dma_start3A_138, %dma_start3A_139] : memref<32x40x128xi32, #tpu.memory_space<hbm>> -> memref<1x40x128xi32, #tpu.memory_space<hbm>>
      %dma_start3A_141 = tpu.memref_squeeze %dma_start3A_140 : memref<1x40x128xi32, #tpu.memory_space<hbm>> -> memref<40x128xi32, #tpu.memory_space<hbm>>
      %dma_start3A_142 = arith.constant 0 : i32
      %dma_start3A_143 = arith.constant 0 : i32
      %dma_start3A_144 = tpu.memref_slice %arg3[%add3A, %dma_start3A_142, %dma_start3A_143] : memref<32x40x128xi32, #tpu.memory_space<hbm>> -> memref<1x40x128xi32, #tpu.memory_space<hbm>>
      %dma_start3A_145 = tpu.memref_squeeze %dma_start3A_144 : memref<1x40x128xi32, #tpu.memory_space<hbm>> -> memref<40x128xi32, #tpu.memory_space<hbm>>
      tpu.enqueue_dma source(%dma_start3A_145 : memref<40x128xi32, #tpu.memory_space<hbm>>) target(%arg5 : memref<40x128xi32, #tpu.memory_space<vmem>>) target_semaphore(%run_scoped3A : memref<!tpu.dma_semaphore, #tpu.memory_space<semaphore_mem>>)
      %dma_wait3A_146 = arith.constant 0 : i32
      %dma_wait3A_147 = arith.constant 0 : i32
      %dma_wait3A_148 = tpu.memref_slice %arg3[%add3A, %dma_wait3A_146, %dma_wait3A_147] : memref<32x40x128xi32, #tpu.memory_space<hbm>> -> memref<1x40x128xi32, #tpu.memory_space<hbm>>
      %dma_wait3A_149 = tpu.memref_squeeze %dma_wait3A_148 : memref<1x40x128xi32, #tpu.memory_space<hbm>> -> memref<40x128xi32, #tpu.memory_space<hbm>>
      %dma_wait3A_150 = arith.constant 0 : i32
      %dma_wait3A_151 = arith.constant 0 : i32
      %dma_wait3A_152 = tpu.memref_slice %arg3[%add3A, %dma_wait3A_150, %dma_wait3A_151] : memref<32x40x128xi32, #tpu.memory_space<hbm>> -> memref<1x40x128xi32, #tpu.memory_space<hbm>>
      %dma_wait3A_153 = tpu.memref_squeeze %dma_wait3A_152 : memref<1x40x128xi32, #tpu.memory_space<hbm>> -> memref<40x128xi32, #tpu.memory_space<hbm>>
      tpu.wait_dma2 semaphore(%run_scoped3A : memref<!tpu.dma_semaphore, #tpu.memory_space<semaphore_mem>>) src(%dma_wait3A_153 : memref<40x128xi32, #tpu.memory_space<hbm>>) dst(%arg5 : memref<40x128xi32, #tpu.memory_space<vmem>>)
      tpu.yield
    }) : () -> ()
    %barrier3A = arith.constant 0 : index
    tpu.barrier barrier_id(%barrier3A)
    %dma_start3A = arith.constant 0 : i32
    %dma_start3A_7 = arith.constant 0 : i32
    %dma_start3A_8 = arith.constant 0 : i32
    %dma_start3A_9 = arith.constant 0 : i32
    %dma_start3A_10 = arith.constant 0 : i32
    %dma_start3A_11 = tpu.memref_slice %arg6[%dma_start3A_7, %dma_start3A_9, %dma_start3A_10] : memref<2x128x128xf32, #tpu.memory_space<vmem>> -> memref<1x128x128xf32, #tpu.memory_space<vmem>>
    %dma_start3A_12 = tpu.memref_squeeze %dma_start3A_11 : memref<1x128x128xf32, #tpu.memory_space<vmem>> -> memref<128x128xf32, #tpu.memory_space<vmem>>
    %dma_start3A_13 = arith.constant 0 : i32
    %dma_start3A_14 = tpu.memref_slice %arg5[%dma_start3A, %dma_start3A_13] : memref<40x128xi32, #tpu.memory_space<vmem>> -> memref<1x128xi32, #tpu.memory_space<vmem>>
    %dma_start3A_15 = tpu.memref_squeeze %dma_start3A_14 : memref<1x128xi32, #tpu.memory_space<vmem>> -> memref<128xi32, #tpu.memory_space<vmem>>
    %dma_start3A_16 = arith.constant 0 : i32
    %dma_start3A_17 = arith.constant 0 : i32
    %dma_start3A_18 = tpu.memref_slice %arg7[%dma_start3A_16, %dma_start3A_17] : memref<10240x128xf32, #tpu.memory_space<vmem_shared>> -> memref<10240x128xf32, #tpu.memory_space<vmem_shared>>
    %dma_start3A_19 = tpu.memref_slice %arg8[%dma_start3A_8] : memref<2x!tpu.dma_semaphore, #tpu.memory_space<semaphore_mem>> -> memref<1x!tpu.dma_semaphore, #tpu.memory_space<semaphore_mem>>
    %dma_start3A_20 = tpu.memref_squeeze %dma_start3A_19 : memref<1x!tpu.dma_semaphore, #tpu.memory_space<semaphore_mem>> -> memref<!tpu.dma_semaphore, #tpu.memory_space<semaphore_mem>>
    tpu.enqueue_indirect_dma source(%dma_start3A_18 : memref<10240x128xf32, #tpu.memory_space<vmem_shared>>) target(%dma_start3A_12 : memref<128x128xf32, #tpu.memory_space<vmem>>) offsets(%dma_start3A_15 : memref<128xi32, #tpu.memory_space<vmem>>) semaphore(%dma_start3A_20 : memref<!tpu.dma_semaphore, #tpu.memory_space<semaphore_mem>>)
    %dma_start3A_21 = arith.constant 1 : i32
    %dma_start3A_22 = arith.constant 1 : i32
    %dma_start3A_23 = arith.constant 1 : i32
    %dma_start3A_24 = arith.constant 0 : i32
    %dma_start3A_25 = arith.constant 0 : i32
    %dma_start3A_26 = tpu.memref_slice %arg6[%dma_start3A_22, %dma_start3A_24, %dma_start3A_25] : memref<2x128x128xf32, #tpu.memory_space<vmem>> -> memref<1x128x128xf32, #tpu.memory_space<vmem>>
    %dma_start3A_27 = tpu.memref_squeeze %dma_start3A_26 : memref<1x128x128xf32, #tpu.memory_space<vmem>> -> memref<128x128xf32, #tpu.memory_space<vmem>>
    %dma_start3A_28 = arith.constant 0 : i32
    %dma_start3A_29 = tpu.memref_slice %arg5[%dma_start3A_21, %dma_start3A_28] : memref<40x128xi32, #tpu.memory_space<vmem>> -> memref<1x128xi32, #tpu.memory_space<vmem>>
    %dma_start3A_30 = tpu.memref_squeeze %dma_start3A_29 : memref<1x128xi32, #tpu.memory_space<vmem>> -> memref<128xi32, #tpu.memory_space<vmem>>
    %dma_start3A_31 = arith.constant 0 : i32
    %dma_start3A_32 = arith.constant 0 : i32
    %dma_start3A_33 = tpu.memref_slice %arg7[%dma_start3A_31, %dma_start3A_32] : memref<10240x128xf32, #tpu.memory_space<vmem_shared>> -> memref<10240x128xf32, #tpu.memory_space<vmem_shared>>
    %dma_start3A_34 = tpu.memref_slice %arg8[%dma_start3A_23] : memref<2x!tpu.dma_semaphore, #tpu.memory_space<semaphore_mem>> -> memref<1x!tpu.dma_semaphore, #tpu.memory_space<semaphore_mem>>
    %dma_start3A_35 = tpu.memref_squeeze %dma_start3A_34 : memref<1x!tpu.dma_semaphore, #tpu.memory_space<semaphore_mem>> -> memref<!tpu.dma_semaphore, #tpu.memory_space<semaphore_mem>>
    tpu.enqueue_indirect_dma source(%dma_start3A_33 : memref<10240x128xf32, #tpu.memory_space<vmem_shared>>) target(%dma_start3A_27 : memref<128x128xf32, #tpu.memory_space<vmem>>) offsets(%dma_start3A_30 : memref<128xi32, #tpu.memory_space<vmem>>) semaphore(%dma_start3A_35 : memref<!tpu.dma_semaphore, #tpu.memory_space<semaphore_mem>>)
    %scan3A = arith.constant 0 : i32
    %scan3A_36 = arith.constant 0 : i32
    %scan3A_37 = arith.constant 19 : i32
    %scan3A_38 = arith.addi %scan3A_36, %scan3A_37 : i32
    %scan3A_39 = arith.constant 1 : i32
    scf.for %scan3A_138 = %scan3A_36 to %scan3A_38 step %scan3A_39  : i32 {
      %mul3A_139 = arith.constant 2 : i32
      %mul3A_140 = arith.muli %scan3A_138, %mul3A_139 : i32
      %add3A_141 = arith.constant 0 : i32
      %add3A_142 = arith.addi %mul3A_140, %add3A_141 : i32
      %dma_wait3A_143 = arith.constant 0 : i32
      %dma_wait3A_144 = arith.constant 0 : i32
      %dma_wait3A_145 = arith.constant 0 : i32
      %dma_wait3A_146 = arith.constant 0 : i32
      %dma_wait3A_147 = tpu.memref_slice %arg6[%dma_wait3A_143, %dma_wait3A_145, %dma_wait3A_146] : memref<2x128x128xf32, #tpu.memory_space<vmem>> -> memref<1x128x128xf32, #tpu.memory_space<vmem>>
      %dma_wait3A_148 = tpu.memref_squeeze %dma_wait3A_147 : memref<1x128x128xf32, #tpu.memory_space<vmem>> -> memref<128x128xf32, #tpu.memory_space<vmem>>
      %dma_wait3A_149 = arith.constant 0 : i32
      %dma_wait3A_150 = tpu.memref_slice %arg5[%add3A_142, %dma_wait3A_149] : memref<40x128xi32, #tpu.memory_space<vmem>> -> memref<1x128xi32, #tpu.memory_space<vmem>>
      %dma_wait3A_151 = tpu.memref_squeeze %dma_wait3A_150 : memref<1x128xi32, #tpu.memory_space<vmem>> -> memref<128xi32, #tpu.memory_space<vmem>>
      %dma_wait3A_152 = arith.constant 0 : i32
      %dma_wait3A_153 = arith.constant 0 : i32
      %dma_wait3A_154 = tpu.memref_slice %arg7[%dma_wait3A_152, %dma_wait3A_153] : memref<10240x128xf32, #tpu.memory_space<vmem_shared>> -> memref<10240x128xf32, #tpu.memory_space<vmem_shared>>
      %dma_wait3A_155 = tpu.memref_slice %arg8[%dma_wait3A_144] : memref<2x!tpu.dma_semaphore, #tpu.memory_space<semaphore_mem>> -> memref<1x!tpu.dma_semaphore, #tpu.memory_space<semaphore_mem>>
      %dma_wait3A_156 = tpu.memref_squeeze %dma_wait3A_155 : memref<1x!tpu.dma_semaphore, #tpu.memory_space<semaphore_mem>> -> memref<!tpu.dma_semaphore, #tpu.memory_space<semaphore_mem>>
      tpu.wait_indirect_dma semaphore(%dma_wait3A_156 : memref<!tpu.dma_semaphore, #tpu.memory_space<semaphore_mem>>) src(%dma_wait3A_154 : memref<10240x128xf32, #tpu.memory_space<vmem_shared>>) dst(%dma_wait3A_148 : memref<128x128xf32, #tpu.memory_space<vmem>>)
      %mul3A_157 = arith.constant 128 : i32
      %mul3A_158 = arith.muli %add3A_142, %mul3A_157 : i32
      %add3A_159 = arith.addi %mul3A_2, %mul3A_158 : i32
      %dma_start3A_160 = arith.constant 0 : i32
      %dma_start3A_161 = arith.constant 0 : i32
      %dma_start3A_162 = arith.constant 0 : i32
      %dma_start3A_163 = arith.constant 0 : i32
      %dma_start3A_164 = tpu.memref_slice %arg6[%dma_start3A_160, %dma_start3A_162, %dma_start3A_163] : memref<2x128x128xf32, #tpu.memory_space<vmem>> -> memref<1x128x128xf32, #tpu.memory_space<vmem>>
      %dma_start3A_165 = tpu.memref_squeeze %dma_start3A_164 : memref<1x128x128xf32, #tpu.memory_space<vmem>> -> memref<128x128xf32, #tpu.memory_space<vmem>>
      %dma_start3A_166 = arith.constant 0 : i32
      %dma_start3A_167 = tpu.memref_slice %arg4[%add3A_159, %dma_start3A_166] : memref<163840x128xf32, #tpu.memory_space<hbm>> -> memref<128x128xf32, #tpu.memory_space<hbm>>
      %dma_start3A_168 = tpu.memref_slice %arg9[%dma_start3A_161] : memref<2x!tpu.dma_semaphore, #tpu.memory_space<semaphore_mem>> -> memref<1x!tpu.dma_semaphore, #tpu.memory_space<semaphore_mem>>
      %dma_start3A_169 = tpu.memref_squeeze %dma_start3A_168 : memref<1x!tpu.dma_semaphore, #tpu.memory_space<semaphore_mem>> -> memref<!tpu.dma_semaphore, #tpu.memory_space<semaphore_mem>>
      %dma_start3A_170 = arith.constant 0 : i32
      %dma_start3A_171 = tpu.memref_slice %arg4[%add3A_159, %dma_start3A_170] : memref<163840x128xf32, #tpu.memory_space<hbm>> -> memref<128x128xf32, #tpu.memory_space<hbm>>
      %dma_start3A_172 = arith.constant 0 : i32
      %dma_start3A_173 = arith.constant 0 : i32
      %dma_start3A_174 = tpu.memref_slice %arg6[%dma_start3A_160, %dma_start3A_172, %dma_start3A_173] : memref<2x128x128xf32, #tpu.memory_space<vmem>> -> memref<1x128x128xf32, #tpu.memory_space<vmem>>
      %dma_start3A_175 = tpu.memref_squeeze %dma_start3A_174 : memref<1x128x128xf32, #tpu.memory_space<vmem>> -> memref<128x128xf32, #tpu.memory_space<vmem>>
      tpu.enqueue_dma source(%dma_start3A_175 : memref<128x128xf32, #tpu.memory_space<vmem>>) target(%dma_start3A_171 : memref<128x128xf32, #tpu.memory_space<hbm>>) target_semaphore(%dma_start3A_169 : memref<!tpu.dma_semaphore, #tpu.memory_space<semaphore_mem>>)
      %mul3A_176 = arith.constant 2 : i32
      %mul3A_177 = arith.muli %scan3A_138, %mul3A_176 : i32
      %add3A_178 = arith.constant 1 : i32
      %add3A_179 = arith.addi %mul3A_177, %add3A_178 : i32
      %dma_wait3A_180 = arith.constant 1 : i32
      %dma_wait3A_181 = arith.constant 1 : i32
      %dma_wait3A_182 = arith.constant 0 : i32
      %dma_wait3A_183 = arith.constant 0 : i32
      %dma_wait3A_184 = tpu.memref_slice %arg6[%dma_wait3A_180, %dma_wait3A_182, %dma_wait3A_183] : memref<2x128x128xf32, #tpu.memory_space<vmem>> -> memref<1x128x128xf32, #tpu.memory_space<vmem>>
      %dma_wait3A_185 = tpu.memref_squeeze %dma_wait3A_184 : memref<1x128x128xf32, #tpu.memory_space<vmem>> -> memref<128x128xf32, #tpu.memory_space<vmem>>
      %dma_wait3A_186 = arith.constant 0 : i32
      %dma_wait3A_187 = tpu.memref_slice %arg5[%add3A_179, %dma_wait3A_186] : memref<40x128xi32, #tpu.memory_space<vmem>> -> memref<1x128xi32, #tpu.memory_space<vmem>>
      %dma_wait3A_188 = tpu.memref_squeeze %dma_wait3A_187 : memref<1x128xi32, #tpu.memory_space<vmem>> -> memref<128xi32, #tpu.memory_space<vmem>>
      %dma_wait3A_189 = arith.constant 0 : i32
      %dma_wait3A_190 = arith.constant 0 : i32
      %dma_wait3A_191 = tpu.memref_slice %arg7[%dma_wait3A_189, %dma_wait3A_190] : memref<10240x128xf32, #tpu.memory_space<vmem_shared>> -> memref<10240x128xf32, #tpu.memory_space<vmem_shared>>
      %dma_wait3A_192 = tpu.memref_slice %arg8[%dma_wait3A_181] : memref<2x!tpu.dma_semaphore, #tpu.memory_space<semaphore_mem>> -> memref<1x!tpu.dma_semaphore, #tpu.memory_space<semaphore_mem>>
      %dma_wait3A_193 = tpu.memref_squeeze %dma_wait3A_192 : memref<1x!tpu.dma_semaphore, #tpu.memory_space<semaphore_mem>> -> memref<!tpu.dma_semaphore, #tpu.memory_space<semaphore_mem>>
      tpu.wait_indirect_dma semaphore(%dma_wait3A_193 : memref<!tpu.dma_semaphore, #tpu.memory_space<semaphore_mem>>) src(%dma_wait3A_191 : memref<10240x128xf32, #tpu.memory_space<vmem_shared>>) dst(%dma_wait3A_185 : memref<128x128xf32, #tpu.memory_space<vmem>>)
      %mul3A_194 = arith.constant 128 : i32
      %mul3A_195 = arith.muli %add3A_179, %mul3A_194 : i32
      %add3A_196 = arith.addi %mul3A_2, %mul3A_195 : i32
      %dma_start3A_197 = arith.constant 1 : i32
      %dma_start3A_198 = arith.constant 1 : i32
      %dma_start3A_199 = arith.constant 0 : i32
      %dma_start3A_200 = arith.constant 0 : i32
      %dma_start3A_201 = tpu.memref_slice %arg6[%dma_start3A_197, %dma_start3A_199, %dma_start3A_200] : memref<2x128x128xf32, #tpu.memory_space<vmem>> -> memref<1x128x128xf32, #tpu.memory_space<vmem>>
      %dma_start3A_202 = tpu.memref_squeeze %dma_start3A_201 : memref<1x128x128xf32, #tpu.memory_space<vmem>> -> memref<128x128xf32, #tpu.memory_space<vmem>>
      %dma_start3A_203 = arith.constant 0 : i32
      %dma_start3A_204 = tpu.memref_slice %arg4[%add3A_196, %dma_start3A_203] : memref<163840x128xf32, #tpu.memory_space<hbm>> -> memref<128x128xf32, #tpu.memory_space<hbm>>
      %dma_start3A_205 = tpu.memref_slice %arg9[%dma_start3A_198] : memref<2x!tpu.dma_semaphore, #tpu.memory_space<semaphore_mem>> -> memref<1x!tpu.dma_semaphore, #tpu.memory_space<semaphore_mem>>
      %dma_start3A_206 = tpu.memref_squeeze %dma_start3A_205 : memref<1x!tpu.dma_semaphore, #tpu.memory_space<semaphore_mem>> -> memref<!tpu.dma_semaphore, #tpu.memory_space<semaphore_mem>>
      %dma_start3A_207 = arith.constant 0 : i32
      %dma_start3A_208 = tpu.memref_slice %arg4[%add3A_196, %dma_start3A_207] : memref<163840x128xf32, #tpu.memory_space<hbm>> -> memref<128x128xf32, #tpu.memory_space<hbm>>
      %dma_start3A_209 = arith.constant 0 : i32
      %dma_start3A_210 = arith.constant 0 : i32
      %dma_start3A_211 = tpu.memref_slice %arg6[%dma_start3A_197, %dma_start3A_209, %dma_start3A_210] : memref<2x128x128xf32, #tpu.memory_space<vmem>> -> memref<1x128x128xf32, #tpu.memory_space<vmem>>
      %dma_start3A_212 = tpu.memref_squeeze %dma_start3A_211 : memref<1x128x128xf32, #tpu.memory_space<vmem>> -> memref<128x128xf32, #tpu.memory_space<vmem>>
      tpu.enqueue_dma source(%dma_start3A_212 : memref<128x128xf32, #tpu.memory_space<vmem>>) target(%dma_start3A_208 : memref<128x128xf32, #tpu.memory_space<hbm>>) target_semaphore(%dma_start3A_206 : memref<!tpu.dma_semaphore, #tpu.memory_space<semaphore_mem>>)
      %add3A_213 = arith.constant 1 : i32
      %add3A_214 = arith.addi %scan3A_138, %add3A_213 : i32
      %mul3A_215 = arith.constant 2 : i32
      %mul3A_216 = arith.muli %add3A_214, %mul3A_215 : i32
      %add3A_217 = arith.constant 0 : i32
      %add3A_218 = arith.addi %mul3A_216, %add3A_217 : i32
      %dma_wait3A_219 = arith.constant 0 : i32
      %dma_wait3A_220 = arith.constant 0 : i32
      %dma_wait3A_221 = arith.constant 0 : i32
      %dma_wait3A_222 = arith.constant 0 : i32
      %dma_wait3A_223 = tpu.memref_slice %arg6[%dma_wait3A_219, %dma_wait3A_221, %dma_wait3A_222] : memref<2x128x128xf32, #tpu.memory_space<vmem>> -> memref<1x128x128xf32, #tpu.memory_space<vmem>>
      %dma_wait3A_224 = tpu.memref_squeeze %dma_wait3A_223 : memref<1x128x128xf32, #tpu.memory_space<vmem>> -> memref<128x128xf32, #tpu.memory_space<vmem>>
      %dma_wait3A_225 = arith.constant 0 : i32
      %dma_wait3A_226 = tpu.memref_slice %arg4[%mul3A_2, %dma_wait3A_225] : memref<163840x128xf32, #tpu.memory_space<hbm>> -> memref<128x128xf32, #tpu.memory_space<hbm>>
      %dma_wait3A_227 = tpu.memref_slice %arg9[%dma_wait3A_220] : memref<2x!tpu.dma_semaphore, #tpu.memory_space<semaphore_mem>> -> memref<1x!tpu.dma_semaphore, #tpu.memory_space<semaphore_mem>>
      %dma_wait3A_228 = tpu.memref_squeeze %dma_wait3A_227 : memref<1x!tpu.dma_semaphore, #tpu.memory_space<semaphore_mem>> -> memref<!tpu.dma_semaphore, #tpu.memory_space<semaphore_mem>>
      %dma_wait3A_229 = arith.constant 0 : i32
      %dma_wait3A_230 = tpu.memref_slice %arg4[%mul3A_2, %dma_wait3A_229] : memref<163840x128xf32, #tpu.memory_space<hbm>> -> memref<128x128xf32, #tpu.memory_space<hbm>>
      %dma_wait3A_231 = arith.constant 0 : i32
      %dma_wait3A_232 = arith.constant 0 : i32
      %dma_wait3A_233 = tpu.memref_slice %arg6[%dma_wait3A_219, %dma_wait3A_231, %dma_wait3A_232] : memref<2x128x128xf32, #tpu.memory_space<vmem>> -> memref<1x128x128xf32, #tpu.memory_space<vmem>>
      %dma_wait3A_234 = tpu.memref_squeeze %dma_wait3A_233 : memref<1x128x128xf32, #tpu.memory_space<vmem>> -> memref<128x128xf32, #tpu.memory_space<vmem>>
      tpu.wait_dma2 semaphore(%dma_wait3A_228 : memref<!tpu.dma_semaphore, #tpu.memory_space<semaphore_mem>>) src(%dma_wait3A_234 : memref<128x128xf32, #tpu.memory_space<vmem>>) dst(%dma_wait3A_230 : memref<128x128xf32, #tpu.memory_space<hbm>>)
      %dma_start3A_235 = arith.constant 0 : i32
      %dma_start3A_236 = arith.constant 0 : i32
      %dma_start3A_237 = arith.constant 0 : i32
      %dma_start3A_238 = arith.constant 0 : i32
      %dma_start3A_239 = tpu.memref_slice %arg6[%dma_start3A_235, %dma_start3A_237, %dma_start3A_238] : memref<2x128x128xf32, #tpu.memory_space<vmem>> -> memref<1x128x128xf32, #tpu.memory_space<vmem>>
      %dma_start3A_240 = tpu.memref_squeeze %dma_start3A_239 : memref<1x128x128xf32, #tpu.memory_space<vmem>> -> memref<128x128xf32, #tpu.memory_space<vmem>>
      %dma_start3A_241 = arith.constant 0 : i32
      %dma_start3A_242 = tpu.memref_slice %arg5[%add3A_218, %dma_start3A_241] : memref<40x128xi32, #tpu.memory_space<vmem>> -> memref<1x128xi32, #tpu.memory_space<vmem>>
      %dma_start3A_243 = tpu.memref_squeeze %dma_start3A_242 : memref<1x128xi32, #tpu.memory_space<vmem>> -> memref<128xi32, #tpu.memory_space<vmem>>
      %dma_start3A_244 = arith.constant 0 : i32
      %dma_start3A_245 = arith.constant 0 : i32
      %dma_start3A_246 = tpu.memref_slice %arg7[%dma_start3A_244, %dma_start3A_245] : memref<10240x128xf32, #tpu.memory_space<vmem_shared>> -> memref<10240x128xf32, #tpu.memory_space<vmem_shared>>
      %dma_start3A_247 = tpu.memref_slice %arg8[%dma_start3A_236] : memref<2x!tpu.dma_semaphore, #tpu.memory_space<semaphore_mem>> -> memref<1x!tpu.dma_semaphore, #tpu.memory_space<semaphore_mem>>
      %dma_start3A_248 = tpu.memref_squeeze %dma_start3A_247 : memref<1x!tpu.dma_semaphore, #tpu.memory_space<semaphore_mem>> -> memref<!tpu.dma_semaphore, #tpu.memory_space<semaphore_mem>>
      tpu.enqueue_indirect_dma source(%dma_start3A_246 : memref<10240x128xf32, #tpu.memory_space<vmem_shared>>) target(%dma_start3A_240 : memref<128x128xf32, #tpu.memory_space<vmem>>) offsets(%dma_start3A_243 : memref<128xi32, #tpu.memory_space<vmem>>) semaphore(%dma_start3A_248 : memref<!tpu.dma_semaphore, #tpu.memory_space<semaphore_mem>>)
      %add3A_249 = arith.constant 1 : i32
      %add3A_250 = arith.addi %scan3A_138, %add3A_249 : i32
      %mul3A_251 = arith.constant 2 : i32
      %mul3A_252 = arith.muli %add3A_250, %mul3A_251 : i32
      %add3A_253 = arith.constant 1 : i32
      %add3A_254 = arith.addi %mul3A_252, %add3A_253 : i32
      %dma_wait3A_255 = arith.constant 1 : i32
      %dma_wait3A_256 = arith.constant 1 : i32
      %dma_wait3A_257 = arith.constant 0 : i32
      %dma_wait3A_258 = arith.constant 0 : i32
      %dma_wait3A_259 = tpu.memref_slice %arg6[%dma_wait3A_255, %dma_wait3A_257, %dma_wait3A_258] : memref<2x128x128xf32, #tpu.memory_space<vmem>> -> memref<1x128x128xf32, #tpu.memory_space<vmem>>
      %dma_wait3A_260 = tpu.memref_squeeze %dma_wait3A_259 : memref<1x128x128xf32, #tpu.memory_space<vmem>> -> memref<128x128xf32, #tpu.memory_space<vmem>>
      %dma_wait3A_261 = arith.constant 0 : i32
      %dma_wait3A_262 = tpu.memref_slice %arg4[%mul3A_2, %dma_wait3A_261] : memref<163840x128xf32, #tpu.memory_space<hbm>> -> memref<128x128xf32, #tpu.memory_space<hbm>>
      %dma_wait3A_263 = tpu.memref_slice %arg9[%dma_wait3A_256] : memref<2x!tpu.dma_semaphore, #tpu.memory_space<semaphore_mem>> -> memref<1x!tpu.dma_semaphore, #tpu.memory_space<semaphore_mem>>
      %dma_wait3A_264 = tpu.memref_squeeze %dma_wait3A_263 : memref<1x!tpu.dma_semaphore, #tpu.memory_space<semaphore_mem>> -> memref<!tpu.dma_semaphore, #tpu.memory_space<semaphore_mem>>
      %dma_wait3A_265 = arith.constant 0 : i32
      %dma_wait3A_266 = tpu.memref_slice %arg4[%mul3A_2, %dma_wait3A_265] : memref<163840x128xf32, #tpu.memory_space<hbm>> -> memref<128x128xf32, #tpu.memory_space<hbm>>
      %dma_wait3A_267 = arith.constant 0 : i32
      %dma_wait3A_268 = arith.constant 0 : i32
      %dma_wait3A_269 = tpu.memref_slice %arg6[%dma_wait3A_255, %dma_wait3A_267, %dma_wait3A_268] : memref<2x128x128xf32, #tpu.memory_space<vmem>> -> memref<1x128x128xf32, #tpu.memory_space<vmem>>
      %dma_wait3A_270 = tpu.memref_squeeze %dma_wait3A_269 : memref<1x128x128xf32, #tpu.memory_space<vmem>> -> memref<128x128xf32, #tpu.memory_space<vmem>>
      tpu.wait_dma2 semaphore(%dma_wait3A_264 : memref<!tpu.dma_semaphore, #tpu.memory_space<semaphore_mem>>) src(%dma_wait3A_270 : memref<128x128xf32, #tpu.memory_space<vmem>>) dst(%dma_wait3A_266 : memref<128x128xf32, #tpu.memory_space<hbm>>)
      %dma_start3A_271 = arith.constant 1 : i32
      %dma_start3A_272 = arith.constant 1 : i32
      %dma_start3A_273 = arith.constant 0 : i32
      %dma_start3A_274 = arith.constant 0 : i32
      %dma_start3A_275 = tpu.memref_slice %arg6[%dma_start3A_271, %dma_start3A_273, %dma_start3A_274] : memref<2x128x128xf32, #tpu.memory_space<vmem>> -> memref<1x128x128xf32, #tpu.memory_space<vmem>>
      %dma_start3A_276 = tpu.memref_squeeze %dma_start3A_275 : memref<1x128x128xf32, #tpu.memory_space<vmem>> -> memref<128x128xf32, #tpu.memory_space<vmem>>
      %dma_start3A_277 = arith.constant 0 : i32
      %dma_start3A_278 = tpu.memref_slice %arg5[%add3A_254, %dma_start3A_277] : memref<40x128xi32, #tpu.memory_space<vmem>> -> memref<1x128xi32, #tpu.memory_space<vmem>>
      %dma_start3A_279 = tpu.memref_squeeze %dma_start3A_278 : memref<1x128xi32, #tpu.memory_space<vmem>> -> memref<128xi32, #tpu.memory_space<vmem>>
      %dma_start3A_280 = arith.constant 0 : i32
      %dma_start3A_281 = arith.constant 0 : i32
      %dma_start3A_282 = tpu.memref_slice %arg7[%dma_start3A_280, %dma_start3A_281] : memref<10240x128xf32, #tpu.memory_space<vmem_shared>> -> memref<10240x128xf32, #tpu.memory_space<vmem_shared>>
      %dma_start3A_283 = tpu.memref_slice %arg8[%dma_start3A_272] : memref<2x!tpu.dma_semaphore, #tpu.memory_space<semaphore_mem>> -> memref<1x!tpu.dma_semaphore, #tpu.memory_space<semaphore_mem>>
      %dma_start3A_284 = tpu.memref_squeeze %dma_start3A_283 : memref<1x!tpu.dma_semaphore, #tpu.memory_space<semaphore_mem>> -> memref<!tpu.dma_semaphore, #tpu.memory_space<semaphore_mem>>
      tpu.enqueue_indirect_dma source(%dma_start3A_282 : memref<10240x128xf32, #tpu.memory_space<vmem_shared>>) target(%dma_start3A_276 : memref<128x128xf32, #tpu.memory_space<vmem>>) offsets(%dma_start3A_279 : memref<128xi32, #tpu.memory_space<vmem>>) semaphore(%dma_start3A_284 : memref<!tpu.dma_semaphore, #tpu.memory_space<semaphore_mem>>)
    }
    %scan3A_40 = arith.constant 19 : i32
    %dma_wait3A = arith.constant 38 : i32
    %dma_wait3A_41 = arith.constant 0 : i32
    %dma_wait3A_42 = arith.constant 0 : i32
    %dma_wait3A_43 = arith.constant 0 : i32
    %dma_wait3A_44 = arith.constant 0 : i32
    %dma_wait3A_45 = tpu.memref_slice %arg6[%dma_wait3A_41, %dma_wait3A_43, %dma_wait3A_44] : memref<2x128x128xf32, #tpu.memory_space<vmem>> -> memref<1x128x128xf32, #tpu.memory_space<vmem>>
    %dma_wait3A_46 = tpu.memref_squeeze %dma_wait3A_45 : memref<1x128x128xf32, #tpu.memory_space<vmem>> -> memref<128x128xf32, #tpu.memory_space<vmem>>
    %dma_wait3A_47 = arith.constant 0 : i32
    %dma_wait3A_48 = tpu.memref_slice %arg5[%dma_wait3A, %dma_wait3A_47] : memref<40x128xi32, #tpu.memory_space<vmem>> -> memref<1x128xi32, #tpu.memory_space<vmem>>
    %dma_wait3A_49 = tpu.memref_squeeze %dma_wait3A_48 : memref<1x128xi32, #tpu.memory_space<vmem>> -> memref<128xi32, #tpu.memory_space<vmem>>
    %dma_wait3A_50 = arith.constant 0 : i32
    %dma_wait3A_51 = arith.constant 0 : i32
    %dma_wait3A_52 = tpu.memref_slice %arg7[%dma_wait3A_50, %dma_wait3A_51] : memref<10240x128xf32, #tpu.memory_space<vmem_shared>> -> memref<10240x128xf32, #tpu.memory_space<vmem_shared>>
    %dma_wait3A_53 = tpu.memref_slice %arg8[%dma_wait3A_42] : memref<2x!tpu.dma_semaphore, #tpu.memory_space<semaphore_mem>> -> memref<1x!tpu.dma_semaphore, #tpu.memory_space<semaphore_mem>>
    %dma_wait3A_54 = tpu.memref_squeeze %dma_wait3A_53 : memref<1x!tpu.dma_semaphore, #tpu.memory_space<semaphore_mem>> -> memref<!tpu.dma_semaphore, #tpu.memory_space<semaphore_mem>>
    tpu.wait_indirect_dma semaphore(%dma_wait3A_54 : memref<!tpu.dma_semaphore, #tpu.memory_space<semaphore_mem>>) src(%dma_wait3A_52 : memref<10240x128xf32, #tpu.memory_space<vmem_shared>>) dst(%dma_wait3A_46 : memref<128x128xf32, #tpu.memory_space<vmem>>)
    %add3A_55 = arith.constant 4864 : i32
    %add3A_56 = arith.addi %mul3A_2, %add3A_55 : i32
    %dma_start3A_57 = arith.constant 0 : i32
    %dma_start3A_58 = arith.constant 0 : i32
    %dma_start3A_59 = arith.constant 0 : i32
    %dma_start3A_60 = arith.constant 0 : i32
    %dma_start3A_61 = tpu.memref_slice %arg6[%dma_start3A_57, %dma_start3A_59, %dma_start3A_60] : memref<2x128x128xf32, #tpu.memory_space<vmem>> -> memref<1x128x128xf32, #tpu.memory_space<vmem>>
    %dma_start3A_62 = tpu.memref_squeeze %dma_start3A_61 : memref<1x128x128xf32, #tpu.memory_space<vmem>> -> memref<128x128xf32, #tpu.memory_space<vmem>>
    %dma_start3A_63 = arith.constant 0 : i32
    %dma_start3A_64 = tpu.memref_slice %arg4[%add3A_56, %dma_start3A_63] : memref<163840x128xf32, #tpu.memory_space<hbm>> -> memref<128x128xf32, #tpu.memory_space<hbm>>
    %dma_start3A_65 = tpu.memref_slice %arg9[%dma_start3A_58] : memref<2x!tpu.dma_semaphore, #tpu.memory_space<semaphore_mem>> -> memref<1x!tpu.dma_semaphore, #tpu.memory_space<semaphore_mem>>
    %dma_start3A_66 = tpu.memref_squeeze %dma_start3A_65 : memref<1x!tpu.dma_semaphore, #tpu.memory_space<semaphore_mem>> -> memref<!tpu.dma_semaphore, #tpu.memory_space<semaphore_mem>>
    %dma_start3A_67 = arith.constant 0 : i32
    %dma_start3A_68 = tpu.memref_slice %arg4[%add3A_56, %dma_start3A_67] : memref<163840x128xf32, #tpu.memory_space<hbm>> -> memref<128x128xf32, #tpu.memory_space<hbm>>
    %dma_start3A_69 = arith.constant 0 : i32
    %dma_start3A_70 = arith.constant 0 : i32
    %dma_start3A_71 = tpu.memref_slice %arg6[%dma_start3A_57, %dma_start3A_69, %dma_start3A_70] : memref<2x128x128xf32, #tpu.memory_space<vmem>> -> memref<1x128x128xf32, #tpu.memory_space<vmem>>
    %dma_start3A_72 = tpu.memref_squeeze %dma_start3A_71 : memref<1x128x128xf32, #tpu.memory_space<vmem>> -> memref<128x128xf32, #tpu.memory_space<vmem>>
    tpu.enqueue_dma source(%dma_start3A_72 : memref<128x128xf32, #tpu.memory_space<vmem>>) target(%dma_start3A_68 : memref<128x128xf32, #tpu.memory_space<hbm>>) target_semaphore(%dma_start3A_66 : memref<!tpu.dma_semaphore, #tpu.memory_space<semaphore_mem>>)
    %dma_wait3A_73 = arith.constant 39 : i32
    %dma_wait3A_74 = arith.constant 1 : i32
    %dma_wait3A_75 = arith.constant 1 : i32
    %dma_wait3A_76 = arith.constant 0 : i32
    %dma_wait3A_77 = arith.constant 0 : i32
    %dma_wait3A_78 = tpu.memref_slice %arg6[%dma_wait3A_74, %dma_wait3A_76, %dma_wait3A_77] : memref<2x128x128xf32, #tpu.memory_space<vmem>> -> memref<1x128x128xf32, #tpu.memory_space<vmem>>
    %dma_wait3A_79 = tpu.memref_squeeze %dma_wait3A_78 : memref<1x128x128xf32, #tpu.memory_space<vmem>> -> memref<128x128xf32, #tpu.memory_space<vmem>>
    %dma_wait3A_80 = arith.constant 0 : i32
    %dma_wait3A_81 = tpu.memref_slice %arg5[%dma_wait3A_73, %dma_wait3A_80] : memref<40x128xi32, #tpu.memory_space<vmem>> -> memref<1x128xi32, #tpu.memory_space<vmem>>
    %dma_wait3A_82 = tpu.memref_squeeze %dma_wait3A_81 : memref<1x128xi32, #tpu.memory_space<vmem>> -> memref<128xi32, #tpu.memory_space<vmem>>
    %dma_wait3A_83 = arith.constant 0 : i32
    %dma_wait3A_84 = arith.constant 0 : i32
    %dma_wait3A_85 = tpu.memref_slice %arg7[%dma_wait3A_83, %dma_wait3A_84] : memref<10240x128xf32, #tpu.memory_space<vmem_shared>> -> memref<10240x128xf32, #tpu.memory_space<vmem_shared>>
    %dma_wait3A_86 = tpu.memref_slice %arg8[%dma_wait3A_75] : memref<2x!tpu.dma_semaphore, #tpu.memory_space<semaphore_mem>> -> memref<1x!tpu.dma_semaphore, #tpu.memory_space<semaphore_mem>>
    %dma_wait3A_87 = tpu.memref_squeeze %dma_wait3A_86 : memref<1x!tpu.dma_semaphore, #tpu.memory_space<semaphore_mem>> -> memref<!tpu.dma_semaphore, #tpu.memory_space<semaphore_mem>>
    tpu.wait_indirect_dma semaphore(%dma_wait3A_87 : memref<!tpu.dma_semaphore, #tpu.memory_space<semaphore_mem>>) src(%dma_wait3A_85 : memref<10240x128xf32, #tpu.memory_space<vmem_shared>>) dst(%dma_wait3A_79 : memref<128x128xf32, #tpu.memory_space<vmem>>)
    %add3A_88 = arith.constant 4992 : i32
    %add3A_89 = arith.addi %mul3A_2, %add3A_88 : i32
    %dma_start3A_90 = arith.constant 1 : i32
    %dma_start3A_91 = arith.constant 1 : i32
    %dma_start3A_92 = arith.constant 0 : i32
    %dma_start3A_93 = arith.constant 0 : i32
    %dma_start3A_94 = tpu.memref_slice %arg6[%dma_start3A_90, %dma_start3A_92, %dma_start3A_93] : memref<2x128x128xf32, #tpu.memory_space<vmem>> -> memref<1x128x128xf32, #tpu.memory_space<vmem>>
    %dma_start3A_95 = tpu.memref_squeeze %dma_start3A_94 : memref<1x128x128xf32, #tpu.memory_space<vmem>> -> memref<128x128xf32, #tpu.memory_space<vmem>>
    %dma_start3A_96 = arith.constant 0 : i32
    %dma_start3A_97 = tpu.memref_slice %arg4[%add3A_89, %dma_start3A_96] : memref<163840x128xf32, #tpu.memory_space<hbm>> -> memref<128x128xf32, #tpu.memory_space<hbm>>
    %dma_start3A_98 = tpu.memref_slice %arg9[%dma_start3A_91] : memref<2x!tpu.dma_semaphore, #tpu.memory_space<semaphore_mem>> -> memref<1x!tpu.dma_semaphore, #tpu.memory_space<semaphore_mem>>
    %dma_start3A_99 = tpu.memref_squeeze %dma_start3A_98 : memref<1x!tpu.dma_semaphore, #tpu.memory_space<semaphore_mem>> -> memref<!tpu.dma_semaphore, #tpu.memory_space<semaphore_mem>>
    %dma_start3A_100 = arith.constant 0 : i32
    %dma_start3A_101 = tpu.memref_slice %arg4[%add3A_89, %dma_start3A_100] : memref<163840x128xf32, #tpu.memory_space<hbm>> -> memref<128x128xf32, #tpu.memory_space<hbm>>
    %dma_start3A_102 = arith.constant 0 : i32
    %dma_start3A_103 = arith.constant 0 : i32
    %dma_start3A_104 = tpu.memref_slice %arg6[%dma_start3A_90, %dma_start3A_102, %dma_start3A_103] : memref<2x128x128xf32, #tpu.memory_space<vmem>> -> memref<1x128x128xf32, #tpu.memory_space<vmem>>
    %dma_start3A_105 = tpu.memref_squeeze %dma_start3A_104 : memref<1x128x128xf32, #tpu.memory_space<vmem>> -> memref<128x128xf32, #tpu.memory_space<vmem>>
    tpu.enqueue_dma source(%dma_start3A_105 : memref<128x128xf32, #tpu.memory_space<vmem>>) target(%dma_start3A_101 : memref<128x128xf32, #tpu.memory_space<hbm>>) target_semaphore(%dma_start3A_99 : memref<!tpu.dma_semaphore, #tpu.memory_space<semaphore_mem>>)
    %dma_wait3A_106 = arith.constant 0 : i32
    %dma_wait3A_107 = arith.constant 0 : i32
    %dma_wait3A_108 = arith.constant 0 : i32
    %dma_wait3A_109 = arith.constant 0 : i32
    %dma_wait3A_110 = tpu.memref_slice %arg6[%dma_wait3A_106, %dma_wait3A_108, %dma_wait3A_109] : memref<2x128x128xf32, #tpu.memory_space<vmem>> -> memref<1x128x128xf32, #tpu.memory_space<vmem>>
    %dma_wait3A_111 = tpu.memref_squeeze %dma_wait3A_110 : memref<1x128x128xf32, #tpu.memory_space<vmem>> -> memref<128x128xf32, #tpu.memory_space<vmem>>
    %dma_wait3A_112 = arith.constant 0 : i32
    %dma_wait3A_113 = tpu.memref_slice %arg4[%mul3A_2, %dma_wait3A_112] : memref<163840x128xf32, #tpu.memory_space<hbm>> -> memref<128x128xf32, #tpu.memory_space<hbm>>
    %dma_wait3A_114 = tpu.memref_slice %arg9[%dma_wait3A_107] : memref<2x!tpu.dma_semaphore, #tpu.memory_space<semaphore_mem>> -> memref<1x!tpu.dma_semaphore, #tpu.memory_space<semaphore_mem>>
    %dma_wait3A_115 = tpu.memref_squeeze %dma_wait3A_114 : memref<1x!tpu.dma_semaphore, #tpu.memory_space<semaphore_mem>> -> memref<!tpu.dma_semaphore, #tpu.memory_space<semaphore_mem>>
    %dma_wait3A_116 = arith.constant 0 : i32
    %dma_wait3A_117 = tpu.memref_slice %arg4[%mul3A_2, %dma_wait3A_116] : memref<163840x128xf32, #tpu.memory_space<hbm>> -> memref<128x128xf32, #tpu.memory_space<hbm>>
    %dma_wait3A_118 = arith.constant 0 : i32
    %dma_wait3A_119 = arith.constant 0 : i32
    %dma_wait3A_120 = tpu.memref_slice %arg6[%dma_wait3A_106, %dma_wait3A_118, %dma_wait3A_119] : memref<2x128x128xf32, #tpu.memory_space<vmem>> -> memref<1x128x128xf32, #tpu.memory_space<vmem>>
    %dma_wait3A_121 = tpu.memref_squeeze %dma_wait3A_120 : memref<1x128x128xf32, #tpu.memory_space<vmem>> -> memref<128x128xf32, #tpu.memory_space<vmem>>
    tpu.wait_dma2 semaphore(%dma_wait3A_115 : memref<!tpu.dma_semaphore, #tpu.memory_space<semaphore_mem>>) src(%dma_wait3A_121 : memref<128x128xf32, #tpu.memory_space<vmem>>) dst(%dma_wait3A_117 : memref<128x128xf32, #tpu.memory_space<hbm>>)
    %dma_wait3A_122 = arith.constant 1 : i32
    %dma_wait3A_123 = arith.constant 1 : i32
    %dma_wait3A_124 = arith.constant 0 : i32
    %dma_wait3A_125 = arith.constant 0 : i32
    %dma_wait3A_126 = tpu.memref_slice %arg6[%dma_wait3A_122, %dma_wait3A_124, %dma_wait3A_125] : memref<2x128x128xf32, #tpu.memory_space<vmem>> -> memref<1x128x128xf32, #tpu.memory_space<vmem>>
    %dma_wait3A_127 = tpu.memref_squeeze %dma_wait3A_126 : memref<1x128x128xf32, #tpu.memory_space<vmem>> -> memref<128x128xf32, #tpu.memory_space<vmem>>
    %dma_wait3A_128 = arith.constant 0 : i32
    %dma_wait3A_129 = tpu.memref_slice %arg4[%mul3A_2, %dma_wait3A_128] : memref<163840x128xf32, #tpu.memory_space<hbm>> -> memref<128x128xf32, #tpu.memory_space<hbm>>
    %dma_wait3A_130 = tpu.memref_slice %arg9[%dma_wait3A_123] : memref<2x!tpu.dma_semaphore, #tpu.memory_space<semaphore_mem>> -> memref<1x!tpu.dma_semaphore, #tpu.memory_space<semaphore_mem>>
    %dma_wait3A_131 = tpu.memref_squeeze %dma_wait3A_130 : memref<1x!tpu.dma_semaphore, #tpu.memory_space<semaphore_mem>> -> memref<!tpu.dma_semaphore, #tpu.memory_space<semaphore_mem>>
    %dma_wait3A_132 = arith.constant 0 : i32
    %dma_wait3A_133 = tpu.memref_slice %arg4[%mul3A_2, %dma_wait3A_132] : memref<163840x128xf32, #tpu.memory_space<hbm>> -> memref<128x128xf32, #tpu.memory_space<hbm>>
    %dma_wait3A_134 = arith.constant 0 : i32
    %dma_wait3A_135 = arith.constant 0 : i32
    %dma_wait3A_136 = tpu.memref_slice %arg6[%dma_wait3A_122, %dma_wait3A_134, %dma_wait3A_135] : memref<2x128x128xf32, #tpu.memory_space<vmem>> -> memref<1x128x128xf32, #tpu.memory_space<vmem>>
    %dma_wait3A_137 = tpu.memref_squeeze %dma_wait3A_136 : memref<1x128x128xf32, #tpu.memory_space<vmem>> -> memref<128x128xf32, #tpu.memory_space<vmem>>
    tpu.wait_dma2 semaphore(%dma_wait3A_131 : memref<!tpu.dma_semaphore, #tpu.memory_space<semaphore_mem>>) src(%dma_wait3A_137 : memref<128x128xf32, #tpu.memory_space<vmem>>) dst(%dma_wait3A_133 : memref<128x128xf32, #tpu.memory_space<hbm>>)
    return
  }
}

#map = affine_map<(d0, d1) -> (0, 0)>
#map1 = affine_map<(d0, d1) -> (0, 0, 0)>
module attributes {stable_mosaic.version = 14 : i64} {
  func.func @_scatter_body(%arg0: i32, %arg1: i32, %arg2: memref<163840x128xf32, #tpu.memory_space<hbm>>, %arg3: memref<32x40x128xi32, #tpu.memory_space<hbm>>, %arg4: memref<2x10240x128xf32, #tpu.memory_space<hbm>>, %arg5: memref<2x10240xf32, #tpu.memory_space<hbm>>, %arg6: memref<2x10240x128xf32, #tpu.memory_space<hbm>>, %arg7: memref<2x10240xf32, #tpu.memory_space<hbm>>, %arg8: memref<40x128xi32, #tpu.memory_space<vmem>>, %arg9: memref<2x128x128xf32, #tpu.memory_space<vmem>>, %arg10: memref<128xf32, #tpu.memory_space<vmem>>, %arg11: memref<10240x128xf32, #tpu.memory_space<vmem_shared>>, %arg12: memref<10240xf32, #tpu.memory_space<vmem_shared>>, %arg13: memref<2x!tpu.dma_semaphore, #tpu.memory_space<semaphore_mem>>, %arg14: memref<2x!tpu.dma_semaphore, #tpu.memory_space<semaphore_mem>>, %arg15: memref<2x!tpu.dma_semaphore, #tpu.memory_space<semaphore_mem>>) attributes {dimension_semantics = [#tpu.dimension_semantics<core_parallel>, #tpu.dimension_semantics<subcore_parallel>], iteration_bounds = array<i64: 2, 16>, scalar_prefetch = 0 : i64, scratch_operands = 8 : i64, tpu.core_type = #tpu.core_type<sc_vector_subcore>, window_params = [{transform_indices = #map}, {transform_indices = #map1}, {transform_indices = #map1}, {transform_indices = #map}, {transform_indices = #map1}, {transform_indices = #map}]} {
    %mul3A = arith.constant 16 : i32
    %mul3A_0 = arith.muli %arg0, %mul3A : i32
    %add3A = arith.addi %mul3A_0, %arg1 : i32
    %mul3A_1 = arith.constant 5120 : i32
    %mul3A_2 = arith.muli %add3A, %mul3A_1 : i32
    %mul3A_3 = arith.constant 640 : i32
    %mul3A_4 = arith.muli %arg1, %mul3A_3 : i32
    %mul3A_5 = arith.constant 640 : i32
    %mul3A_6 = arith.muli %arg1, %mul3A_5 : i32
    "tpu.region"() ({
      %run_scoped3A = tpu.sem_alloc : memref<!tpu.dma_semaphore, #tpu.memory_space<semaphore_mem>>
      %dma_start3A_233 = arith.constant 0 : i32
      %dma_start3A_234 = tpu.memref_slice %arg11[%mul3A_6, %dma_start3A_233] : memref<10240x128xf32, #tpu.memory_space<vmem_shared>> -> memref<640x128xf32, #tpu.memory_space<vmem_shared>>
      %dma_start3A_235 = arith.constant 0 : i32
      %dma_start3A_236 = tpu.memref_slice %arg4[%arg0, %mul3A_4, %dma_start3A_235] : memref<2x10240x128xf32, #tpu.memory_space<hbm>> -> memref<1x640x128xf32, #tpu.memory_space<hbm>>
      %dma_start3A_237 = tpu.memref_squeeze %dma_start3A_236 : memref<1x640x128xf32, #tpu.memory_space<hbm>> -> memref<640x128xf32, #tpu.memory_space<hbm>>
      tpu.enqueue_dma source(%dma_start3A_237 : memref<640x128xf32, #tpu.memory_space<hbm>>) target(%dma_start3A_234 : memref<640x128xf32, #tpu.memory_space<vmem_shared>>) target_semaphore(%run_scoped3A : memref<!tpu.dma_semaphore, #tpu.memory_space<semaphore_mem>>)
      %dma_wait3A_238 = arith.constant 0 : i32
      %dma_wait3A_239 = tpu.memref_slice %arg11[%mul3A_6, %dma_wait3A_238] : memref<10240x128xf32, #tpu.memory_space<vmem_shared>> -> memref<640x128xf32, #tpu.memory_space<vmem_shared>>
      %dma_wait3A_240 = arith.constant 0 : i32
      %dma_wait3A_241 = tpu.memref_slice %arg4[%arg0, %mul3A_4, %dma_wait3A_240] : memref<2x10240x128xf32, #tpu.memory_space<hbm>> -> memref<1x640x128xf32, #tpu.memory_space<hbm>>
      %dma_wait3A_242 = tpu.memref_squeeze %dma_wait3A_241 : memref<1x640x128xf32, #tpu.memory_space<hbm>> -> memref<640x128xf32, #tpu.memory_space<hbm>>
      tpu.wait_dma2 semaphore(%run_scoped3A : memref<!tpu.dma_semaphore, #tpu.memory_space<semaphore_mem>>) src(%dma_wait3A_242 : memref<640x128xf32, #tpu.memory_space<hbm>>) dst(%dma_wait3A_239 : memref<640x128xf32, #tpu.memory_space<vmem_shared>>)
      tpu.yield
    }) : () -> ()
    %mul3A_7 = arith.constant 640 : i32
    %mul3A_8 = arith.muli %arg1, %mul3A_7 : i32
    %mul3A_9 = arith.constant 640 : i32
    %mul3A_10 = arith.muli %arg1, %mul3A_9 : i32
    "tpu.region"() ({
      %run_scoped3A = tpu.sem_alloc : memref<!tpu.dma_semaphore, #tpu.memory_space<semaphore_mem>>
      %dma_start3A_233 = tpu.memref_slice %arg12[%mul3A_10] : memref<10240xf32, #tpu.memory_space<vmem_shared>> -> memref<640xf32, #tpu.memory_space<vmem_shared>>
      %dma_start3A_234 = tpu.memref_slice %arg5[%arg0, %mul3A_8] : memref<2x10240xf32, #tpu.memory_space<hbm>> -> memref<1x640xf32, #tpu.memory_space<hbm>>
      %dma_start3A_235 = tpu.memref_squeeze %dma_start3A_234 : memref<1x640xf32, #tpu.memory_space<hbm>> -> memref<640xf32, #tpu.memory_space<hbm>>
      tpu.enqueue_dma source(%dma_start3A_235 : memref<640xf32, #tpu.memory_space<hbm>>) target(%dma_start3A_233 : memref<640xf32, #tpu.memory_space<vmem_shared>>) target_semaphore(%run_scoped3A : memref<!tpu.dma_semaphore, #tpu.memory_space<semaphore_mem>>)
      %dma_wait3A_236 = tpu.memref_slice %arg12[%mul3A_10] : memref<10240xf32, #tpu.memory_space<vmem_shared>> -> memref<640xf32, #tpu.memory_space<vmem_shared>>
      %dma_wait3A_237 = tpu.memref_slice %arg5[%arg0, %mul3A_8] : memref<2x10240xf32, #tpu.memory_space<hbm>> -> memref<1x640xf32, #tpu.memory_space<hbm>>
      %dma_wait3A_238 = tpu.memref_squeeze %dma_wait3A_237 : memref<1x640xf32, #tpu.memory_space<hbm>> -> memref<640xf32, #tpu.memory_space<hbm>>
      tpu.wait_dma2 semaphore(%run_scoped3A : memref<!tpu.dma_semaphore, #tpu.memory_space<semaphore_mem>>) src(%dma_wait3A_238 : memref<640xf32, #tpu.memory_space<hbm>>) dst(%dma_wait3A_236 : memref<640xf32, #tpu.memory_space<vmem_shared>>)
      tpu.yield
    }) : () -> ()
    %broadcast_in_dim3A = arith.constant 1.000000e+00 : f32
    %broadcast_in_dim3A_11 = vector.broadcast %broadcast_in_dim3A : f32 to vector<16xf32>
    %swap3A = arith.constant 0 : index
    %swap3A_12 = tpu.vector_load %arg10[%swap3A] {strides = array<i32>} : memref<128xf32, #tpu.memory_space<vmem>>, vector<16xf32>,
    %swap3A_13 = vector.shape_cast %swap3A_12 : vector<16xf32> to vector<16xf32>
    %swap3A_14 = vector.shape_cast %broadcast_in_dim3A_11 : vector<16xf32> to vector<16xf32>
    tpu.vector_store %arg10[%swap3A], %swap3A_14 {strides = array<i32>} : memref<128xf32, #tpu.memory_space<vmem>>, vector<16xf32>,
    %broadcast_in_dim3A_15 = arith.constant 1.000000e+00 : f32
    %broadcast_in_dim3A_16 = vector.broadcast %broadcast_in_dim3A_15 : f32 to vector<16xf32>
    %swap3A_17 = arith.constant 16 : index
    %swap3A_18 = tpu.vector_load %arg10[%swap3A_17] {strides = array<i32>} : memref<128xf32, #tpu.memory_space<vmem>>, vector<16xf32>,
    %swap3A_19 = vector.shape_cast %swap3A_18 : vector<16xf32> to vector<16xf32>
    %swap3A_20 = vector.shape_cast %broadcast_in_dim3A_16 : vector<16xf32> to vector<16xf32>
    tpu.vector_store %arg10[%swap3A_17], %swap3A_20 {strides = array<i32>} : memref<128xf32, #tpu.memory_space<vmem>>, vector<16xf32>,
    %broadcast_in_dim3A_21 = arith.constant 1.000000e+00 : f32
    %broadcast_in_dim3A_22 = vector.broadcast %broadcast_in_dim3A_21 : f32 to vector<16xf32>
    %swap3A_23 = arith.constant 32 : index
    %swap3A_24 = tpu.vector_load %arg10[%swap3A_23] {strides = array<i32>} : memref<128xf32, #tpu.memory_space<vmem>>, vector<16xf32>,
    %swap3A_25 = vector.shape_cast %swap3A_24 : vector<16xf32> to vector<16xf32>
    %swap3A_26 = vector.shape_cast %broadcast_in_dim3A_22 : vector<16xf32> to vector<16xf32>
    tpu.vector_store %arg10[%swap3A_23], %swap3A_26 {strides = array<i32>} : memref<128xf32, #tpu.memory_space<vmem>>, vector<16xf32>,
    %broadcast_in_dim3A_27 = arith.constant 1.000000e+00 : f32
    %broadcast_in_dim3A_28 = vector.broadcast %broadcast_in_dim3A_27 : f32 to vector<16xf32>
    %swap3A_29 = arith.constant 48 : index
    %swap3A_30 = tpu.vector_load %arg10[%swap3A_29] {strides = array<i32>} : memref<128xf32, #tpu.memory_space<vmem>>, vector<16xf32>,
    %swap3A_31 = vector.shape_cast %swap3A_30 : vector<16xf32> to vector<16xf32>
    %swap3A_32 = vector.shape_cast %broadcast_in_dim3A_28 : vector<16xf32> to vector<16xf32>
    tpu.vector_store %arg10[%swap3A_29], %swap3A_32 {strides = array<i32>} : memref<128xf32, #tpu.memory_space<vmem>>, vector<16xf32>,
    %broadcast_in_dim3A_33 = arith.constant 1.000000e+00 : f32
    %broadcast_in_dim3A_34 = vector.broadcast %broadcast_in_dim3A_33 : f32 to vector<16xf32>
    %swap3A_35 = arith.constant 64 : index
    %swap3A_36 = tpu.vector_load %arg10[%swap3A_35] {strides = array<i32>} : memref<128xf32, #tpu.memory_space<vmem>>, vector<16xf32>,
    %swap3A_37 = vector.shape_cast %swap3A_36 : vector<16xf32> to vector<16xf32>
    %swap3A_38 = vector.shape_cast %broadcast_in_dim3A_34 : vector<16xf32> to vector<16xf32>
    tpu.vector_store %arg10[%swap3A_35], %swap3A_38 {strides = array<i32>} : memref<128xf32, #tpu.memory_space<vmem>>, vector<16xf32>,
    %broadcast_in_dim3A_39 = arith.constant 1.000000e+00 : f32
    %broadcast_in_dim3A_40 = vector.broadcast %broadcast_in_dim3A_39 : f32 to vector<16xf32>
    %swap3A_41 = arith.constant 80 : index
    %swap3A_42 = tpu.vector_load %arg10[%swap3A_41] {strides = array<i32>} : memref<128xf32, #tpu.memory_space<vmem>>, vector<16xf32>,
    %swap3A_43 = vector.shape_cast %swap3A_42 : vector<16xf32> to vector<16xf32>
    %swap3A_44 = vector.shape_cast %broadcast_in_dim3A_40 : vector<16xf32> to vector<16xf32>
    tpu.vector_store %arg10[%swap3A_41], %swap3A_44 {strides = array<i32>} : memref<128xf32, #tpu.memory_space<vmem>>, vector<16xf32>,
    %broadcast_in_dim3A_45 = arith.constant 1.000000e+00 : f32
    %broadcast_in_dim3A_46 = vector.broadcast %broadcast_in_dim3A_45 : f32 to vector<16xf32>
    %swap3A_47 = arith.constant 96 : index
    %swap3A_48 = tpu.vector_load %arg10[%swap3A_47] {strides = array<i32>} : memref<128xf32, #tpu.memory_space<vmem>>, vector<16xf32>,
    %swap3A_49 = vector.shape_cast %swap3A_48 : vector<16xf32> to vector<16xf32>
    %swap3A_50 = vector.shape_cast %broadcast_in_dim3A_46 : vector<16xf32> to vector<16xf32>
    tpu.vector_store %arg10[%swap3A_47], %swap3A_50 {strides = array<i32>} : memref<128xf32, #tpu.memory_space<vmem>>, vector<16xf32>,
    %broadcast_in_dim3A_51 = arith.constant 1.000000e+00 : f32
    %broadcast_in_dim3A_52 = vector.broadcast %broadcast_in_dim3A_51 : f32 to vector<16xf32>
    %swap3A_53 = arith.constant 112 : index
    %swap3A_54 = tpu.vector_load %arg10[%swap3A_53] {strides = array<i32>} : memref<128xf32, #tpu.memory_space<vmem>>, vector<16xf32>,
    %swap3A_55 = vector.shape_cast %swap3A_54 : vector<16xf32> to vector<16xf32>
    %swap3A_56 = vector.shape_cast %broadcast_in_dim3A_52 : vector<16xf32> to vector<16xf32>
    tpu.vector_store %arg10[%swap3A_53], %swap3A_56 {strides = array<i32>} : memref<128xf32, #tpu.memory_space<vmem>>, vector<16xf32>,
    "tpu.region"() ({
      %run_scoped3A = tpu.sem_alloc : memref<!tpu.dma_semaphore, #tpu.memory_space<semaphore_mem>>
      %dma_start3A_233 = arith.constant 0 : i32
      %dma_start3A_234 = arith.constant 0 : i32
      %dma_start3A_235 = tpu.memref_slice %arg3[%add3A, %dma_start3A_233, %dma_start3A_234] : memref<32x40x128xi32, #tpu.memory_space<hbm>> -> memref<1x40x128xi32, #tpu.memory_space<hbm>>
      %dma_start3A_236 = tpu.memref_squeeze %dma_start3A_235 : memref<1x40x128xi32, #tpu.memory_space<hbm>> -> memref<40x128xi32, #tpu.memory_space<hbm>>
      %dma_start3A_237 = arith.constant 0 : i32
      %dma_start3A_238 = arith.constant 0 : i32
      %dma_start3A_239 = tpu.memref_slice %arg3[%add3A, %dma_start3A_237, %dma_start3A_238] : memref<32x40x128xi32, #tpu.memory_space<hbm>> -> memref<1x40x128xi32, #tpu.memory_space<hbm>>
      %dma_start3A_240 = tpu.memref_squeeze %dma_start3A_239 : memref<1x40x128xi32, #tpu.memory_space<hbm>> -> memref<40x128xi32, #tpu.memory_space<hbm>>
      tpu.enqueue_dma source(%dma_start3A_240 : memref<40x128xi32, #tpu.memory_space<hbm>>) target(%arg8 : memref<40x128xi32, #tpu.memory_space<vmem>>) target_semaphore(%run_scoped3A : memref<!tpu.dma_semaphore, #tpu.memory_space<semaphore_mem>>)
      %dma_wait3A_241 = arith.constant 0 : i32
      %dma_wait3A_242 = arith.constant 0 : i32
      %dma_wait3A_243 = tpu.memref_slice %arg3[%add3A, %dma_wait3A_241, %dma_wait3A_242] : memref<32x40x128xi32, #tpu.memory_space<hbm>> -> memref<1x40x128xi32, #tpu.memory_space<hbm>>
      %dma_wait3A_244 = tpu.memref_squeeze %dma_wait3A_243 : memref<1x40x128xi32, #tpu.memory_space<hbm>> -> memref<40x128xi32, #tpu.memory_space<hbm>>
      %dma_wait3A_245 = arith.constant 0 : i32
      %dma_wait3A_246 = arith.constant 0 : i32
      %dma_wait3A_247 = tpu.memref_slice %arg3[%add3A, %dma_wait3A_245, %dma_wait3A_246] : memref<32x40x128xi32, #tpu.memory_space<hbm>> -> memref<1x40x128xi32, #tpu.memory_space<hbm>>
      %dma_wait3A_248 = tpu.memref_squeeze %dma_wait3A_247 : memref<1x40x128xi32, #tpu.memory_space<hbm>> -> memref<40x128xi32, #tpu.memory_space<hbm>>
      tpu.wait_dma2 semaphore(%run_scoped3A : memref<!tpu.dma_semaphore, #tpu.memory_space<semaphore_mem>>) src(%dma_wait3A_248 : memref<40x128xi32, #tpu.memory_space<hbm>>) dst(%arg8 : memref<40x128xi32, #tpu.memory_space<vmem>>)
      tpu.yield
    }) : () -> ()
    %barrier3A = arith.constant 0 : index
    tpu.barrier barrier_id(%barrier3A)
    %add3A_57 = arith.constant 0 : i32
    %add3A_58 = arith.addi %mul3A_2, %add3A_57 : i32
    %dma_start3A = arith.constant 0 : i32
    %dma_start3A_59 = arith.constant 0 : i32
    %dma_start3A_60 = arith.constant 0 : i32
    %dma_start3A_61 = arith.constant 0 : i32
    %dma_start3A_62 = tpu.memref_slice %arg9[%dma_start3A, %dma_start3A_60, %dma_start3A_61] : memref<2x128x128xf32, #tpu.memory_space<vmem>> -> memref<1x128x128xf32, #tpu.memory_space<vmem>>
    %dma_start3A_63 = tpu.memref_squeeze %dma_start3A_62 : memref<1x128x128xf32, #tpu.memory_space<vmem>> -> memref<128x128xf32, #tpu.memory_space<vmem>>
    %dma_start3A_64 = arith.constant 0 : i32
    %dma_start3A_65 = tpu.memref_slice %arg2[%add3A_58, %dma_start3A_64] : memref<163840x128xf32, #tpu.memory_space<hbm>> -> memref<128x128xf32, #tpu.memory_space<hbm>>
    %dma_start3A_66 = tpu.memref_slice %arg13[%dma_start3A_59] : memref<2x!tpu.dma_semaphore, #tpu.memory_space<semaphore_mem>> -> memref<1x!tpu.dma_semaphore, #tpu.memory_space<semaphore_mem>>
    %dma_start3A_67 = tpu.memref_squeeze %dma_start3A_66 : memref<1x!tpu.dma_semaphore, #tpu.memory_space<semaphore_mem>> -> memref<!tpu.dma_semaphore, #tpu.memory_space<semaphore_mem>>
    %dma_start3A_68 = arith.constant 0 : i32
    %dma_start3A_69 = arith.constant 0 : i32
    %dma_start3A_70 = tpu.memref_slice %arg9[%dma_start3A, %dma_start3A_68, %dma_start3A_69] : memref<2x128x128xf32, #tpu.memory_space<vmem>> -> memref<1x128x128xf32, #tpu.memory_space<vmem>>
    %dma_start3A_71 = tpu.memref_squeeze %dma_start3A_70 : memref<1x128x128xf32, #tpu.memory_space<vmem>> -> memref<128x128xf32, #tpu.memory_space<vmem>>
    %dma_start3A_72 = arith.constant 0 : i32
    %dma_start3A_73 = tpu.memref_slice %arg2[%add3A_58, %dma_start3A_72] : memref<163840x128xf32, #tpu.memory_space<hbm>> -> memref<128x128xf32, #tpu.memory_space<hbm>>
    tpu.enqueue_dma source(%dma_start3A_73 : memref<128x128xf32, #tpu.memory_space<hbm>>) target(%dma_start3A_71 : memref<128x128xf32, #tpu.memory_space<vmem>>) target_semaphore(%dma_start3A_67 : memref<!tpu.dma_semaphore, #tpu.memory_space<semaphore_mem>>)
    %add3A_74 = arith.constant 128 : i32
    %add3A_75 = arith.addi %mul3A_2, %add3A_74 : i32
    %dma_start3A_76 = arith.constant 1 : i32
    %dma_start3A_77 = arith.constant 1 : i32
    %dma_start3A_78 = arith.constant 0 : i32
    %dma_start3A_79 = arith.constant 0 : i32
    %dma_start3A_80 = tpu.memref_slice %arg9[%dma_start3A_76, %dma_start3A_78, %dma_start3A_79] : memref<2x128x128xf32, #tpu.memory_space<vmem>> -> memref<1x128x128xf32, #tpu.memory_space<vmem>>
    %dma_start3A_81 = tpu.memref_squeeze %dma_start3A_80 : memref<1x128x128xf32, #tpu.memory_space<vmem>> -> memref<128x128xf32, #tpu.memory_space<vmem>>
    %dma_start3A_82 = arith.constant 0 : i32
    %dma_start3A_83 = tpu.memref_slice %arg2[%add3A_75, %dma_start3A_82] : memref<163840x128xf32, #tpu.memory_space<hbm>> -> memref<128x128xf32, #tpu.memory_space<hbm>>
    %dma_start3A_84 = tpu.memref_slice %arg13[%dma_start3A_77] : memref<2x!tpu.dma_semaphore, #tpu.memory_space<semaphore_mem>> -> memref<1x!tpu.dma_semaphore, #tpu.memory_space<semaphore_mem>>
    %dma_start3A_85 = tpu.memref_squeeze %dma_start3A_84 : memref<1x!tpu.dma_semaphore, #tpu.memory_space<semaphore_mem>> -> memref<!tpu.dma_semaphore, #tpu.memory_space<semaphore_mem>>
    %dma_start3A_86 = arith.constant 0 : i32
    %dma_start3A_87 = arith.constant 0 : i32
    %dma_start3A_88 = tpu.memref_slice %arg9[%dma_start3A_76, %dma_start3A_86, %dma_start3A_87] : memref<2x128x128xf32, #tpu.memory_space<vmem>> -> memref<1x128x128xf32, #tpu.memory_space<vmem>>
    %dma_start3A_89 = tpu.memref_squeeze %dma_start3A_88 : memref<1x128x128xf32, #tpu.memory_space<vmem>> -> memref<128x128xf32, #tpu.memory_space<vmem>>
    %dma_start3A_90 = arith.constant 0 : i32
    %dma_start3A_91 = tpu.memref_slice %arg2[%add3A_75, %dma_start3A_90] : memref<163840x128xf32, #tpu.memory_space<hbm>> -> memref<128x128xf32, #tpu.memory_space<hbm>>
    tpu.enqueue_dma source(%dma_start3A_91 : memref<128x128xf32, #tpu.memory_space<hbm>>) target(%dma_start3A_89 : memref<128x128xf32, #tpu.memory_space<vmem>>) target_semaphore(%dma_start3A_85 : memref<!tpu.dma_semaphore, #tpu.memory_space<semaphore_mem>>)
    %scan3A = arith.constant 0 : i32
    %scan3A_92 = arith.constant 0 : i32
    %scan3A_93 = arith.constant 19 : i32
    %scan3A_94 = arith.addi %scan3A_92, %scan3A_93 : i32
    %scan3A_95 = arith.constant 1 : i32
    scf.for %scan3A_233 = %scan3A_92 to %scan3A_94 step %scan3A_95  : i32 {
      %mul3A_234 = arith.constant 2 : i32
      %mul3A_235 = arith.muli %scan3A_233, %mul3A_234 : i32
      %add3A_236 = arith.constant 0 : i32
      %add3A_237 = arith.addi %mul3A_235, %add3A_236 : i32
      %dma_wait3A_238 = arith.constant 0 : i32
      %dma_wait3A_239 = arith.constant 0 : i32
      %dma_wait3A_240 = arith.constant 0 : i32
      %dma_wait3A_241 = arith.constant 0 : i32
      %dma_wait3A_242 = tpu.memref_slice %arg9[%dma_wait3A_238, %dma_wait3A_240, %dma_wait3A_241] : memref<2x128x128xf32, #tpu.memory_space<vmem>> -> memref<1x128x128xf32, #tpu.memory_space<vmem>>
      %dma_wait3A_243 = tpu.memref_squeeze %dma_wait3A_242 : memref<1x128x128xf32, #tpu.memory_space<vmem>> -> memref<128x128xf32, #tpu.memory_space<vmem>>
      %dma_wait3A_244 = arith.constant 0 : i32
      %dma_wait3A_245 = tpu.memref_slice %arg2[%mul3A_2, %dma_wait3A_244] : memref<163840x128xf32, #tpu.memory_space<hbm>> -> memref<128x128xf32, #tpu.memory_space<hbm>>
      %dma_wait3A_246 = tpu.memref_slice %arg13[%dma_wait3A_239] : memref<2x!tpu.dma_semaphore, #tpu.memory_space<semaphore_mem>> -> memref<1x!tpu.dma_semaphore, #tpu.memory_space<semaphore_mem>>
      %dma_wait3A_247 = tpu.memref_squeeze %dma_wait3A_246 : memref<1x!tpu.dma_semaphore, #tpu.memory_space<semaphore_mem>> -> memref<!tpu.dma_semaphore, #tpu.memory_space<semaphore_mem>>
      %dma_wait3A_248 = arith.constant 0 : i32
      %dma_wait3A_249 = arith.constant 0 : i32
      %dma_wait3A_250 = tpu.memref_slice %arg9[%dma_wait3A_238, %dma_wait3A_248, %dma_wait3A_249] : memref<2x128x128xf32, #tpu.memory_space<vmem>> -> memref<1x128x128xf32, #tpu.memory_space<vmem>>
      %dma_wait3A_251 = tpu.memref_squeeze %dma_wait3A_250 : memref<1x128x128xf32, #tpu.memory_space<vmem>> -> memref<128x128xf32, #tpu.memory_space<vmem>>
      %dma_wait3A_252 = arith.constant 0 : i32
      %dma_wait3A_253 = tpu.memref_slice %arg2[%mul3A_2, %dma_wait3A_252] : memref<163840x128xf32, #tpu.memory_space<hbm>> -> memref<128x128xf32, #tpu.memory_space<hbm>>
      tpu.wait_dma2 semaphore(%dma_wait3A_247 : memref<!tpu.dma_semaphore, #tpu.memory_space<semaphore_mem>>) src(%dma_wait3A_253 : memref<128x128xf32, #tpu.memory_space<hbm>>) dst(%dma_wait3A_251 : memref<128x128xf32, #tpu.memory_space<vmem>>)
      %dma_start3A_254 = arith.constant 0 : i32
      %dma_start3A_255 = arith.constant 0 : i32
      %dma_start3A_256 = arith.constant 0 : i32
      %dma_start3A_257 = arith.constant 0 : i32
      %dma_start3A_258 = tpu.memref_slice %arg9[%dma_start3A_254, %dma_start3A_256, %dma_start3A_257] : memref<2x128x128xf32, #tpu.memory_space<vmem>> -> memref<1x128x128xf32, #tpu.memory_space<vmem>>
      %dma_start3A_259 = tpu.memref_squeeze %dma_start3A_258 : memref<1x128x128xf32, #tpu.memory_space<vmem>> -> memref<128x128xf32, #tpu.memory_space<vmem>>
      %dma_start3A_260 = arith.constant 0 : i32
      %dma_start3A_261 = tpu.memref_slice %arg8[%add3A_237, %dma_start3A_260] : memref<40x128xi32, #tpu.memory_space<vmem>> -> memref<1x128xi32, #tpu.memory_space<vmem>>
      %dma_start3A_262 = tpu.memref_squeeze %dma_start3A_261 : memref<1x128xi32, #tpu.memory_space<vmem>> -> memref<128xi32, #tpu.memory_space<vmem>>
      %dma_start3A_263 = arith.constant 0 : i32
      %dma_start3A_264 = arith.constant 0 : i32
      %dma_start3A_265 = tpu.memref_slice %arg11[%dma_start3A_263, %dma_start3A_264] : memref<10240x128xf32, #tpu.memory_space<vmem_shared>> -> memref<10240x128xf32, #tpu.memory_space<vmem_shared>>
      %dma_start3A_266 = tpu.memref_slice %arg14[%dma_start3A_255] : memref<2x!tpu.dma_semaphore, #tpu.memory_space<semaphore_mem>> -> memref<1x!tpu.dma_semaphore, #tpu.memory_space<semaphore_mem>>
      %dma_start3A_267 = tpu.memref_squeeze %dma_start3A_266 : memref<1x!tpu.dma_semaphore, #tpu.memory_space<semaphore_mem>> -> memref<!tpu.dma_semaphore, #tpu.memory_space<semaphore_mem>>
      tpu.enqueue_indirect_dma source(%dma_start3A_259 : memref<128x128xf32, #tpu.memory_space<vmem>>) target(%dma_start3A_265 : memref<10240x128xf32, #tpu.memory_space<vmem_shared>>) offsets(%dma_start3A_262 : memref<128xi32, #tpu.memory_space<vmem>>) semaphore(%dma_start3A_267 : memref<!tpu.dma_semaphore, #tpu.memory_space<semaphore_mem>>) {add = true}
      %dma_start3A_268 = arith.constant 0 : i32
      %dma_start3A_269 = arith.constant 0 : i32
      %dma_start3A_270 = tpu.memref_slice %arg8[%add3A_237, %dma_start3A_269] : memref<40x128xi32, #tpu.memory_space<vmem>> -> memref<1x128xi32, #tpu.memory_space<vmem>>
      %dma_start3A_271 = tpu.memref_squeeze %dma_start3A_270 : memref<1x128xi32, #tpu.memory_space<vmem>> -> memref<128xi32, #tpu.memory_space<vmem>>
      %dma_start3A_272 = arith.constant 0 : i32
      %dma_start3A_273 = tpu.memref_slice %arg12[%dma_start3A_272] : memref<10240xf32, #tpu.memory_space<vmem_shared>> -> memref<10240xf32, #tpu.memory_space<vmem_shared>>
      %dma_start3A_274 = tpu.memref_slice %arg15[%dma_start3A_268] : memref<2x!tpu.dma_semaphore, #tpu.memory_space<semaphore_mem>> -> memref<1x!tpu.dma_semaphore, #tpu.memory_space<semaphore_mem>>
      %dma_start3A_275 = tpu.memref_squeeze %dma_start3A_274 : memref<1x!tpu.dma_semaphore, #tpu.memory_space<semaphore_mem>> -> memref<!tpu.dma_semaphore, #tpu.memory_space<semaphore_mem>>
      tpu.enqueue_indirect_dma source(%arg10 : memref<128xf32, #tpu.memory_space<vmem>>) target(%dma_start3A_273 : memref<10240xf32, #tpu.memory_space<vmem_shared>>) offsets(%dma_start3A_271 : memref<128xi32, #tpu.memory_space<vmem>>) semaphore(%dma_start3A_275 : memref<!tpu.dma_semaphore, #tpu.memory_space<semaphore_mem>>) {add = true}
      %mul3A_276 = arith.constant 2 : i32
      %mul3A_277 = arith.muli %scan3A_233, %mul3A_276 : i32
      %add3A_278 = arith.constant 1 : i32
      %add3A_279 = arith.addi %mul3A_277, %add3A_278 : i32
      %dma_wait3A_280 = arith.constant 1 : i32
      %dma_wait3A_281 = arith.constant 1 : i32
      %dma_wait3A_282 = arith.constant 0 : i32
      %dma_wait3A_283 = arith.constant 0 : i32
      %dma_wait3A_284 = tpu.memref_slice %arg9[%dma_wait3A_280, %dma_wait3A_282, %dma_wait3A_283] : memref<2x128x128xf32, #tpu.memory_space<vmem>> -> memref<1x128x128xf32, #tpu.memory_space<vmem>>
      %dma_wait3A_285 = tpu.memref_squeeze %dma_wait3A_284 : memref<1x128x128xf32, #tpu.memory_space<vmem>> -> memref<128x128xf32, #tpu.memory_space<vmem>>
      %dma_wait3A_286 = arith.constant 0 : i32
      %dma_wait3A_287 = tpu.memref_slice %arg2[%mul3A_2, %dma_wait3A_286] : memref<163840x128xf32, #tpu.memory_space<hbm>> -> memref<128x128xf32, #tpu.memory_space<hbm>>
      %dma_wait3A_288 = tpu.memref_slice %arg13[%dma_wait3A_281] : memref<2x!tpu.dma_semaphore, #tpu.memory_space<semaphore_mem>> -> memref<1x!tpu.dma_semaphore, #tpu.memory_space<semaphore_mem>>
      %dma_wait3A_289 = tpu.memref_squeeze %dma_wait3A_288 : memref<1x!tpu.dma_semaphore, #tpu.memory_space<semaphore_mem>> -> memref<!tpu.dma_semaphore, #tpu.memory_space<semaphore_mem>>
      %dma_wait3A_290 = arith.constant 0 : i32
      %dma_wait3A_291 = arith.constant 0 : i32
      %dma_wait3A_292 = tpu.memref_slice %arg9[%dma_wait3A_280, %dma_wait3A_290, %dma_wait3A_291] : memref<2x128x128xf32, #tpu.memory_space<vmem>> -> memref<1x128x128xf32, #tpu.memory_space<vmem>>
      %dma_wait3A_293 = tpu.memref_squeeze %dma_wait3A_292 : memref<1x128x128xf32, #tpu.memory_space<vmem>> -> memref<128x128xf32, #tpu.memory_space<vmem>>
      %dma_wait3A_294 = arith.constant 0 : i32
      %dma_wait3A_295 = tpu.memref_slice %arg2[%mul3A_2, %dma_wait3A_294] : memref<163840x128xf32, #tpu.memory_space<hbm>> -> memref<128x128xf32, #tpu.memory_space<hbm>>
      tpu.wait_dma2 semaphore(%dma_wait3A_289 : memref<!tpu.dma_semaphore, #tpu.memory_space<semaphore_mem>>) src(%dma_wait3A_295 : memref<128x128xf32, #tpu.memory_space<hbm>>) dst(%dma_wait3A_293 : memref<128x128xf32, #tpu.memory_space<vmem>>)
      %dma_start3A_296 = arith.constant 1 : i32
      %dma_start3A_297 = arith.constant 1 : i32
      %dma_start3A_298 = arith.constant 0 : i32
      %dma_start3A_299 = arith.constant 0 : i32
      %dma_start3A_300 = tpu.memref_slice %arg9[%dma_start3A_296, %dma_start3A_298, %dma_start3A_299] : memref<2x128x128xf32, #tpu.memory_space<vmem>> -> memref<1x128x128xf32, #tpu.memory_space<vmem>>
      %dma_start3A_301 = tpu.memref_squeeze %dma_start3A_300 : memref<1x128x128xf32, #tpu.memory_space<vmem>> -> memref<128x128xf32, #tpu.memory_space<vmem>>
      %dma_start3A_302 = arith.constant 0 : i32
      %dma_start3A_303 = tpu.memref_slice %arg8[%add3A_279, %dma_start3A_302] : memref<40x128xi32, #tpu.memory_space<vmem>> -> memref<1x128xi32, #tpu.memory_space<vmem>>
      %dma_start3A_304 = tpu.memref_squeeze %dma_start3A_303 : memref<1x128xi32, #tpu.memory_space<vmem>> -> memref<128xi32, #tpu.memory_space<vmem>>
      %dma_start3A_305 = arith.constant 0 : i32
      %dma_start3A_306 = arith.constant 0 : i32
      %dma_start3A_307 = tpu.memref_slice %arg11[%dma_start3A_305, %dma_start3A_306] : memref<10240x128xf32, #tpu.memory_space<vmem_shared>> -> memref<10240x128xf32, #tpu.memory_space<vmem_shared>>
      %dma_start3A_308 = tpu.memref_slice %arg14[%dma_start3A_297] : memref<2x!tpu.dma_semaphore, #tpu.memory_space<semaphore_mem>> -> memref<1x!tpu.dma_semaphore, #tpu.memory_space<semaphore_mem>>
      %dma_start3A_309 = tpu.memref_squeeze %dma_start3A_308 : memref<1x!tpu.dma_semaphore, #tpu.memory_space<semaphore_mem>> -> memref<!tpu.dma_semaphore, #tpu.memory_space<semaphore_mem>>
      tpu.enqueue_indirect_dma source(%dma_start3A_301 : memref<128x128xf32, #tpu.memory_space<vmem>>) target(%dma_start3A_307 : memref<10240x128xf32, #tpu.memory_space<vmem_shared>>) offsets(%dma_start3A_304 : memref<128xi32, #tpu.memory_space<vmem>>) semaphore(%dma_start3A_309 : memref<!tpu.dma_semaphore, #tpu.memory_space<semaphore_mem>>) {add = true}
      %dma_start3A_310 = arith.constant 1 : i32
      %dma_start3A_311 = arith.constant 0 : i32
      %dma_start3A_312 = tpu.memref_slice %arg8[%add3A_279, %dma_start3A_311] : memref<40x128xi32, #tpu.memory_space<vmem>> -> memref<1x128xi32, #tpu.memory_space<vmem>>
      %dma_start3A_313 = tpu.memref_squeeze %dma_start3A_312 : memref<1x128xi32, #tpu.memory_space<vmem>> -> memref<128xi32, #tpu.memory_space<vmem>>
      %dma_start3A_314 = arith.constant 0 : i32
      %dma_start3A_315 = tpu.memref_slice %arg12[%dma_start3A_314] : memref<10240xf32, #tpu.memory_space<vmem_shared>> -> memref<10240xf32, #tpu.memory_space<vmem_shared>>
      %dma_start3A_316 = tpu.memref_slice %arg15[%dma_start3A_310] : memref<2x!tpu.dma_semaphore, #tpu.memory_space<semaphore_mem>> -> memref<1x!tpu.dma_semaphore, #tpu.memory_space<semaphore_mem>>
      %dma_start3A_317 = tpu.memref_squeeze %dma_start3A_316 : memref<1x!tpu.dma_semaphore, #tpu.memory_space<semaphore_mem>> -> memref<!tpu.dma_semaphore, #tpu.memory_space<semaphore_mem>>
      tpu.enqueue_indirect_dma source(%arg10 : memref<128xf32, #tpu.memory_space<vmem>>) target(%dma_start3A_315 : memref<10240xf32, #tpu.memory_space<vmem_shared>>) offsets(%dma_start3A_313 : memref<128xi32, #tpu.memory_space<vmem>>) semaphore(%dma_start3A_317 : memref<!tpu.dma_semaphore, #tpu.memory_space<semaphore_mem>>) {add = true}
      %add3A_318 = arith.constant 1 : i32
      %add3A_319 = arith.addi %scan3A_233, %add3A_318 : i32
      %mul3A_320 = arith.constant 2 : i32
      %mul3A_321 = arith.muli %add3A_319, %mul3A_320 : i32
      %add3A_322 = arith.constant 0 : i32
      %add3A_323 = arith.addi %mul3A_321, %add3A_322 : i32
      %dma_wait3A_324 = arith.constant 0 : i32
      %dma_wait3A_325 = arith.constant 0 : i32
      %dma_wait3A_326 = arith.constant 0 : i32
      %dma_wait3A_327 = arith.constant 0 : i32
      %dma_wait3A_328 = arith.constant 0 : i32
      %dma_wait3A_329 = tpu.memref_slice %arg9[%dma_wait3A_324, %dma_wait3A_327, %dma_wait3A_328] : memref<2x128x128xf32, #tpu.memory_space<vmem>> -> memref<1x128x128xf32, #tpu.memory_space<vmem>>
      %dma_wait3A_330 = tpu.memref_squeeze %dma_wait3A_329 : memref<1x128x128xf32, #tpu.memory_space<vmem>> -> memref<128x128xf32, #tpu.memory_space<vmem>>
      %dma_wait3A_331 = arith.constant 0 : i32
      %dma_wait3A_332 = tpu.memref_slice %arg8[%dma_wait3A_325, %dma_wait3A_331] : memref<40x128xi32, #tpu.memory_space<vmem>> -> memref<1x128xi32, #tpu.memory_space<vmem>>
      %dma_wait3A_333 = tpu.memref_squeeze %dma_wait3A_332 : memref<1x128xi32, #tpu.memory_space<vmem>> -> memref<128xi32, #tpu.memory_space<vmem>>
      %dma_wait3A_334 = arith.constant 0 : i32
      %dma_wait3A_335 = arith.constant 0 : i32
      %dma_wait3A_336 = tpu.memref_slice %arg11[%dma_wait3A_334, %dma_wait3A_335] : memref<10240x128xf32, #tpu.memory_space<vmem_shared>> -> memref<10240x128xf32, #tpu.memory_space<vmem_shared>>
      %dma_wait3A_337 = tpu.memref_slice %arg14[%dma_wait3A_326] : memref<2x!tpu.dma_semaphore, #tpu.memory_space<semaphore_mem>> -> memref<1x!tpu.dma_semaphore, #tpu.memory_space<semaphore_mem>>
      %dma_wait3A_338 = tpu.memref_squeeze %dma_wait3A_337 : memref<1x!tpu.dma_semaphore, #tpu.memory_space<semaphore_mem>> -> memref<!tpu.dma_semaphore, #tpu.memory_space<semaphore_mem>>
      tpu.wait_indirect_dma semaphore(%dma_wait3A_338 : memref<!tpu.dma_semaphore, #tpu.memory_space<semaphore_mem>>) src(%dma_wait3A_330 : memref<128x128xf32, #tpu.memory_space<vmem>>) dst(%dma_wait3A_336 : memref<10240x128xf32, #tpu.memory_space<vmem_shared>>)
      %dma_wait3A_339 = arith.constant 0 : i32
      %dma_wait3A_340 = arith.constant 0 : i32
      %dma_wait3A_341 = arith.constant 0 : i32
      %dma_wait3A_342 = tpu.memref_slice %arg8[%dma_wait3A_339, %dma_wait3A_341] : memref<40x128xi32, #tpu.memory_space<vmem>> -> memref<1x128xi32, #tpu.memory_space<vmem>>
      %dma_wait3A_343 = tpu.memref_squeeze %dma_wait3A_342 : memref<1x128xi32, #tpu.memory_space<vmem>> -> memref<128xi32, #tpu.memory_space<vmem>>
      %dma_wait3A_344 = arith.constant 0 : i32
      %dma_wait3A_345 = tpu.memref_slice %arg12[%dma_wait3A_344] : memref<10240xf32, #tpu.memory_space<vmem_shared>> -> memref<10240xf32, #tpu.memory_space<vmem_shared>>
      %dma_wait3A_346 = tpu.memref_slice %arg15[%dma_wait3A_340] : memref<2x!tpu.dma_semaphore, #tpu.memory_space<semaphore_mem>> -> memref<1x!tpu.dma_semaphore, #tpu.memory_space<semaphore_mem>>
      %dma_wait3A_347 = tpu.memref_squeeze %dma_wait3A_346 : memref<1x!tpu.dma_semaphore, #tpu.memory_space<semaphore_mem>> -> memref<!tpu.dma_semaphore, #tpu.memory_space<semaphore_mem>>
      tpu.wait_indirect_dma semaphore(%dma_wait3A_347 : memref<!tpu.dma_semaphore, #tpu.memory_space<semaphore_mem>>) src(%arg10 : memref<128xf32, #tpu.memory_space<vmem>>) dst(%dma_wait3A_345 : memref<10240xf32, #tpu.memory_space<vmem_shared>>)
      %mul3A_348 = arith.constant 128 : i32
      %mul3A_349 = arith.muli %add3A_323, %mul3A_348 : i32
      %add3A_350 = arith.addi %mul3A_2, %mul3A_349 : i32
      %dma_start3A_351 = arith.constant 0 : i32
      %dma_start3A_352 = arith.constant 0 : i32
      %dma_start3A_353 = arith.constant 0 : i32
      %dma_start3A_354 = arith.constant 0 : i32
      %dma_start3A_355 = tpu.memref_slice %arg9[%dma_start3A_351, %dma_start3A_353, %dma_start3A_354] : memref<2x128x128xf32, #tpu.memory_space<vmem>> -> memref<1x128x128xf32, #tpu.memory_space<vmem>>
      %dma_start3A_356 = tpu.memref_squeeze %dma_start3A_355 : memref<1x128x128xf32, #tpu.memory_space<vmem>> -> memref<128x128xf32, #tpu.memory_space<vmem>>
      %dma_start3A_357 = arith.constant 0 : i32
      %dma_start3A_358 = tpu.memref_slice %arg2[%add3A_350, %dma_start3A_357] : memref<163840x128xf32, #tpu.memory_space<hbm>> -> memref<128x128xf32, #tpu.memory_space<hbm>>
      %dma_start3A_359 = tpu.memref_slice %arg13[%dma_start3A_352] : memref<2x!tpu.dma_semaphore, #tpu.memory_space<semaphore_mem>> -> memref<1x!tpu.dma_semaphore, #tpu.memory_space<semaphore_mem>>
      %dma_start3A_360 = tpu.memref_squeeze %dma_start3A_359 : memref<1x!tpu.dma_semaphore, #tpu.memory_space<semaphore_mem>> -> memref<!tpu.dma_semaphore, #tpu.memory_space<semaphore_mem>>
      %dma_start3A_361 = arith.constant 0 : i32
      %dma_start3A_362 = arith.constant 0 : i32
      %dma_start3A_363 = tpu.memref_slice %arg9[%dma_start3A_351, %dma_start3A_361, %dma_start3A_362] : memref<2x128x128xf32, #tpu.memory_space<vmem>> -> memref<1x128x128xf32, #tpu.memory_space<vmem>>
      %dma_start3A_364 = tpu.memref_squeeze %dma_start3A_363 : memref<1x128x128xf32, #tpu.memory_space<vmem>> -> memref<128x128xf32, #tpu.memory_space<vmem>>
      %dma_start3A_365 = arith.constant 0 : i32
      %dma_start3A_366 = tpu.memref_slice %arg2[%add3A_350, %dma_start3A_365] : memref<163840x128xf32, #tpu.memory_space<hbm>> -> memref<128x128xf32, #tpu.memory_space<hbm>>
      tpu.enqueue_dma source(%dma_start3A_366 : memref<128x128xf32, #tpu.memory_space<hbm>>) target(%dma_start3A_364 : memref<128x128xf32, #tpu.memory_space<vmem>>) target_semaphore(%dma_start3A_360 : memref<!tpu.dma_semaphore, #tpu.memory_space<semaphore_mem>>)
      %add3A_367 = arith.constant 1 : i32
      %add3A_368 = arith.addi %scan3A_233, %add3A_367 : i32
      %mul3A_369 = arith.constant 2 : i32
      %mul3A_370 = arith.muli %add3A_368, %mul3A_369 : i32
      %add3A_371 = arith.constant 1 : i32
      %add3A_372 = arith.addi %mul3A_370, %add3A_371 : i32
      %dma_wait3A_373 = arith.constant 1 : i32
      %dma_wait3A_374 = arith.constant 0 : i32
      %dma_wait3A_375 = arith.constant 1 : i32
      %dma_wait3A_376 = arith.constant 0 : i32
      %dma_wait3A_377 = arith.constant 0 : i32
      %dma_wait3A_378 = tpu.memref_slice %arg9[%dma_wait3A_373, %dma_wait3A_376, %dma_wait3A_377] : memref<2x128x128xf32, #tpu.memory_space<vmem>> -> memref<1x128x128xf32, #tpu.memory_space<vmem>>
      %dma_wait3A_379 = tpu.memref_squeeze %dma_wait3A_378 : memref<1x128x128xf32, #tpu.memory_space<vmem>> -> memref<128x128xf32, #tpu.memory_space<vmem>>
      %dma_wait3A_380 = arith.constant 0 : i32
      %dma_wait3A_381 = tpu.memref_slice %arg8[%dma_wait3A_374, %dma_wait3A_380] : memref<40x128xi32, #tpu.memory_space<vmem>> -> memref<1x128xi32, #tpu.memory_space<vmem>>
      %dma_wait3A_382 = tpu.memref_squeeze %dma_wait3A_381 : memref<1x128xi32, #tpu.memory_space<vmem>> -> memref<128xi32, #tpu.memory_space<vmem>>
      %dma_wait3A_383 = arith.constant 0 : i32
      %dma_wait3A_384 = arith.constant 0 : i32
      %dma_wait3A_385 = tpu.memref_slice %arg11[%dma_wait3A_383, %dma_wait3A_384] : memref<10240x128xf32, #tpu.memory_space<vmem_shared>> -> memref<10240x128xf32, #tpu.memory_space<vmem_shared>>
      %dma_wait3A_386 = tpu.memref_slice %arg14[%dma_wait3A_375] : memref<2x!tpu.dma_semaphore, #tpu.memory_space<semaphore_mem>> -> memref<1x!tpu.dma_semaphore, #tpu.memory_space<semaphore_mem>>
      %dma_wait3A_387 = tpu.memref_squeeze %dma_wait3A_386 : memref<1x!tpu.dma_semaphore, #tpu.memory_space<semaphore_mem>> -> memref<!tpu.dma_semaphore, #tpu.memory_space<semaphore_mem>>
      tpu.wait_indirect_dma semaphore(%dma_wait3A_387 : memref<!tpu.dma_semaphore, #tpu.memory_space<semaphore_mem>>) src(%dma_wait3A_379 : memref<128x128xf32, #tpu.memory_space<vmem>>) dst(%dma_wait3A_385 : memref<10240x128xf32, #tpu.memory_space<vmem_shared>>)
      %dma_wait3A_388 = arith.constant 0 : i32
      %dma_wait3A_389 = arith.constant 1 : i32
      %dma_wait3A_390 = arith.constant 0 : i32
      %dma_wait3A_391 = tpu.memref_slice %arg8[%dma_wait3A_388, %dma_wait3A_390] : memref<40x128xi32, #tpu.memory_space<vmem>> -> memref<1x128xi32, #tpu.memory_space<vmem>>
      %dma_wait3A_392 = tpu.memref_squeeze %dma_wait3A_391 : memref<1x128xi32, #tpu.memory_space<vmem>> -> memref<128xi32, #tpu.memory_space<vmem>>
      %dma_wait3A_393 = arith.constant 0 : i32
      %dma_wait3A_394 = tpu.memref_slice %arg12[%dma_wait3A_393] : memref<10240xf32, #tpu.memory_space<vmem_shared>> -> memref<10240xf32, #tpu.memory_space<vmem_shared>>
      %dma_wait3A_395 = tpu.memref_slice %arg15[%dma_wait3A_389] : memref<2x!tpu.dma_semaphore, #tpu.memory_space<semaphore_mem>> -> memref<1x!tpu.dma_semaphore, #tpu.memory_space<semaphore_mem>>
      %dma_wait3A_396 = tpu.memref_squeeze %dma_wait3A_395 : memref<1x!tpu.dma_semaphore, #tpu.memory_space<semaphore_mem>> -> memref<!tpu.dma_semaphore, #tpu.memory_space<semaphore_mem>>
      tpu.wait_indirect_dma semaphore(%dma_wait3A_396 : memref<!tpu.dma_semaphore, #tpu.memory_space<semaphore_mem>>) src(%arg10 : memref<128xf32, #tpu.memory_space<vmem>>) dst(%dma_wait3A_394 : memref<10240xf32, #tpu.memory_space<vmem_shared>>)
      %mul3A_397 = arith.constant 128 : i32
      %mul3A_398 = arith.muli %add3A_372, %mul3A_397 : i32
      %add3A_399 = arith.addi %mul3A_2, %mul3A_398 : i32
      %dma_start3A_400 = arith.constant 1 : i32
      %dma_start3A_401 = arith.constant 1 : i32
      %dma_start3A_402 = arith.constant 0 : i32
      %dma_start3A_403 = arith.constant 0 : i32
      %dma_start3A_404 = tpu.memref_slice %arg9[%dma_start3A_400, %dma_start3A_402, %dma_start3A_403] : memref<2x128x128xf32, #tpu.memory_space<vmem>> -> memref<1x128x128xf32, #tpu.memory_space<vmem>>
      %dma_start3A_405 = tpu.memref_squeeze %dma_start3A_404 : memref<1x128x128xf32, #tpu.memory_space<vmem>> -> memref<128x128xf32, #tpu.memory_space<vmem>>
      %dma_start3A_406 = arith.constant 0 : i32
      %dma_start3A_407 = tpu.memref_slice %arg2[%add3A_399, %dma_start3A_406] : memref<163840x128xf32, #tpu.memory_space<hbm>> -> memref<128x128xf32, #tpu.memory_space<hbm>>
      %dma_start3A_408 = tpu.memref_slice %arg13[%dma_start3A_401] : memref<2x!tpu.dma_semaphore, #tpu.memory_space<semaphore_mem>> -> memref<1x!tpu.dma_semaphore, #tpu.memory_space<semaphore_mem>>
      %dma_start3A_409 = tpu.memref_squeeze %dma_start3A_408 : memref<1x!tpu.dma_semaphore, #tpu.memory_space<semaphore_mem>> -> memref<!tpu.dma_semaphore, #tpu.memory_space<semaphore_mem>>
      %dma_start3A_410 = arith.constant 0 : i32
      %dma_start3A_411 = arith.constant 0 : i32
      %dma_start3A_412 = tpu.memref_slice %arg9[%dma_start3A_400, %dma_start3A_410, %dma_start3A_411] : memref<2x128x128xf32, #tpu.memory_space<vmem>> -> memref<1x128x128xf32, #tpu.memory_space<vmem>>
      %dma_start3A_413 = tpu.memref_squeeze %dma_start3A_412 : memref<1x128x128xf32, #tpu.memory_space<vmem>> -> memref<128x128xf32, #tpu.memory_space<vmem>>
      %dma_start3A_414 = arith.constant 0 : i32
      %dma_start3A_415 = tpu.memref_slice %arg2[%add3A_399, %dma_start3A_414] : memref<163840x128xf32, #tpu.memory_space<hbm>> -> memref<128x128xf32, #tpu.memory_space<hbm>>
      tpu.enqueue_dma source(%dma_start3A_415 : memref<128x128xf32, #tpu.memory_space<hbm>>) target(%dma_start3A_413 : memref<128x128xf32, #tpu.memory_space<vmem>>) target_semaphore(%dma_start3A_409 : memref<!tpu.dma_semaphore, #tpu.memory_space<semaphore_mem>>)
    }
    %scan3A_96 = arith.constant 19 : i32
    %dma_wait3A = arith.constant 0 : i32
    %dma_wait3A_97 = arith.constant 0 : i32
    %dma_wait3A_98 = arith.constant 0 : i32
    %dma_wait3A_99 = arith.constant 0 : i32
    %dma_wait3A_100 = tpu.memref_slice %arg9[%dma_wait3A, %dma_wait3A_98, %dma_wait3A_99] : memref<2x128x128xf32, #tpu.memory_space<vmem>> -> memref<1x128x128xf32, #tpu.memory_space<vmem>>
    %dma_wait3A_101 = tpu.memref_squeeze %dma_wait3A_100 : memref<1x128x128xf32, #tpu.memory_space<vmem>> -> memref<128x128xf32, #tpu.memory_space<vmem>>
    %dma_wait3A_102 = arith.constant 0 : i32
    %dma_wait3A_103 = tpu.memref_slice %arg2[%mul3A_2, %dma_wait3A_102] : memref<163840x128xf32, #tpu.memory_space<hbm>> -> memref<128x128xf32, #tpu.memory_space<hbm>>
    %dma_wait3A_104 = tpu.memref_slice %arg13[%dma_wait3A_97] : memref<2x!tpu.dma_semaphore, #tpu.memory_space<semaphore_mem>> -> memref<1x!tpu.dma_semaphore, #tpu.memory_space<semaphore_mem>>
    %dma_wait3A_105 = tpu.memref_squeeze %dma_wait3A_104 : memref<1x!tpu.dma_semaphore, #tpu.memory_space<semaphore_mem>> -> memref<!tpu.dma_semaphore, #tpu.memory_space<semaphore_mem>>
    %dma_wait3A_106 = arith.constant 0 : i32
    %dma_wait3A_107 = arith.constant 0 : i32
    %dma_wait3A_108 = tpu.memref_slice %arg9[%dma_wait3A, %dma_wait3A_106, %dma_wait3A_107] : memref<2x128x128xf32, #tpu.memory_space<vmem>> -> memref<1x128x128xf32, #tpu.memory_space<vmem>>
    %dma_wait3A_109 = tpu.memref_squeeze %dma_wait3A_108 : memref<1x128x128xf32, #tpu.memory_space<vmem>> -> memref<128x128xf32, #tpu.memory_space<vmem>>
    %dma_wait3A_110 = arith.constant 0 : i32
    %dma_wait3A_111 = tpu.memref_slice %arg2[%mul3A_2, %dma_wait3A_110] : memref<163840x128xf32, #tpu.memory_space<hbm>> -> memref<128x128xf32, #tpu.memory_space<hbm>>
    tpu.wait_dma2 semaphore(%dma_wait3A_105 : memref<!tpu.dma_semaphore, #tpu.memory_space<semaphore_mem>>) src(%dma_wait3A_111 : memref<128x128xf32, #tpu.memory_space<hbm>>) dst(%dma_wait3A_109 : memref<128x128xf32, #tpu.memory_space<vmem>>)
    %dma_start3A_112 = arith.constant 0 : i32
    %dma_start3A_113 = arith.constant 38 : i32
    %dma_start3A_114 = arith.constant 0 : i32
    %dma_start3A_115 = arith.constant 0 : i32
    %dma_start3A_116 = arith.constant 0 : i32
    %dma_start3A_117 = tpu.memref_slice %arg9[%dma_start3A_112, %dma_start3A_115, %dma_start3A_116] : memref<2x128x128xf32, #tpu.memory_space<vmem>> -> memref<1x128x128xf32, #tpu.memory_space<vmem>>
    %dma_start3A_118 = tpu.memref_squeeze %dma_start3A_117 : memref<1x128x128xf32, #tpu.memory_space<vmem>> -> memref<128x128xf32, #tpu.memory_space<vmem>>
    %dma_start3A_119 = arith.constant 0 : i32
    %dma_start3A_120 = tpu.memref_slice %arg8[%dma_start3A_113, %dma_start3A_119] : memref<40x128xi32, #tpu.memory_space<vmem>> -> memref<1x128xi32, #tpu.memory_space<vmem>>
    %dma_start3A_121 = tpu.memref_squeeze %dma_start3A_120 : memref<1x128xi32, #tpu.memory_space<vmem>> -> memref<128xi32, #tpu.memory_space<vmem>>
    %dma_start3A_122 = arith.constant 0 : i32
    %dma_start3A_123 = arith.constant 0 : i32
    %dma_start3A_124 = tpu.memref_slice %arg11[%dma_start3A_122, %dma_start3A_123] : memref<10240x128xf32, #tpu.memory_space<vmem_shared>> -> memref<10240x128xf32, #tpu.memory_space<vmem_shared>>
    %dma_start3A_125 = tpu.memref_slice %arg14[%dma_start3A_114] : memref<2x!tpu.dma_semaphore, #tpu.memory_space<semaphore_mem>> -> memref<1x!tpu.dma_semaphore, #tpu.memory_space<semaphore_mem>>
    %dma_start3A_126 = tpu.memref_squeeze %dma_start3A_125 : memref<1x!tpu.dma_semaphore, #tpu.memory_space<semaphore_mem>> -> memref<!tpu.dma_semaphore, #tpu.memory_space<semaphore_mem>>
    tpu.enqueue_indirect_dma source(%dma_start3A_118 : memref<128x128xf32, #tpu.memory_space<vmem>>) target(%dma_start3A_124 : memref<10240x128xf32, #tpu.memory_space<vmem_shared>>) offsets(%dma_start3A_121 : memref<128xi32, #tpu.memory_space<vmem>>) semaphore(%dma_start3A_126 : memref<!tpu.dma_semaphore, #tpu.memory_space<semaphore_mem>>) {add = true}
    %dma_start3A_127 = arith.constant 38 : i32
    %dma_start3A_128 = arith.constant 0 : i32
    %dma_start3A_129 = arith.constant 0 : i32
    %dma_start3A_130 = tpu.memref_slice %arg8[%dma_start3A_127, %dma_start3A_129] : memref<40x128xi32, #tpu.memory_space<vmem>> -> memref<1x128xi32, #tpu.memory_space<vmem>>
    %dma_start3A_131 = tpu.memref_squeeze %dma_start3A_130 : memref<1x128xi32, #tpu.memory_space<vmem>> -> memref<128xi32, #tpu.memory_space<vmem>>
    %dma_start3A_132 = arith.constant 0 : i32
    %dma_start3A_133 = tpu.memref_slice %arg12[%dma_start3A_132] : memref<10240xf32, #tpu.memory_space<vmem_shared>> -> memref<10240xf32, #tpu.memory_space<vmem_shared>>
    %dma_start3A_134 = tpu.memref_slice %arg15[%dma_start3A_128] : memref<2x!tpu.dma_semaphore, #tpu.memory_space<semaphore_mem>> -> memref<1x!tpu.dma_semaphore, #tpu.memory_space<semaphore_mem>>
    %dma_start3A_135 = tpu.memref_squeeze %dma_start3A_134 : memref<1x!tpu.dma_semaphore, #tpu.memory_space<semaphore_mem>> -> memref<!tpu.dma_semaphore, #tpu.memory_space<semaphore_mem>>
    tpu.enqueue_indirect_dma source(%arg10 : memref<128xf32, #tpu.memory_space<vmem>>) target(%dma_start3A_133 : memref<10240xf32, #tpu.memory_space<vmem_shared>>) offsets(%dma_start3A_131 : memref<128xi32, #tpu.memory_space<vmem>>) semaphore(%dma_start3A_135 : memref<!tpu.dma_semaphore, #tpu.memory_space<semaphore_mem>>) {add = true}
    %dma_wait3A_136 = arith.constant 1 : i32
    %dma_wait3A_137 = arith.constant 1 : i32
    %dma_wait3A_138 = arith.constant 0 : i32
    %dma_wait3A_139 = arith.constant 0 : i32
    %dma_wait3A_140 = tpu.memref_slice %arg9[%dma_wait3A_136, %dma_wait3A_138, %dma_wait3A_139] : memref<2x128x128xf32, #tpu.memory_space<vmem>> -> memref<1x128x128xf32, #tpu.memory_space<vmem>>
    %dma_wait3A_141 = tpu.memref_squeeze %dma_wait3A_140 : memref<1x128x128xf32, #tpu.memory_space<vmem>> -> memref<128x128xf32, #tpu.memory_space<vmem>>
    %dma_wait3A_142 = arith.constant 0 : i32
    %dma_wait3A_143 = tpu.memref_slice %arg2[%mul3A_2, %dma_wait3A_142] : memref<163840x128xf32, #tpu.memory_space<hbm>> -> memref<128x128xf32, #tpu.memory_space<hbm>>
    %dma_wait3A_144 = tpu.memref_slice %arg13[%dma_wait3A_137] : memref<2x!tpu.dma_semaphore, #tpu.memory_space<semaphore_mem>> -> memref<1x!tpu.dma_semaphore, #tpu.memory_space<semaphore_mem>>
    %dma_wait3A_145 = tpu.memref_squeeze %dma_wait3A_144 : memref<1x!tpu.dma_semaphore, #tpu.memory_space<semaphore_mem>> -> memref<!tpu.dma_semaphore, #tpu.memory_space<semaphore_mem>>
    %dma_wait3A_146 = arith.constant 0 : i32
    %dma_wait3A_147 = arith.constant 0 : i32
    %dma_wait3A_148 = tpu.memref_slice %arg9[%dma_wait3A_136, %dma_wait3A_146, %dma_wait3A_147] : memref<2x128x128xf32, #tpu.memory_space<vmem>> -> memref<1x128x128xf32, #tpu.memory_space<vmem>>
    %dma_wait3A_149 = tpu.memref_squeeze %dma_wait3A_148 : memref<1x128x128xf32, #tpu.memory_space<vmem>> -> memref<128x128xf32, #tpu.memory_space<vmem>>
    %dma_wait3A_150 = arith.constant 0 : i32
    %dma_wait3A_151 = tpu.memref_slice %arg2[%mul3A_2, %dma_wait3A_150] : memref<163840x128xf32, #tpu.memory_space<hbm>> -> memref<128x128xf32, #tpu.memory_space<hbm>>
    tpu.wait_dma2 semaphore(%dma_wait3A_145 : memref<!tpu.dma_semaphore, #tpu.memory_space<semaphore_mem>>) src(%dma_wait3A_151 : memref<128x128xf32, #tpu.memory_space<hbm>>) dst(%dma_wait3A_149 : memref<128x128xf32, #tpu.memory_space<vmem>>)
    %dma_start3A_152 = arith.constant 1 : i32
    %dma_start3A_153 = arith.constant 39 : i32
    %dma_start3A_154 = arith.constant 1 : i32
    %dma_start3A_155 = arith.constant 0 : i32
    %dma_start3A_156 = arith.constant 0 : i32
    %dma_start3A_157 = tpu.memref_slice %arg9[%dma_start3A_152, %dma_start3A_155, %dma_start3A_156] : memref<2x128x128xf32, #tpu.memory_space<vmem>> -> memref<1x128x128xf32, #tpu.memory_space<vmem>>
    %dma_start3A_158 = tpu.memref_squeeze %dma_start3A_157 : memref<1x128x128xf32, #tpu.memory_space<vmem>> -> memref<128x128xf32, #tpu.memory_space<vmem>>
    %dma_start3A_159 = arith.constant 0 : i32
    %dma_start3A_160 = tpu.memref_slice %arg8[%dma_start3A_153, %dma_start3A_159] : memref<40x128xi32, #tpu.memory_space<vmem>> -> memref<1x128xi32, #tpu.memory_space<vmem>>
    %dma_start3A_161 = tpu.memref_squeeze %dma_start3A_160 : memref<1x128xi32, #tpu.memory_space<vmem>> -> memref<128xi32, #tpu.memory_space<vmem>>
    %dma_start3A_162 = arith.constant 0 : i32
    %dma_start3A_163 = arith.constant 0 : i32
    %dma_start3A_164 = tpu.memref_slice %arg11[%dma_start3A_162, %dma_start3A_163] : memref<10240x128xf32, #tpu.memory_space<vmem_shared>> -> memref<10240x128xf32, #tpu.memory_space<vmem_shared>>
    %dma_start3A_165 = tpu.memref_slice %arg14[%dma_start3A_154] : memref<2x!tpu.dma_semaphore, #tpu.memory_space<semaphore_mem>> -> memref<1x!tpu.dma_semaphore, #tpu.memory_space<semaphore_mem>>
    %dma_start3A_166 = tpu.memref_squeeze %dma_start3A_165 : memref<1x!tpu.dma_semaphore, #tpu.memory_space<semaphore_mem>> -> memref<!tpu.dma_semaphore, #tpu.memory_space<semaphore_mem>>
    tpu.enqueue_indirect_dma source(%dma_start3A_158 : memref<128x128xf32, #tpu.memory_space<vmem>>) target(%dma_start3A_164 : memref<10240x128xf32, #tpu.memory_space<vmem_shared>>) offsets(%dma_start3A_161 : memref<128xi32, #tpu.memory_space<vmem>>) semaphore(%dma_start3A_166 : memref<!tpu.dma_semaphore, #tpu.memory_space<semaphore_mem>>) {add = true}
    %dma_start3A_167 = arith.constant 39 : i32
    %dma_start3A_168 = arith.constant 1 : i32
    %dma_start3A_169 = arith.constant 0 : i32
    %dma_start3A_170 = tpu.memref_slice %arg8[%dma_start3A_167, %dma_start3A_169] : memref<40x128xi32, #tpu.memory_space<vmem>> -> memref<1x128xi32, #tpu.memory_space<vmem>>
    %dma_start3A_171 = tpu.memref_squeeze %dma_start3A_170 : memref<1x128xi32, #tpu.memory_space<vmem>> -> memref<128xi32, #tpu.memory_space<vmem>>
    %dma_start3A_172 = arith.constant 0 : i32
    %dma_start3A_173 = tpu.memref_slice %arg12[%dma_start3A_172] : memref<10240xf32, #tpu.memory_space<vmem_shared>> -> memref<10240xf32, #tpu.memory_space<vmem_shared>>
    %dma_start3A_174 = tpu.memref_slice %arg15[%dma_start3A_168] : memref<2x!tpu.dma_semaphore, #tpu.memory_space<semaphore_mem>> -> memref<1x!tpu.dma_semaphore, #tpu.memory_space<semaphore_mem>>
    %dma_start3A_175 = tpu.memref_squeeze %dma_start3A_174 : memref<1x!tpu.dma_semaphore, #tpu.memory_space<semaphore_mem>> -> memref<!tpu.dma_semaphore, #tpu.memory_space<semaphore_mem>>
    tpu.enqueue_indirect_dma source(%arg10 : memref<128xf32, #tpu.memory_space<vmem>>) target(%dma_start3A_173 : memref<10240xf32, #tpu.memory_space<vmem_shared>>) offsets(%dma_start3A_171 : memref<128xi32, #tpu.memory_space<vmem>>) semaphore(%dma_start3A_175 : memref<!tpu.dma_semaphore, #tpu.memory_space<semaphore_mem>>) {add = true}
    %dma_wait3A_176 = arith.constant 0 : i32
    %dma_wait3A_177 = arith.constant 0 : i32
    %dma_wait3A_178 = arith.constant 0 : i32
    %dma_wait3A_179 = arith.constant 0 : i32
    %dma_wait3A_180 = arith.constant 0 : i32
    %dma_wait3A_181 = tpu.memref_slice %arg9[%dma_wait3A_176, %dma_wait3A_179, %dma_wait3A_180] : memref<2x128x128xf32, #tpu.memory_space<vmem>> -> memref<1x128x128xf32, #tpu.memory_space<vmem>>
    %dma_wait3A_182 = tpu.memref_squeeze %dma_wait3A_181 : memref<1x128x128xf32, #tpu.memory_space<vmem>> -> memref<128x128xf32, #tpu.memory_space<vmem>>
    %dma_wait3A_183 = arith.constant 0 : i32
    %dma_wait3A_184 = tpu.memref_slice %arg8[%dma_wait3A_177, %dma_wait3A_183] : memref<40x128xi32, #tpu.memory_space<vmem>> -> memref<1x128xi32, #tpu.memory_space<vmem>>
    %dma_wait3A_185 = tpu.memref_squeeze %dma_wait3A_184 : memref<1x128xi32, #tpu.memory_space<vmem>> -> memref<128xi32, #tpu.memory_space<vmem>>
    %dma_wait3A_186 = arith.constant 0 : i32
    %dma_wait3A_187 = arith.constant 0 : i32
    %dma_wait3A_188 = tpu.memref_slice %arg11[%dma_wait3A_186, %dma_wait3A_187] : memref<10240x128xf32, #tpu.memory_space<vmem_shared>> -> memref<10240x128xf32, #tpu.memory_space<vmem_shared>>
    %dma_wait3A_189 = tpu.memref_slice %arg14[%dma_wait3A_178] : memref<2x!tpu.dma_semaphore, #tpu.memory_space<semaphore_mem>> -> memref<1x!tpu.dma_semaphore, #tpu.memory_space<semaphore_mem>>
    %dma_wait3A_190 = tpu.memref_squeeze %dma_wait3A_189 : memref<1x!tpu.dma_semaphore, #tpu.memory_space<semaphore_mem>> -> memref<!tpu.dma_semaphore, #tpu.memory_space<semaphore_mem>>
    tpu.wait_indirect_dma semaphore(%dma_wait3A_190 : memref<!tpu.dma_semaphore, #tpu.memory_space<semaphore_mem>>) src(%dma_wait3A_182 : memref<128x128xf32, #tpu.memory_space<vmem>>) dst(%dma_wait3A_188 : memref<10240x128xf32, #tpu.memory_space<vmem_shared>>)
    %dma_wait3A_191 = arith.constant 0 : i32
    %dma_wait3A_192 = arith.constant 0 : i32
    %dma_wait3A_193 = arith.constant 0 : i32
    %dma_wait3A_194 = tpu.memref_slice %arg8[%dma_wait3A_191, %dma_wait3A_193] : memref<40x128xi32, #tpu.memory_space<vmem>> -> memref<1x128xi32, #tpu.memory_space<vmem>>
    %dma_wait3A_195 = tpu.memref_squeeze %dma_wait3A_194 : memref<1x128xi32, #tpu.memory_space<vmem>> -> memref<128xi32, #tpu.memory_space<vmem>>
    %dma_wait3A_196 = arith.constant 0 : i32
    %dma_wait3A_197 = tpu.memref_slice %arg12[%dma_wait3A_196] : memref<10240xf32, #tpu.memory_space<vmem_shared>> -> memref<10240xf32, #tpu.memory_space<vmem_shared>>
    %dma_wait3A_198 = tpu.memref_slice %arg15[%dma_wait3A_192] : memref<2x!tpu.dma_semaphore, #tpu.memory_space<semaphore_mem>> -> memref<1x!tpu.dma_semaphore, #tpu.memory_space<semaphore_mem>>
    %dma_wait3A_199 = tpu.memref_squeeze %dma_wait3A_198 : memref<1x!tpu.dma_semaphore, #tpu.memory_space<semaphore_mem>> -> memref<!tpu.dma_semaphore, #tpu.memory_space<semaphore_mem>>
    tpu.wait_indirect_dma semaphore(%dma_wait3A_199 : memref<!tpu.dma_semaphore, #tpu.memory_space<semaphore_mem>>) src(%arg10 : memref<128xf32, #tpu.memory_space<vmem>>) dst(%dma_wait3A_197 : memref<10240xf32, #tpu.memory_space<vmem_shared>>)
    %dma_wait3A_200 = arith.constant 1 : i32
    %dma_wait3A_201 = arith.constant 0 : i32
    %dma_wait3A_202 = arith.constant 1 : i32
    %dma_wait3A_203 = arith.constant 0 : i32
    %dma_wait3A_204 = arith.constant 0 : i32
    %dma_wait3A_205 = tpu.memref_slice %arg9[%dma_wait3A_200, %dma_wait3A_203, %dma_wait3A_204] : memref<2x128x128xf32, #tpu.memory_space<vmem>> -> memref<1x128x128xf32, #tpu.memory_space<vmem>>
    %dma_wait3A_206 = tpu.memref_squeeze %dma_wait3A_205 : memref<1x128x128xf32, #tpu.memory_space<vmem>> -> memref<128x128xf32, #tpu.memory_space<vmem>>
    %dma_wait3A_207 = arith.constant 0 : i32
    %dma_wait3A_208 = tpu.memref_slice %arg8[%dma_wait3A_201, %dma_wait3A_207] : memref<40x128xi32, #tpu.memory_space<vmem>> -> memref<1x128xi32, #tpu.memory_space<vmem>>
    %dma_wait3A_209 = tpu.memref_squeeze %dma_wait3A_208 : memref<1x128xi32, #tpu.memory_space<vmem>> -> memref<128xi32, #tpu.memory_space<vmem>>
    %dma_wait3A_210 = arith.constant 0 : i32
    %dma_wait3A_211 = arith.constant 0 : i32
    %dma_wait3A_212 = tpu.memref_slice %arg11[%dma_wait3A_210, %dma_wait3A_211] : memref<10240x128xf32, #tpu.memory_space<vmem_shared>> -> memref<10240x128xf32, #tpu.memory_space<vmem_shared>>
    %dma_wait3A_213 = tpu.memref_slice %arg14[%dma_wait3A_202] : memref<2x!tpu.dma_semaphore, #tpu.memory_space<semaphore_mem>> -> memref<1x!tpu.dma_semaphore, #tpu.memory_space<semaphore_mem>>
    %dma_wait3A_214 = tpu.memref_squeeze %dma_wait3A_213 : memref<1x!tpu.dma_semaphore, #tpu.memory_space<semaphore_mem>> -> memref<!tpu.dma_semaphore, #tpu.memory_space<semaphore_mem>>
    tpu.wait_indirect_dma semaphore(%dma_wait3A_214 : memref<!tpu.dma_semaphore, #tpu.memory_space<semaphore_mem>>) src(%dma_wait3A_206 : memref<128x128xf32, #tpu.memory_space<vmem>>) dst(%dma_wait3A_212 : memref<10240x128xf32, #tpu.memory_space<vmem_shared>>)
    %dma_wait3A_215 = arith.constant 0 : i32
    %dma_wait3A_216 = arith.constant 1 : i32
    %dma_wait3A_217 = arith.constant 0 : i32
    %dma_wait3A_218 = tpu.memref_slice %arg8[%dma_wait3A_215, %dma_wait3A_217] : memref<40x128xi32, #tpu.memory_space<vmem>> -> memref<1x128xi32, #tpu.memory_space<vmem>>
    %dma_wait3A_219 = tpu.memref_squeeze %dma_wait3A_218 : memref<1x128xi32, #tpu.memory_space<vmem>> -> memref<128xi32, #tpu.memory_space<vmem>>
    %dma_wait3A_220 = arith.constant 0 : i32
    %dma_wait3A_221 = tpu.memref_slice %arg12[%dma_wait3A_220] : memref<10240xf32, #tpu.memory_space<vmem_shared>> -> memref<10240xf32, #tpu.memory_space<vmem_shared>>
    %dma_wait3A_222 = tpu.memref_slice %arg15[%dma_wait3A_216] : memref<2x!tpu.dma_semaphore, #tpu.memory_space<semaphore_mem>> -> memref<1x!tpu.dma_semaphore, #tpu.memory_space<semaphore_mem>>
    %dma_wait3A_223 = tpu.memref_squeeze %dma_wait3A_222 : memref<1x!tpu.dma_semaphore, #tpu.memory_space<semaphore_mem>> -> memref<!tpu.dma_semaphore, #tpu.memory_space<semaphore_mem>>
    tpu.wait_indirect_dma semaphore(%dma_wait3A_223 : memref<!tpu.dma_semaphore, #tpu.memory_space<semaphore_mem>>) src(%arg10 : memref<128xf32, #tpu.memory_space<vmem>>) dst(%dma_wait3A_221 : memref<10240xf32, #tpu.memory_space<vmem_shared>>)
    %barrier3A_224 = arith.constant 0 : index
    tpu.barrier barrier_id(%barrier3A_224)
    %mul3A_225 = arith.constant 640 : i32
    %mul3A_226 = arith.muli %arg1, %mul3A_225 : i32
    %mul3A_227 = arith.constant 640 : i32
    %mul3A_228 = arith.muli %arg1, %mul3A_227 : i32
    "tpu.region"() ({
      %run_scoped3A = tpu.sem_alloc : memref<!tpu.dma_semaphore, #tpu.memory_space<semaphore_mem>>
      %dma_start3A_233 = arith.constant 0 : i32
      %dma_start3A_234 = tpu.memref_slice %arg6[%arg0, %mul3A_228, %dma_start3A_233] : memref<2x10240x128xf32, #tpu.memory_space<hbm>> -> memref<1x640x128xf32, #tpu.memory_space<hbm>>
      %dma_start3A_235 = tpu.memref_squeeze %dma_start3A_234 : memref<1x640x128xf32, #tpu.memory_space<hbm>> -> memref<640x128xf32, #tpu.memory_space<hbm>>
      %dma_start3A_236 = arith.constant 0 : i32
      %dma_start3A_237 = tpu.memref_slice %arg11[%mul3A_226, %dma_start3A_236] : memref<10240x128xf32, #tpu.memory_space<vmem_shared>> -> memref<640x128xf32, #tpu.memory_space<vmem_shared>>
      tpu.enqueue_dma source(%dma_start3A_237 : memref<640x128xf32, #tpu.memory_space<vmem_shared>>) target(%dma_start3A_235 : memref<640x128xf32, #tpu.memory_space<hbm>>) target_semaphore(%run_scoped3A : memref<!tpu.dma_semaphore, #tpu.memory_space<semaphore_mem>>)
      %dma_wait3A_238 = arith.constant 0 : i32
      %dma_wait3A_239 = tpu.memref_slice %arg6[%arg0, %mul3A_228, %dma_wait3A_238] : memref<2x10240x128xf32, #tpu.memory_space<hbm>> -> memref<1x640x128xf32, #tpu.memory_space<hbm>>
      %dma_wait3A_240 = tpu.memref_squeeze %dma_wait3A_239 : memref<1x640x128xf32, #tpu.memory_space<hbm>> -> memref<640x128xf32, #tpu.memory_space<hbm>>
      %dma_wait3A_241 = arith.constant 0 : i32
      %dma_wait3A_242 = tpu.memref_slice %arg11[%mul3A_226, %dma_wait3A_241] : memref<10240x128xf32, #tpu.memory_space<vmem_shared>> -> memref<640x128xf32, #tpu.memory_space<vmem_shared>>
      tpu.wait_dma2 semaphore(%run_scoped3A : memref<!tpu.dma_semaphore, #tpu.memory_space<semaphore_mem>>) src(%dma_wait3A_242 : memref<640x128xf32, #tpu.memory_space<vmem_shared>>) dst(%dma_wait3A_240 : memref<640x128xf32, #tpu.memory_space<hbm>>)
      tpu.yield
    }) : () -> ()
    %mul3A_229 = arith.constant 640 : i32
    %mul3A_230 = arith.muli %arg1, %mul3A_229 : i32
    %mul3A_231 = arith.constant 640 : i32
    %mul3A_232 = arith.muli %arg1, %mul3A_231 : i32
    "tpu.region"() ({
      %run_scoped3A = tpu.sem_alloc : memref<!tpu.dma_semaphore, #tpu.memory_space<semaphore_mem>>
      %dma_start3A_233 = tpu.memref_slice %arg7[%arg0, %mul3A_232] : memref<2x10240xf32, #tpu.memory_space<hbm>> -> memref<1x640xf32, #tpu.memory_space<hbm>>
      %dma_start3A_234 = tpu.memref_squeeze %dma_start3A_233 : memref<1x640xf32, #tpu.memory_space<hbm>> -> memref<640xf32, #tpu.memory_space<hbm>>
      %dma_start3A_235 = tpu.memref_slice %arg12[%mul3A_230] : memref<10240xf32, #tpu.memory_space<vmem_shared>> -> memref<640xf32, #tpu.memory_space<vmem_shared>>
      tpu.enqueue_dma source(%dma_start3A_235 : memref<640xf32, #tpu.memory_space<vmem_shared>>) target(%dma_start3A_234 : memref<640xf32, #tpu.memory_space<hbm>>) target_semaphore(%run_scoped3A : memref<!tpu.dma_semaphore, #tpu.memory_space<semaphore_mem>>)
      %dma_wait3A_236 = tpu.memref_slice %arg7[%arg0, %mul3A_232] : memref<2x10240xf32, #tpu.memory_space<hbm>> -> memref<1x640xf32, #tpu.memory_space<hbm>>
      %dma_wait3A_237 = tpu.memref_squeeze %dma_wait3A_236 : memref<1x640xf32, #tpu.memory_space<hbm>> -> memref<640xf32, #tpu.memory_space<hbm>>
      %dma_wait3A_238 = tpu.memref_slice %arg12[%mul3A_230] : memref<10240xf32, #tpu.memory_space<vmem_shared>> -> memref<640xf32, #tpu.memory_space<vmem_shared>>
      tpu.wait_dma2 semaphore(%run_scoped3A : memref<!tpu.dma_semaphore, #tpu.memory_space<semaphore_mem>>) src(%dma_wait3A_238 : memref<640xf32, #tpu.memory_space<vmem_shared>>) dst(%dma_wait3A_237 : memref<640xf32, #tpu.memory_space<hbm>>)
      tpu.yield
    }) : () -> ()
    return
  }
}

#map = affine_map<(d0, d1) -> (0, 0)>
#map1 = affine_map<(d0, d1) -> (0, 0, 0)>
module attributes {stable_mosaic.version = 14 : i64} {
  func.func @_scatter_body(%arg0: i32, %arg1: i32, %arg2: memref<163840x128xf32, #tpu.memory_space<hbm>>, %arg3: memref<32x40x128xi32, #tpu.memory_space<hbm>>, %arg4: memref<2x10240x128xf32, #tpu.memory_space<hbm>>, %arg5: memref<2x10240xf32, #tpu.memory_space<hbm>>, %arg6: memref<2x10240x128xf32, #tpu.memory_space<hbm>>, %arg7: memref<2x10240xf32, #tpu.memory_space<hbm>>, %arg8: memref<40x128xi32, #tpu.memory_space<vmem>>, %arg9: memref<2x128x128xf32, #tpu.memory_space<vmem>>, %arg10: memref<128xf32, #tpu.memory_space<vmem>>, %arg11: memref<10240x128xf32, #tpu.memory_space<vmem_shared>>, %arg12: memref<10240xf32, #tpu.memory_space<vmem_shared>>, %arg13: memref<2x!tpu.dma_semaphore, #tpu.memory_space<semaphore_mem>>, %arg14: memref<2x!tpu.dma_semaphore, #tpu.memory_space<semaphore_mem>>, %arg15: memref<2x!tpu.dma_semaphore, #tpu.memory_space<semaphore_mem>>) attributes {dimension_semantics = [#tpu.dimension_semantics<core_parallel>, #tpu.dimension_semantics<subcore_parallel>], iteration_bounds = array<i64: 2, 16>, scalar_prefetch = 0 : i64, scratch_operands = 8 : i64, tpu.core_type = #tpu.core_type<sc_vector_subcore>, window_params = [{transform_indices = #map}, {transform_indices = #map1}, {transform_indices = #map1}, {transform_indices = #map}, {transform_indices = #map1}, {transform_indices = #map}]} {
    %mul3A = arith.constant 16 : i32
    %mul3A_0 = arith.muli %arg0, %mul3A : i32
    %add3A = arith.addi %mul3A_0, %arg1 : i32
    %mul3A_1 = arith.constant 5120 : i32
    %mul3A_2 = arith.muli %add3A, %mul3A_1 : i32
    %mul3A_3 = arith.constant 640 : i32
    %mul3A_4 = arith.muli %arg1, %mul3A_3 : i32
    %mul3A_5 = arith.constant 640 : i32
    %mul3A_6 = arith.muli %arg1, %mul3A_5 : i32
    "tpu.region"() ({
      %run_scoped3A = tpu.sem_alloc : memref<!tpu.dma_semaphore, #tpu.memory_space<semaphore_mem>>
      %dma_start3A_233 = arith.constant 0 : i32
      %dma_start3A_234 = tpu.memref_slice %arg11[%mul3A_6, %dma_start3A_233] : memref<10240x128xf32, #tpu.memory_space<vmem_shared>> -> memref<640x128xf32, #tpu.memory_space<vmem_shared>>
      %dma_start3A_235 = arith.constant 0 : i32
      %dma_start3A_236 = tpu.memref_slice %arg4[%arg0, %mul3A_4, %dma_start3A_235] : memref<2x10240x128xf32, #tpu.memory_space<hbm>> -> memref<1x640x128xf32, #tpu.memory_space<hbm>>
      %dma_start3A_237 = tpu.memref_squeeze %dma_start3A_236 : memref<1x640x128xf32, #tpu.memory_space<hbm>> -> memref<640x128xf32, #tpu.memory_space<hbm>>
      tpu.enqueue_dma source(%dma_start3A_237 : memref<640x128xf32, #tpu.memory_space<hbm>>) target(%dma_start3A_234 : memref<640x128xf32, #tpu.memory_space<vmem_shared>>) target_semaphore(%run_scoped3A : memref<!tpu.dma_semaphore, #tpu.memory_space<semaphore_mem>>)
      %dma_wait3A_238 = arith.constant 0 : i32
      %dma_wait3A_239 = tpu.memref_slice %arg11[%mul3A_6, %dma_wait3A_238] : memref<10240x128xf32, #tpu.memory_space<vmem_shared>> -> memref<640x128xf32, #tpu.memory_space<vmem_shared>>
      %dma_wait3A_240 = arith.constant 0 : i32
      %dma_wait3A_241 = tpu.memref_slice %arg4[%arg0, %mul3A_4, %dma_wait3A_240] : memref<2x10240x128xf32, #tpu.memory_space<hbm>> -> memref<1x640x128xf32, #tpu.memory_space<hbm>>
      %dma_wait3A_242 = tpu.memref_squeeze %dma_wait3A_241 : memref<1x640x128xf32, #tpu.memory_space<hbm>> -> memref<640x128xf32, #tpu.memory_space<hbm>>
      tpu.wait_dma2 semaphore(%run_scoped3A : memref<!tpu.dma_semaphore, #tpu.memory_space<semaphore_mem>>) src(%dma_wait3A_242 : memref<640x128xf32, #tpu.memory_space<hbm>>) dst(%dma_wait3A_239 : memref<640x128xf32, #tpu.memory_space<vmem_shared>>)
      tpu.yield
    }) : () -> ()
    %mul3A_7 = arith.constant 640 : i32
    %mul3A_8 = arith.muli %arg1, %mul3A_7 : i32
    %mul3A_9 = arith.constant 640 : i32
    %mul3A_10 = arith.muli %arg1, %mul3A_9 : i32
    "tpu.region"() ({
      %run_scoped3A = tpu.sem_alloc : memref<!tpu.dma_semaphore, #tpu.memory_space<semaphore_mem>>
      %dma_start3A_233 = tpu.memref_slice %arg12[%mul3A_10] : memref<10240xf32, #tpu.memory_space<vmem_shared>> -> memref<640xf32, #tpu.memory_space<vmem_shared>>
      %dma_start3A_234 = tpu.memref_slice %arg5[%arg0, %mul3A_8] : memref<2x10240xf32, #tpu.memory_space<hbm>> -> memref<1x640xf32, #tpu.memory_space<hbm>>
      %dma_start3A_235 = tpu.memref_squeeze %dma_start3A_234 : memref<1x640xf32, #tpu.memory_space<hbm>> -> memref<640xf32, #tpu.memory_space<hbm>>
      tpu.enqueue_dma source(%dma_start3A_235 : memref<640xf32, #tpu.memory_space<hbm>>) target(%dma_start3A_233 : memref<640xf32, #tpu.memory_space<vmem_shared>>) target_semaphore(%run_scoped3A : memref<!tpu.dma_semaphore, #tpu.memory_space<semaphore_mem>>)
      %dma_wait3A_236 = tpu.memref_slice %arg12[%mul3A_10] : memref<10240xf32, #tpu.memory_space<vmem_shared>> -> memref<640xf32, #tpu.memory_space<vmem_shared>>
      %dma_wait3A_237 = tpu.memref_slice %arg5[%arg0, %mul3A_8] : memref<2x10240xf32, #tpu.memory_space<hbm>> -> memref<1x640xf32, #tpu.memory_space<hbm>>
      %dma_wait3A_238 = tpu.memref_squeeze %dma_wait3A_237 : memref<1x640xf32, #tpu.memory_space<hbm>> -> memref<640xf32, #tpu.memory_space<hbm>>
      tpu.wait_dma2 semaphore(%run_scoped3A : memref<!tpu.dma_semaphore, #tpu.memory_space<semaphore_mem>>) src(%dma_wait3A_238 : memref<640xf32, #tpu.memory_space<hbm>>) dst(%dma_wait3A_236 : memref<640xf32, #tpu.memory_space<vmem_shared>>)
      tpu.yield
    }) : () -> ()
    %broadcast_in_dim3A = arith.constant 1.000000e+00 : f32
    %broadcast_in_dim3A_11 = vector.broadcast %broadcast_in_dim3A : f32 to vector<16xf32>
    %swap3A = arith.constant 0 : index
    %swap3A_12 = tpu.vector_load %arg10[%swap3A] {strides = array<i32>} : memref<128xf32, #tpu.memory_space<vmem>>, vector<16xf32>,
    %swap3A_13 = vector.shape_cast %swap3A_12 : vector<16xf32> to vector<16xf32>
    %swap3A_14 = vector.shape_cast %broadcast_in_dim3A_11 : vector<16xf32> to vector<16xf32>
    tpu.vector_store %arg10[%swap3A], %swap3A_14 {strides = array<i32>} : memref<128xf32, #tpu.memory_space<vmem>>, vector<16xf32>,
    %broadcast_in_dim3A_15 = arith.constant 1.000000e+00 : f32
    %broadcast_in_dim3A_16 = vector.broadcast %broadcast_in_dim3A_15 : f32 to vector<16xf32>
    %swap3A_17 = arith.constant 16 : index
    %swap3A_18 = tpu.vector_load %arg10[%swap3A_17] {strides = array<i32>} : memref<128xf32, #tpu.memory_space<vmem>>, vector<16xf32>,
    %swap3A_19 = vector.shape_cast %swap3A_18 : vector<16xf32> to vector<16xf32>
    %swap3A_20 = vector.shape_cast %broadcast_in_dim3A_16 : vector<16xf32> to vector<16xf32>
    tpu.vector_store %arg10[%swap3A_17], %swap3A_20 {strides = array<i32>} : memref<128xf32, #tpu.memory_space<vmem>>, vector<16xf32>,
    %broadcast_in_dim3A_21 = arith.constant 1.000000e+00 : f32
    %broadcast_in_dim3A_22 = vector.broadcast %broadcast_in_dim3A_21 : f32 to vector<16xf32>
    %swap3A_23 = arith.constant 32 : index
    %swap3A_24 = tpu.vector_load %arg10[%swap3A_23] {strides = array<i32>} : memref<128xf32, #tpu.memory_space<vmem>>, vector<16xf32>,
    %swap3A_25 = vector.shape_cast %swap3A_24 : vector<16xf32> to vector<16xf32>
    %swap3A_26 = vector.shape_cast %broadcast_in_dim3A_22 : vector<16xf32> to vector<16xf32>
    tpu.vector_store %arg10[%swap3A_23], %swap3A_26 {strides = array<i32>} : memref<128xf32, #tpu.memory_space<vmem>>, vector<16xf32>,
    %broadcast_in_dim3A_27 = arith.constant 1.000000e+00 : f32
    %broadcast_in_dim3A_28 = vector.broadcast %broadcast_in_dim3A_27 : f32 to vector<16xf32>
    %swap3A_29 = arith.constant 48 : index
    %swap3A_30 = tpu.vector_load %arg10[%swap3A_29] {strides = array<i32>} : memref<128xf32, #tpu.memory_space<vmem>>, vector<16xf32>,
    %swap3A_31 = vector.shape_cast %swap3A_30 : vector<16xf32> to vector<16xf32>
    %swap3A_32 = vector.shape_cast %broadcast_in_dim3A_28 : vector<16xf32> to vector<16xf32>
    tpu.vector_store %arg10[%swap3A_29], %swap3A_32 {strides = array<i32>} : memref<128xf32, #tpu.memory_space<vmem>>, vector<16xf32>,
    %broadcast_in_dim3A_33 = arith.constant 1.000000e+00 : f32
    %broadcast_in_dim3A_34 = vector.broadcast %broadcast_in_dim3A_33 : f32 to vector<16xf32>
    %swap3A_35 = arith.constant 64 : index
    %swap3A_36 = tpu.vector_load %arg10[%swap3A_35] {strides = array<i32>} : memref<128xf32, #tpu.memory_space<vmem>>, vector<16xf32>,
    %swap3A_37 = vector.shape_cast %swap3A_36 : vector<16xf32> to vector<16xf32>
    %swap3A_38 = vector.shape_cast %broadcast_in_dim3A_34 : vector<16xf32> to vector<16xf32>
    tpu.vector_store %arg10[%swap3A_35], %swap3A_38 {strides = array<i32>} : memref<128xf32, #tpu.memory_space<vmem>>, vector<16xf32>,
    %broadcast_in_dim3A_39 = arith.constant 1.000000e+00 : f32
    %broadcast_in_dim3A_40 = vector.broadcast %broadcast_in_dim3A_39 : f32 to vector<16xf32>
    %swap3A_41 = arith.constant 80 : index
    %swap3A_42 = tpu.vector_load %arg10[%swap3A_41] {strides = array<i32>} : memref<128xf32, #tpu.memory_space<vmem>>, vector<16xf32>,
    %swap3A_43 = vector.shape_cast %swap3A_42 : vector<16xf32> to vector<16xf32>
    %swap3A_44 = vector.shape_cast %broadcast_in_dim3A_40 : vector<16xf32> to vector<16xf32>
    tpu.vector_store %arg10[%swap3A_41], %swap3A_44 {strides = array<i32>} : memref<128xf32, #tpu.memory_space<vmem>>, vector<16xf32>,
    %broadcast_in_dim3A_45 = arith.constant 1.000000e+00 : f32
    %broadcast_in_dim3A_46 = vector.broadcast %broadcast_in_dim3A_45 : f32 to vector<16xf32>
    %swap3A_47 = arith.constant 96 : index
    %swap3A_48 = tpu.vector_load %arg10[%swap3A_47] {strides = array<i32>} : memref<128xf32, #tpu.memory_space<vmem>>, vector<16xf32>,
    %swap3A_49 = vector.shape_cast %swap3A_48 : vector<16xf32> to vector<16xf32>
    %swap3A_50 = vector.shape_cast %broadcast_in_dim3A_46 : vector<16xf32> to vector<16xf32>
    tpu.vector_store %arg10[%swap3A_47], %swap3A_50 {strides = array<i32>} : memref<128xf32, #tpu.memory_space<vmem>>, vector<16xf32>,
    %broadcast_in_dim3A_51 = arith.constant 1.000000e+00 : f32
    %broadcast_in_dim3A_52 = vector.broadcast %broadcast_in_dim3A_51 : f32 to vector<16xf32>
    %swap3A_53 = arith.constant 112 : index
    %swap3A_54 = tpu.vector_load %arg10[%swap3A_53] {strides = array<i32>} : memref<128xf32, #tpu.memory_space<vmem>>, vector<16xf32>,
    %swap3A_55 = vector.shape_cast %swap3A_54 : vector<16xf32> to vector<16xf32>
    %swap3A_56 = vector.shape_cast %broadcast_in_dim3A_52 : vector<16xf32> to vector<16xf32>
    tpu.vector_store %arg10[%swap3A_53], %swap3A_56 {strides = array<i32>} : memref<128xf32, #tpu.memory_space<vmem>>, vector<16xf32>,
    "tpu.region"() ({
      %run_scoped3A = tpu.sem_alloc : memref<!tpu.dma_semaphore, #tpu.memory_space<semaphore_mem>>
      %dma_start3A_233 = arith.constant 0 : i32
      %dma_start3A_234 = arith.constant 0 : i32
      %dma_start3A_235 = tpu.memref_slice %arg3[%add3A, %dma_start3A_233, %dma_start3A_234] : memref<32x40x128xi32, #tpu.memory_space<hbm>> -> memref<1x40x128xi32, #tpu.memory_space<hbm>>
      %dma_start3A_236 = tpu.memref_squeeze %dma_start3A_235 : memref<1x40x128xi32, #tpu.memory_space<hbm>> -> memref<40x128xi32, #tpu.memory_space<hbm>>
      %dma_start3A_237 = arith.constant 0 : i32
      %dma_start3A_238 = arith.constant 0 : i32
      %dma_start3A_239 = tpu.memref_slice %arg3[%add3A, %dma_start3A_237, %dma_start3A_238] : memref<32x40x128xi32, #tpu.memory_space<hbm>> -> memref<1x40x128xi32, #tpu.memory_space<hbm>>
      %dma_start3A_240 = tpu.memref_squeeze %dma_start3A_239 : memref<1x40x128xi32, #tpu.memory_space<hbm>> -> memref<40x128xi32, #tpu.memory_space<hbm>>
      tpu.enqueue_dma source(%dma_start3A_240 : memref<40x128xi32, #tpu.memory_space<hbm>>) target(%arg8 : memref<40x128xi32, #tpu.memory_space<vmem>>) target_semaphore(%run_scoped3A : memref<!tpu.dma_semaphore, #tpu.memory_space<semaphore_mem>>)
      %dma_wait3A_241 = arith.constant 0 : i32
      %dma_wait3A_242 = arith.constant 0 : i32
      %dma_wait3A_243 = tpu.memref_slice %arg3[%add3A, %dma_wait3A_241, %dma_wait3A_242] : memref<32x40x128xi32, #tpu.memory_space<hbm>> -> memref<1x40x128xi32, #tpu.memory_space<hbm>>
      %dma_wait3A_244 = tpu.memref_squeeze %dma_wait3A_243 : memref<1x40x128xi32, #tpu.memory_space<hbm>> -> memref<40x128xi32, #tpu.memory_space<hbm>>
      %dma_wait3A_245 = arith.constant 0 : i32
      %dma_wait3A_246 = arith.constant 0 : i32
      %dma_wait3A_247 = tpu.memref_slice %arg3[%add3A, %dma_wait3A_245, %dma_wait3A_246] : memref<32x40x128xi32, #tpu.memory_space<hbm>> -> memref<1x40x128xi32, #tpu.memory_space<hbm>>
      %dma_wait3A_248 = tpu.memref_squeeze %dma_wait3A_247 : memref<1x40x128xi32, #tpu.memory_space<hbm>> -> memref<40x128xi32, #tpu.memory_space<hbm>>
      tpu.wait_dma2 semaphore(%run_scoped3A : memref<!tpu.dma_semaphore, #tpu.memory_space<semaphore_mem>>) src(%dma_wait3A_248 : memref<40x128xi32, #tpu.memory_space<hbm>>) dst(%arg8 : memref<40x128xi32, #tpu.memory_space<vmem>>)
      tpu.yield
    }) : () -> ()
    %barrier3A = arith.constant 0 : index
    tpu.barrier barrier_id(%barrier3A)
    %add3A_57 = arith.constant 0 : i32
    %add3A_58 = arith.addi %mul3A_2, %add3A_57 : i32
    %dma_start3A = arith.constant 0 : i32
    %dma_start3A_59 = arith.constant 0 : i32
    %dma_start3A_60 = arith.constant 0 : i32
    %dma_start3A_61 = arith.constant 0 : i32
    %dma_start3A_62 = tpu.memref_slice %arg9[%dma_start3A, %dma_start3A_60, %dma_start3A_61] : memref<2x128x128xf32, #tpu.memory_space<vmem>> -> memref<1x128x128xf32, #tpu.memory_space<vmem>>
    %dma_start3A_63 = tpu.memref_squeeze %dma_start3A_62 : memref<1x128x128xf32, #tpu.memory_space<vmem>> -> memref<128x128xf32, #tpu.memory_space<vmem>>
    %dma_start3A_64 = arith.constant 0 : i32
    %dma_start3A_65 = tpu.memref_slice %arg2[%add3A_58, %dma_start3A_64] : memref<163840x128xf32, #tpu.memory_space<hbm>> -> memref<128x128xf32, #tpu.memory_space<hbm>>
    %dma_start3A_66 = tpu.memref_slice %arg13[%dma_start3A_59] : memref<2x!tpu.dma_semaphore, #tpu.memory_space<semaphore_mem>> -> memref<1x!tpu.dma_semaphore, #tpu.memory_space<semaphore_mem>>
    %dma_start3A_67 = tpu.memref_squeeze %dma_start3A_66 : memref<1x!tpu.dma_semaphore, #tpu.memory_space<semaphore_mem>> -> memref<!tpu.dma_semaphore, #tpu.memory_space<semaphore_mem>>
    %dma_start3A_68 = arith.constant 0 : i32
    %dma_start3A_69 = arith.constant 0 : i32
    %dma_start3A_70 = tpu.memref_slice %arg9[%dma_start3A, %dma_start3A_68, %dma_start3A_69] : memref<2x128x128xf32, #tpu.memory_space<vmem>> -> memref<1x128x128xf32, #tpu.memory_space<vmem>>
    %dma_start3A_71 = tpu.memref_squeeze %dma_start3A_70 : memref<1x128x128xf32, #tpu.memory_space<vmem>> -> memref<128x128xf32, #tpu.memory_space<vmem>>
    %dma_start3A_72 = arith.constant 0 : i32
    %dma_start3A_73 = tpu.memref_slice %arg2[%add3A_58, %dma_start3A_72] : memref<163840x128xf32, #tpu.memory_space<hbm>> -> memref<128x128xf32, #tpu.memory_space<hbm>>
    tpu.enqueue_dma source(%dma_start3A_73 : memref<128x128xf32, #tpu.memory_space<hbm>>) target(%dma_start3A_71 : memref<128x128xf32, #tpu.memory_space<vmem>>) target_semaphore(%dma_start3A_67 : memref<!tpu.dma_semaphore, #tpu.memory_space<semaphore_mem>>)
    %add3A_74 = arith.constant 128 : i32
    %add3A_75 = arith.addi %mul3A_2, %add3A_74 : i32
    %dma_start3A_76 = arith.constant 1 : i32
    %dma_start3A_77 = arith.constant 1 : i32
    %dma_start3A_78 = arith.constant 0 : i32
    %dma_start3A_79 = arith.constant 0 : i32
    %dma_start3A_80 = tpu.memref_slice %arg9[%dma_start3A_76, %dma_start3A_78, %dma_start3A_79] : memref<2x128x128xf32, #tpu.memory_space<vmem>> -> memref<1x128x128xf32, #tpu.memory_space<vmem>>
    %dma_start3A_81 = tpu.memref_squeeze %dma_start3A_80 : memref<1x128x128xf32, #tpu.memory_space<vmem>> -> memref<128x128xf32, #tpu.memory_space<vmem>>
    %dma_start3A_82 = arith.constant 0 : i32
    %dma_start3A_83 = tpu.memref_slice %arg2[%add3A_75, %dma_start3A_82] : memref<163840x128xf32, #tpu.memory_space<hbm>> -> memref<128x128xf32, #tpu.memory_space<hbm>>
    %dma_start3A_84 = tpu.memref_slice %arg13[%dma_start3A_77] : memref<2x!tpu.dma_semaphore, #tpu.memory_space<semaphore_mem>> -> memref<1x!tpu.dma_semaphore, #tpu.memory_space<semaphore_mem>>
    %dma_start3A_85 = tpu.memref_squeeze %dma_start3A_84 : memref<1x!tpu.dma_semaphore, #tpu.memory_space<semaphore_mem>> -> memref<!tpu.dma_semaphore, #tpu.memory_space<semaphore_mem>>
    %dma_start3A_86 = arith.constant 0 : i32
    %dma_start3A_87 = arith.constant 0 : i32
    %dma_start3A_88 = tpu.memref_slice %arg9[%dma_start3A_76, %dma_start3A_86, %dma_start3A_87] : memref<2x128x128xf32, #tpu.memory_space<vmem>> -> memref<1x128x128xf32, #tpu.memory_space<vmem>>
    %dma_start3A_89 = tpu.memref_squeeze %dma_start3A_88 : memref<1x128x128xf32, #tpu.memory_space<vmem>> -> memref<128x128xf32, #tpu.memory_space<vmem>>
    %dma_start3A_90 = arith.constant 0 : i32
    %dma_start3A_91 = tpu.memref_slice %arg2[%add3A_75, %dma_start3A_90] : memref<163840x128xf32, #tpu.memory_space<hbm>> -> memref<128x128xf32, #tpu.memory_space<hbm>>
    tpu.enqueue_dma source(%dma_start3A_91 : memref<128x128xf32, #tpu.memory_space<hbm>>) target(%dma_start3A_89 : memref<128x128xf32, #tpu.memory_space<vmem>>) target_semaphore(%dma_start3A_85 : memref<!tpu.dma_semaphore, #tpu.memory_space<semaphore_mem>>)
    %scan3A = arith.constant 0 : i32
    %scan3A_92 = arith.constant 0 : i32
    %scan3A_93 = arith.constant 19 : i32
    %scan3A_94 = arith.addi %scan3A_92, %scan3A_93 : i32
    %scan3A_95 = arith.constant 1 : i32
    scf.for %scan3A_233 = %scan3A_92 to %scan3A_94 step %scan3A_95  : i32 {
      %mul3A_234 = arith.constant 2 : i32
      %mul3A_235 = arith.muli %scan3A_233, %mul3A_234 : i32
      %add3A_236 = arith.constant 0 : i32
      %add3A_237 = arith.addi %mul3A_235, %add3A_236 : i32
      %dma_wait3A_238 = arith.constant 0 : i32
      %dma_wait3A_239 = arith.constant 0 : i32
      %dma_wait3A_240 = arith.constant 0 : i32
      %dma_wait3A_241 = arith.constant 0 : i32
      %dma_wait3A_242 = tpu.memref_slice %arg9[%dma_wait3A_238, %dma_wait3A_240, %dma_wait3A_241] : memref<2x128x128xf32, #tpu.memory_space<vmem>> -> memref<1x128x128xf32, #tpu.memory_space<vmem>>
      %dma_wait3A_243 = tpu.memref_squeeze %dma_wait3A_242 : memref<1x128x128xf32, #tpu.memory_space<vmem>> -> memref<128x128xf32, #tpu.memory_space<vmem>>
      %dma_wait3A_244 = arith.constant 0 : i32
      %dma_wait3A_245 = tpu.memref_slice %arg2[%mul3A_2, %dma_wait3A_244] : memref<163840x128xf32, #tpu.memory_space<hbm>> -> memref<128x128xf32, #tpu.memory_space<hbm>>
      %dma_wait3A_246 = tpu.memref_slice %arg13[%dma_wait3A_239] : memref<2x!tpu.dma_semaphore, #tpu.memory_space<semaphore_mem>> -> memref<1x!tpu.dma_semaphore, #tpu.memory_space<semaphore_mem>>
      %dma_wait3A_247 = tpu.memref_squeeze %dma_wait3A_246 : memref<1x!tpu.dma_semaphore, #tpu.memory_space<semaphore_mem>> -> memref<!tpu.dma_semaphore, #tpu.memory_space<semaphore_mem>>
      %dma_wait3A_248 = arith.constant 0 : i32
      %dma_wait3A_249 = arith.constant 0 : i32
      %dma_wait3A_250 = tpu.memref_slice %arg9[%dma_wait3A_238, %dma_wait3A_248, %dma_wait3A_249] : memref<2x128x128xf32, #tpu.memory_space<vmem>> -> memref<1x128x128xf32, #tpu.memory_space<vmem>>
      %dma_wait3A_251 = tpu.memref_squeeze %dma_wait3A_250 : memref<1x128x128xf32, #tpu.memory_space<vmem>> -> memref<128x128xf32, #tpu.memory_space<vmem>>
      %dma_wait3A_252 = arith.constant 0 : i32
      %dma_wait3A_253 = tpu.memref_slice %arg2[%mul3A_2, %dma_wait3A_252] : memref<163840x128xf32, #tpu.memory_space<hbm>> -> memref<128x128xf32, #tpu.memory_space<hbm>>
      tpu.wait_dma2 semaphore(%dma_wait3A_247 : memref<!tpu.dma_semaphore, #tpu.memory_space<semaphore_mem>>) src(%dma_wait3A_253 : memref<128x128xf32, #tpu.memory_space<hbm>>) dst(%dma_wait3A_251 : memref<128x128xf32, #tpu.memory_space<vmem>>)
      %dma_start3A_254 = arith.constant 0 : i32
      %dma_start3A_255 = arith.constant 0 : i32
      %dma_start3A_256 = arith.constant 0 : i32
      %dma_start3A_257 = arith.constant 0 : i32
      %dma_start3A_258 = tpu.memref_slice %arg9[%dma_start3A_254, %dma_start3A_256, %dma_start3A_257] : memref<2x128x128xf32, #tpu.memory_space<vmem>> -> memref<1x128x128xf32, #tpu.memory_space<vmem>>
      %dma_start3A_259 = tpu.memref_squeeze %dma_start3A_258 : memref<1x128x128xf32, #tpu.memory_space<vmem>> -> memref<128x128xf32, #tpu.memory_space<vmem>>
      %dma_start3A_260 = arith.constant 0 : i32
      %dma_start3A_261 = tpu.memref_slice %arg8[%add3A_237, %dma_start3A_260] : memref<40x128xi32, #tpu.memory_space<vmem>> -> memref<1x128xi32, #tpu.memory_space<vmem>>
      %dma_start3A_262 = tpu.memref_squeeze %dma_start3A_261 : memref<1x128xi32, #tpu.memory_space<vmem>> -> memref<128xi32, #tpu.memory_space<vmem>>
      %dma_start3A_263 = arith.constant 0 : i32
      %dma_start3A_264 = arith.constant 0 : i32
      %dma_start3A_265 = tpu.memref_slice %arg11[%dma_start3A_263, %dma_start3A_264] : memref<10240x128xf32, #tpu.memory_space<vmem_shared>> -> memref<10240x128xf32, #tpu.memory_space<vmem_shared>>
      %dma_start3A_266 = tpu.memref_slice %arg14[%dma_start3A_255] : memref<2x!tpu.dma_semaphore, #tpu.memory_space<semaphore_mem>> -> memref<1x!tpu.dma_semaphore, #tpu.memory_space<semaphore_mem>>
      %dma_start3A_267 = tpu.memref_squeeze %dma_start3A_266 : memref<1x!tpu.dma_semaphore, #tpu.memory_space<semaphore_mem>> -> memref<!tpu.dma_semaphore, #tpu.memory_space<semaphore_mem>>
      tpu.enqueue_indirect_dma source(%dma_start3A_259 : memref<128x128xf32, #tpu.memory_space<vmem>>) target(%dma_start3A_265 : memref<10240x128xf32, #tpu.memory_space<vmem_shared>>) offsets(%dma_start3A_262 : memref<128xi32, #tpu.memory_space<vmem>>) semaphore(%dma_start3A_267 : memref<!tpu.dma_semaphore, #tpu.memory_space<semaphore_mem>>) {add = true}
      %dma_start3A_268 = arith.constant 0 : i32
      %dma_start3A_269 = arith.constant 0 : i32
      %dma_start3A_270 = tpu.memref_slice %arg8[%add3A_237, %dma_start3A_269] : memref<40x128xi32, #tpu.memory_space<vmem>> -> memref<1x128xi32, #tpu.memory_space<vmem>>
      %dma_start3A_271 = tpu.memref_squeeze %dma_start3A_270 : memref<1x128xi32, #tpu.memory_space<vmem>> -> memref<128xi32, #tpu.memory_space<vmem>>
      %dma_start3A_272 = arith.constant 0 : i32
      %dma_start3A_273 = tpu.memref_slice %arg12[%dma_start3A_272] : memref<10240xf32, #tpu.memory_space<vmem_shared>> -> memref<10240xf32, #tpu.memory_space<vmem_shared>>
      %dma_start3A_274 = tpu.memref_slice %arg15[%dma_start3A_268] : memref<2x!tpu.dma_semaphore, #tpu.memory_space<semaphore_mem>> -> memref<1x!tpu.dma_semaphore, #tpu.memory_space<semaphore_mem>>
      %dma_start3A_275 = tpu.memref_squeeze %dma_start3A_274 : memref<1x!tpu.dma_semaphore, #tpu.memory_space<semaphore_mem>> -> memref<!tpu.dma_semaphore, #tpu.memory_space<semaphore_mem>>
      tpu.enqueue_indirect_dma source(%arg10 : memref<128xf32, #tpu.memory_space<vmem>>) target(%dma_start3A_273 : memref<10240xf32, #tpu.memory_space<vmem_shared>>) offsets(%dma_start3A_271 : memref<128xi32, #tpu.memory_space<vmem>>) semaphore(%dma_start3A_275 : memref<!tpu.dma_semaphore, #tpu.memory_space<semaphore_mem>>) {add = true}
      %mul3A_276 = arith.constant 2 : i32
      %mul3A_277 = arith.muli %scan3A_233, %mul3A_276 : i32
      %add3A_278 = arith.constant 1 : i32
      %add3A_279 = arith.addi %mul3A_277, %add3A_278 : i32
      %dma_wait3A_280 = arith.constant 1 : i32
      %dma_wait3A_281 = arith.constant 1 : i32
      %dma_wait3A_282 = arith.constant 0 : i32
      %dma_wait3A_283 = arith.constant 0 : i32
      %dma_wait3A_284 = tpu.memref_slice %arg9[%dma_wait3A_280, %dma_wait3A_282, %dma_wait3A_283] : memref<2x128x128xf32, #tpu.memory_space<vmem>> -> memref<1x128x128xf32, #tpu.memory_space<vmem>>
      %dma_wait3A_285 = tpu.memref_squeeze %dma_wait3A_284 : memref<1x128x128xf32, #tpu.memory_space<vmem>> -> memref<128x128xf32, #tpu.memory_space<vmem>>
      %dma_wait3A_286 = arith.constant 0 : i32
      %dma_wait3A_287 = tpu.memref_slice %arg2[%mul3A_2, %dma_wait3A_286] : memref<163840x128xf32, #tpu.memory_space<hbm>> -> memref<128x128xf32, #tpu.memory_space<hbm>>
      %dma_wait3A_288 = tpu.memref_slice %arg13[%dma_wait3A_281] : memref<2x!tpu.dma_semaphore, #tpu.memory_space<semaphore_mem>> -> memref<1x!tpu.dma_semaphore, #tpu.memory_space<semaphore_mem>>
      %dma_wait3A_289 = tpu.memref_squeeze %dma_wait3A_288 : memref<1x!tpu.dma_semaphore, #tpu.memory_space<semaphore_mem>> -> memref<!tpu.dma_semaphore, #tpu.memory_space<semaphore_mem>>
      %dma_wait3A_290 = arith.constant 0 : i32
      %dma_wait3A_291 = arith.constant 0 : i32
      %dma_wait3A_292 = tpu.memref_slice %arg9[%dma_wait3A_280, %dma_wait3A_290, %dma_wait3A_291] : memref<2x128x128xf32, #tpu.memory_space<vmem>> -> memref<1x128x128xf32, #tpu.memory_space<vmem>>
      %dma_wait3A_293 = tpu.memref_squeeze %dma_wait3A_292 : memref<1x128x128xf32, #tpu.memory_space<vmem>> -> memref<128x128xf32, #tpu.memory_space<vmem>>
      %dma_wait3A_294 = arith.constant 0 : i32
      %dma_wait3A_295 = tpu.memref_slice %arg2[%mul3A_2, %dma_wait3A_294] : memref<163840x128xf32, #tpu.memory_space<hbm>> -> memref<128x128xf32, #tpu.memory_space<hbm>>
      tpu.wait_dma2 semaphore(%dma_wait3A_289 : memref<!tpu.dma_semaphore, #tpu.memory_space<semaphore_mem>>) src(%dma_wait3A_295 : memref<128x128xf32, #tpu.memory_space<hbm>>) dst(%dma_wait3A_293 : memref<128x128xf32, #tpu.memory_space<vmem>>)
      %dma_start3A_296 = arith.constant 1 : i32
      %dma_start3A_297 = arith.constant 1 : i32
      %dma_start3A_298 = arith.constant 0 : i32
      %dma_start3A_299 = arith.constant 0 : i32
      %dma_start3A_300 = tpu.memref_slice %arg9[%dma_start3A_296, %dma_start3A_298, %dma_start3A_299] : memref<2x128x128xf32, #tpu.memory_space<vmem>> -> memref<1x128x128xf32, #tpu.memory_space<vmem>>
      %dma_start3A_301 = tpu.memref_squeeze %dma_start3A_300 : memref<1x128x128xf32, #tpu.memory_space<vmem>> -> memref<128x128xf32, #tpu.memory_space<vmem>>
      %dma_start3A_302 = arith.constant 0 : i32
      %dma_start3A_303 = tpu.memref_slice %arg8[%add3A_279, %dma_start3A_302] : memref<40x128xi32, #tpu.memory_space<vmem>> -> memref<1x128xi32, #tpu.memory_space<vmem>>
      %dma_start3A_304 = tpu.memref_squeeze %dma_start3A_303 : memref<1x128xi32, #tpu.memory_space<vmem>> -> memref<128xi32, #tpu.memory_space<vmem>>
      %dma_start3A_305 = arith.constant 0 : i32
      %dma_start3A_306 = arith.constant 0 : i32
      %dma_start3A_307 = tpu.memref_slice %arg11[%dma_start3A_305, %dma_start3A_306] : memref<10240x128xf32, #tpu.memory_space<vmem_shared>> -> memref<10240x128xf32, #tpu.memory_space<vmem_shared>>
      %dma_start3A_308 = tpu.memref_slice %arg14[%dma_start3A_297] : memref<2x!tpu.dma_semaphore, #tpu.memory_space<semaphore_mem>> -> memref<1x!tpu.dma_semaphore, #tpu.memory_space<semaphore_mem>>
      %dma_start3A_309 = tpu.memref_squeeze %dma_start3A_308 : memref<1x!tpu.dma_semaphore, #tpu.memory_space<semaphore_mem>> -> memref<!tpu.dma_semaphore, #tpu.memory_space<semaphore_mem>>
      tpu.enqueue_indirect_dma source(%dma_start3A_301 : memref<128x128xf32, #tpu.memory_space<vmem>>) target(%dma_start3A_307 : memref<10240x128xf32, #tpu.memory_space<vmem_shared>>) offsets(%dma_start3A_304 : memref<128xi32, #tpu.memory_space<vmem>>) semaphore(%dma_start3A_309 : memref<!tpu.dma_semaphore, #tpu.memory_space<semaphore_mem>>) {add = true}
      %dma_start3A_310 = arith.constant 1 : i32
      %dma_start3A_311 = arith.constant 0 : i32
      %dma_start3A_312 = tpu.memref_slice %arg8[%add3A_279, %dma_start3A_311] : memref<40x128xi32, #tpu.memory_space<vmem>> -> memref<1x128xi32, #tpu.memory_space<vmem>>
      %dma_start3A_313 = tpu.memref_squeeze %dma_start3A_312 : memref<1x128xi32, #tpu.memory_space<vmem>> -> memref<128xi32, #tpu.memory_space<vmem>>
      %dma_start3A_314 = arith.constant 0 : i32
      %dma_start3A_315 = tpu.memref_slice %arg12[%dma_start3A_314] : memref<10240xf32, #tpu.memory_space<vmem_shared>> -> memref<10240xf32, #tpu.memory_space<vmem_shared>>
      %dma_start3A_316 = tpu.memref_slice %arg15[%dma_start3A_310] : memref<2x!tpu.dma_semaphore, #tpu.memory_space<semaphore_mem>> -> memref<1x!tpu.dma_semaphore, #tpu.memory_space<semaphore_mem>>
      %dma_start3A_317 = tpu.memref_squeeze %dma_start3A_316 : memref<1x!tpu.dma_semaphore, #tpu.memory_space<semaphore_mem>> -> memref<!tpu.dma_semaphore, #tpu.memory_space<semaphore_mem>>
      tpu.enqueue_indirect_dma source(%arg10 : memref<128xf32, #tpu.memory_space<vmem>>) target(%dma_start3A_315 : memref<10240xf32, #tpu.memory_space<vmem_shared>>) offsets(%dma_start3A_313 : memref<128xi32, #tpu.memory_space<vmem>>) semaphore(%dma_start3A_317 : memref<!tpu.dma_semaphore, #tpu.memory_space<semaphore_mem>>) {add = true}
      %add3A_318 = arith.constant 1 : i32
      %add3A_319 = arith.addi %scan3A_233, %add3A_318 : i32
      %mul3A_320 = arith.constant 2 : i32
      %mul3A_321 = arith.muli %add3A_319, %mul3A_320 : i32
      %add3A_322 = arith.constant 0 : i32
      %add3A_323 = arith.addi %mul3A_321, %add3A_322 : i32
      %dma_wait3A_324 = arith.constant 0 : i32
      %dma_wait3A_325 = arith.constant 0 : i32
      %dma_wait3A_326 = arith.constant 0 : i32
      %dma_wait3A_327 = arith.constant 0 : i32
      %dma_wait3A_328 = arith.constant 0 : i32
      %dma_wait3A_329 = tpu.memref_slice %arg9[%dma_wait3A_324, %dma_wait3A_327, %dma_wait3A_328] : memref<2x128x128xf32, #tpu.memory_space<vmem>> -> memref<1x128x128xf32, #tpu.memory_space<vmem>>
      %dma_wait3A_330 = tpu.memref_squeeze %dma_wait3A_329 : memref<1x128x128xf32, #tpu.memory_space<vmem>> -> memref<128x128xf32, #tpu.memory_space<vmem>>
      %dma_wait3A_331 = arith.constant 0 : i32
      %dma_wait3A_332 = tpu.memref_slice %arg8[%dma_wait3A_325, %dma_wait3A_331] : memref<40x128xi32, #tpu.memory_space<vmem>> -> memref<1x128xi32, #tpu.memory_space<vmem>>
      %dma_wait3A_333 = tpu.memref_squeeze %dma_wait3A_332 : memref<1x128xi32, #tpu.memory_space<vmem>> -> memref<128xi32, #tpu.memory_space<vmem>>
      %dma_wait3A_334 = arith.constant 0 : i32
      %dma_wait3A_335 = arith.constant 0 : i32
      %dma_wait3A_336 = tpu.memref_slice %arg11[%dma_wait3A_334, %dma_wait3A_335] : memref<10240x128xf32, #tpu.memory_space<vmem_shared>> -> memref<10240x128xf32, #tpu.memory_space<vmem_shared>>
      %dma_wait3A_337 = tpu.memref_slice %arg14[%dma_wait3A_326] : memref<2x!tpu.dma_semaphore, #tpu.memory_space<semaphore_mem>> -> memref<1x!tpu.dma_semaphore, #tpu.memory_space<semaphore_mem>>
      %dma_wait3A_338 = tpu.memref_squeeze %dma_wait3A_337 : memref<1x!tpu.dma_semaphore, #tpu.memory_space<semaphore_mem>> -> memref<!tpu.dma_semaphore, #tpu.memory_space<semaphore_mem>>
      tpu.wait_indirect_dma semaphore(%dma_wait3A_338 : memref<!tpu.dma_semaphore, #tpu.memory_space<semaphore_mem>>) src(%dma_wait3A_330 : memref<128x128xf32, #tpu.memory_space<vmem>>) dst(%dma_wait3A_336 : memref<10240x128xf32, #tpu.memory_space<vmem_shared>>)
      %dma_wait3A_339 = arith.constant 0 : i32
      %dma_wait3A_340 = arith.constant 0 : i32
      %dma_wait3A_341 = arith.constant 0 : i32
      %dma_wait3A_342 = tpu.memref_slice %arg8[%dma_wait3A_339, %dma_wait3A_341] : memref<40x128xi32, #tpu.memory_space<vmem>> -> memref<1x128xi32, #tpu.memory_space<vmem>>
      %dma_wait3A_343 = tpu.memref_squeeze %dma_wait3A_342 : memref<1x128xi32, #tpu.memory_space<vmem>> -> memref<128xi32, #tpu.memory_space<vmem>>
      %dma_wait3A_344 = arith.constant 0 : i32
      %dma_wait3A_345 = tpu.memref_slice %arg12[%dma_wait3A_344] : memref<10240xf32, #tpu.memory_space<vmem_shared>> -> memref<10240xf32, #tpu.memory_space<vmem_shared>>
      %dma_wait3A_346 = tpu.memref_slice %arg15[%dma_wait3A_340] : memref<2x!tpu.dma_semaphore, #tpu.memory_space<semaphore_mem>> -> memref<1x!tpu.dma_semaphore, #tpu.memory_space<semaphore_mem>>
      %dma_wait3A_347 = tpu.memref_squeeze %dma_wait3A_346 : memref<1x!tpu.dma_semaphore, #tpu.memory_space<semaphore_mem>> -> memref<!tpu.dma_semaphore, #tpu.memory_space<semaphore_mem>>
      tpu.wait_indirect_dma semaphore(%dma_wait3A_347 : memref<!tpu.dma_semaphore, #tpu.memory_space<semaphore_mem>>) src(%arg10 : memref<128xf32, #tpu.memory_space<vmem>>) dst(%dma_wait3A_345 : memref<10240xf32, #tpu.memory_space<vmem_shared>>)
      %mul3A_348 = arith.constant 128 : i32
      %mul3A_349 = arith.muli %add3A_323, %mul3A_348 : i32
      %add3A_350 = arith.addi %mul3A_2, %mul3A_349 : i32
      %dma_start3A_351 = arith.constant 0 : i32
      %dma_start3A_352 = arith.constant 0 : i32
      %dma_start3A_353 = arith.constant 0 : i32
      %dma_start3A_354 = arith.constant 0 : i32
      %dma_start3A_355 = tpu.memref_slice %arg9[%dma_start3A_351, %dma_start3A_353, %dma_start3A_354] : memref<2x128x128xf32, #tpu.memory_space<vmem>> -> memref<1x128x128xf32, #tpu.memory_space<vmem>>
      %dma_start3A_356 = tpu.memref_squeeze %dma_start3A_355 : memref<1x128x128xf32, #tpu.memory_space<vmem>> -> memref<128x128xf32, #tpu.memory_space<vmem>>
      %dma_start3A_357 = arith.constant 0 : i32
      %dma_start3A_358 = tpu.memref_slice %arg2[%add3A_350, %dma_start3A_357] : memref<163840x128xf32, #tpu.memory_space<hbm>> -> memref<128x128xf32, #tpu.memory_space<hbm>>
      %dma_start3A_359 = tpu.memref_slice %arg13[%dma_start3A_352] : memref<2x!tpu.dma_semaphore, #tpu.memory_space<semaphore_mem>> -> memref<1x!tpu.dma_semaphore, #tpu.memory_space<semaphore_mem>>
      %dma_start3A_360 = tpu.memref_squeeze %dma_start3A_359 : memref<1x!tpu.dma_semaphore, #tpu.memory_space<semaphore_mem>> -> memref<!tpu.dma_semaphore, #tpu.memory_space<semaphore_mem>>
      %dma_start3A_361 = arith.constant 0 : i32
      %dma_start3A_362 = arith.constant 0 : i32
      %dma_start3A_363 = tpu.memref_slice %arg9[%dma_start3A_351, %dma_start3A_361, %dma_start3A_362] : memref<2x128x128xf32, #tpu.memory_space<vmem>> -> memref<1x128x128xf32, #tpu.memory_space<vmem>>
      %dma_start3A_364 = tpu.memref_squeeze %dma_start3A_363 : memref<1x128x128xf32, #tpu.memory_space<vmem>> -> memref<128x128xf32, #tpu.memory_space<vmem>>
      %dma_start3A_365 = arith.constant 0 : i32
      %dma_start3A_366 = tpu.memref_slice %arg2[%add3A_350, %dma_start3A_365] : memref<163840x128xf32, #tpu.memory_space<hbm>> -> memref<128x128xf32, #tpu.memory_space<hbm>>
      tpu.enqueue_dma source(%dma_start3A_366 : memref<128x128xf32, #tpu.memory_space<hbm>>) target(%dma_start3A_364 : memref<128x128xf32, #tpu.memory_space<vmem>>) target_semaphore(%dma_start3A_360 : memref<!tpu.dma_semaphore, #tpu.memory_space<semaphore_mem>>)
      %add3A_367 = arith.constant 1 : i32
      %add3A_368 = arith.addi %scan3A_233, %add3A_367 : i32
      %mul3A_369 = arith.constant 2 : i32
      %mul3A_370 = arith.muli %add3A_368, %mul3A_369 : i32
      %add3A_371 = arith.constant 1 : i32
      %add3A_372 = arith.addi %mul3A_370, %add3A_371 : i32
      %dma_wait3A_373 = arith.constant 1 : i32
      %dma_wait3A_374 = arith.constant 0 : i32
      %dma_wait3A_375 = arith.constant 1 : i32
      %dma_wait3A_376 = arith.constant 0 : i32
      %dma_wait3A_377 = arith.constant 0 : i32
      %dma_wait3A_378 = tpu.memref_slice %arg9[%dma_wait3A_373, %dma_wait3A_376, %dma_wait3A_377] : memref<2x128x128xf32, #tpu.memory_space<vmem>> -> memref<1x128x128xf32, #tpu.memory_space<vmem>>
      %dma_wait3A_379 = tpu.memref_squeeze %dma_wait3A_378 : memref<1x128x128xf32, #tpu.memory_space<vmem>> -> memref<128x128xf32, #tpu.memory_space<vmem>>
      %dma_wait3A_380 = arith.constant 0 : i32
      %dma_wait3A_381 = tpu.memref_slice %arg8[%dma_wait3A_374, %dma_wait3A_380] : memref<40x128xi32, #tpu.memory_space<vmem>> -> memref<1x128xi32, #tpu.memory_space<vmem>>
      %dma_wait3A_382 = tpu.memref_squeeze %dma_wait3A_381 : memref<1x128xi32, #tpu.memory_space<vmem>> -> memref<128xi32, #tpu.memory_space<vmem>>
      %dma_wait3A_383 = arith.constant 0 : i32
      %dma_wait3A_384 = arith.constant 0 : i32
      %dma_wait3A_385 = tpu.memref_slice %arg11[%dma_wait3A_383, %dma_wait3A_384] : memref<10240x128xf32, #tpu.memory_space<vmem_shared>> -> memref<10240x128xf32, #tpu.memory_space<vmem_shared>>
      %dma_wait3A_386 = tpu.memref_slice %arg14[%dma_wait3A_375] : memref<2x!tpu.dma_semaphore, #tpu.memory_space<semaphore_mem>> -> memref<1x!tpu.dma_semaphore, #tpu.memory_space<semaphore_mem>>
      %dma_wait3A_387 = tpu.memref_squeeze %dma_wait3A_386 : memref<1x!tpu.dma_semaphore, #tpu.memory_space<semaphore_mem>> -> memref<!tpu.dma_semaphore, #tpu.memory_space<semaphore_mem>>
      tpu.wait_indirect_dma semaphore(%dma_wait3A_387 : memref<!tpu.dma_semaphore, #tpu.memory_space<semaphore_mem>>) src(%dma_wait3A_379 : memref<128x128xf32, #tpu.memory_space<vmem>>) dst(%dma_wait3A_385 : memref<10240x128xf32, #tpu.memory_space<vmem_shared>>)
      %dma_wait3A_388 = arith.constant 0 : i32
      %dma_wait3A_389 = arith.constant 1 : i32
      %dma_wait3A_390 = arith.constant 0 : i32
      %dma_wait3A_391 = tpu.memref_slice %arg8[%dma_wait3A_388, %dma_wait3A_390] : memref<40x128xi32, #tpu.memory_space<vmem>> -> memref<1x128xi32, #tpu.memory_space<vmem>>
      %dma_wait3A_392 = tpu.memref_squeeze %dma_wait3A_391 : memref<1x128xi32, #tpu.memory_space<vmem>> -> memref<128xi32, #tpu.memory_space<vmem>>
      %dma_wait3A_393 = arith.constant 0 : i32
      %dma_wait3A_394 = tpu.memref_slice %arg12[%dma_wait3A_393] : memref<10240xf32, #tpu.memory_space<vmem_shared>> -> memref<10240xf32, #tpu.memory_space<vmem_shared>>
      %dma_wait3A_395 = tpu.memref_slice %arg15[%dma_wait3A_389] : memref<2x!tpu.dma_semaphore, #tpu.memory_space<semaphore_mem>> -> memref<1x!tpu.dma_semaphore, #tpu.memory_space<semaphore_mem>>
      %dma_wait3A_396 = tpu.memref_squeeze %dma_wait3A_395 : memref<1x!tpu.dma_semaphore, #tpu.memory_space<semaphore_mem>> -> memref<!tpu.dma_semaphore, #tpu.memory_space<semaphore_mem>>
      tpu.wait_indirect_dma semaphore(%dma_wait3A_396 : memref<!tpu.dma_semaphore, #tpu.memory_space<semaphore_mem>>) src(%arg10 : memref<128xf32, #tpu.memory_space<vmem>>) dst(%dma_wait3A_394 : memref<10240xf32, #tpu.memory_space<vmem_shared>>)
      %mul3A_397 = arith.constant 128 : i32
      %mul3A_398 = arith.muli %add3A_372, %mul3A_397 : i32
      %add3A_399 = arith.addi %mul3A_2, %mul3A_398 : i32
      %dma_start3A_400 = arith.constant 1 : i32
      %dma_start3A_401 = arith.constant 1 : i32
      %dma_start3A_402 = arith.constant 0 : i32
      %dma_start3A_403 = arith.constant 0 : i32
      %dma_start3A_404 = tpu.memref_slice %arg9[%dma_start3A_400, %dma_start3A_402, %dma_start3A_403] : memref<2x128x128xf32, #tpu.memory_space<vmem>> -> memref<1x128x128xf32, #tpu.memory_space<vmem>>
      %dma_start3A_405 = tpu.memref_squeeze %dma_start3A_404 : memref<1x128x128xf32, #tpu.memory_space<vmem>> -> memref<128x128xf32, #tpu.memory_space<vmem>>
      %dma_start3A_406 = arith.constant 0 : i32
      %dma_start3A_407 = tpu.memref_slice %arg2[%add3A_399, %dma_start3A_406] : memref<163840x128xf32, #tpu.memory_space<hbm>> -> memref<128x128xf32, #tpu.memory_space<hbm>>
      %dma_start3A_408 = tpu.memref_slice %arg13[%dma_start3A_401] : memref<2x!tpu.dma_semaphore, #tpu.memory_space<semaphore_mem>> -> memref<1x!tpu.dma_semaphore, #tpu.memory_space<semaphore_mem>>
      %dma_start3A_409 = tpu.memref_squeeze %dma_start3A_408 : memref<1x!tpu.dma_semaphore, #tpu.memory_space<semaphore_mem>> -> memref<!tpu.dma_semaphore, #tpu.memory_space<semaphore_mem>>
      %dma_start3A_410 = arith.constant 0 : i32
      %dma_start3A_411 = arith.constant 0 : i32
      %dma_start3A_412 = tpu.memref_slice %arg9[%dma_start3A_400, %dma_start3A_410, %dma_start3A_411] : memref<2x128x128xf32, #tpu.memory_space<vmem>> -> memref<1x128x128xf32, #tpu.memory_space<vmem>>
      %dma_start3A_413 = tpu.memref_squeeze %dma_start3A_412 : memref<1x128x128xf32, #tpu.memory_space<vmem>> -> memref<128x128xf32, #tpu.memory_space<vmem>>
      %dma_start3A_414 = arith.constant 0 : i32
      %dma_start3A_415 = tpu.memref_slice %arg2[%add3A_399, %dma_start3A_414] : memref<163840x128xf32, #tpu.memory_space<hbm>> -> memref<128x128xf32, #tpu.memory_space<hbm>>
      tpu.enqueue_dma source(%dma_start3A_415 : memref<128x128xf32, #tpu.memory_space<hbm>>) target(%dma_start3A_413 : memref<128x128xf32, #tpu.memory_space<vmem>>) target_semaphore(%dma_start3A_409 : memref<!tpu.dma_semaphore, #tpu.memory_space<semaphore_mem>>)
    }
    %scan3A_96 = arith.constant 19 : i32
    %dma_wait3A = arith.constant 0 : i32
    %dma_wait3A_97 = arith.constant 0 : i32
    %dma_wait3A_98 = arith.constant 0 : i32
    %dma_wait3A_99 = arith.constant 0 : i32
    %dma_wait3A_100 = tpu.memref_slice %arg9[%dma_wait3A, %dma_wait3A_98, %dma_wait3A_99] : memref<2x128x128xf32, #tpu.memory_space<vmem>> -> memref<1x128x128xf32, #tpu.memory_space<vmem>>
    %dma_wait3A_101 = tpu.memref_squeeze %dma_wait3A_100 : memref<1x128x128xf32, #tpu.memory_space<vmem>> -> memref<128x128xf32, #tpu.memory_space<vmem>>
    %dma_wait3A_102 = arith.constant 0 : i32
    %dma_wait3A_103 = tpu.memref_slice %arg2[%mul3A_2, %dma_wait3A_102] : memref<163840x128xf32, #tpu.memory_space<hbm>> -> memref<128x128xf32, #tpu.memory_space<hbm>>
    %dma_wait3A_104 = tpu.memref_slice %arg13[%dma_wait3A_97] : memref<2x!tpu.dma_semaphore, #tpu.memory_space<semaphore_mem>> -> memref<1x!tpu.dma_semaphore, #tpu.memory_space<semaphore_mem>>
    %dma_wait3A_105 = tpu.memref_squeeze %dma_wait3A_104 : memref<1x!tpu.dma_semaphore, #tpu.memory_space<semaphore_mem>> -> memref<!tpu.dma_semaphore, #tpu.memory_space<semaphore_mem>>
    %dma_wait3A_106 = arith.constant 0 : i32
    %dma_wait3A_107 = arith.constant 0 : i32
    %dma_wait3A_108 = tpu.memref_slice %arg9[%dma_wait3A, %dma_wait3A_106, %dma_wait3A_107] : memref<2x128x128xf32, #tpu.memory_space<vmem>> -> memref<1x128x128xf32, #tpu.memory_space<vmem>>
    %dma_wait3A_109 = tpu.memref_squeeze %dma_wait3A_108 : memref<1x128x128xf32, #tpu.memory_space<vmem>> -> memref<128x128xf32, #tpu.memory_space<vmem>>
    %dma_wait3A_110 = arith.constant 0 : i32
    %dma_wait3A_111 = tpu.memref_slice %arg2[%mul3A_2, %dma_wait3A_110] : memref<163840x128xf32, #tpu.memory_space<hbm>> -> memref<128x128xf32, #tpu.memory_space<hbm>>
    tpu.wait_dma2 semaphore(%dma_wait3A_105 : memref<!tpu.dma_semaphore, #tpu.memory_space<semaphore_mem>>) src(%dma_wait3A_111 : memref<128x128xf32, #tpu.memory_space<hbm>>) dst(%dma_wait3A_109 : memref<128x128xf32, #tpu.memory_space<vmem>>)
    %dma_start3A_112 = arith.constant 0 : i32
    %dma_start3A_113 = arith.constant 38 : i32
    %dma_start3A_114 = arith.constant 0 : i32
    %dma_start3A_115 = arith.constant 0 : i32
    %dma_start3A_116 = arith.constant 0 : i32
    %dma_start3A_117 = tpu.memref_slice %arg9[%dma_start3A_112, %dma_start3A_115, %dma_start3A_116] : memref<2x128x128xf32, #tpu.memory_space<vmem>> -> memref<1x128x128xf32, #tpu.memory_space<vmem>>
    %dma_start3A_118 = tpu.memref_squeeze %dma_start3A_117 : memref<1x128x128xf32, #tpu.memory_space<vmem>> -> memref<128x128xf32, #tpu.memory_space<vmem>>
    %dma_start3A_119 = arith.constant 0 : i32
    %dma_start3A_120 = tpu.memref_slice %arg8[%dma_start3A_113, %dma_start3A_119] : memref<40x128xi32, #tpu.memory_space<vmem>> -> memref<1x128xi32, #tpu.memory_space<vmem>>
    %dma_start3A_121 = tpu.memref_squeeze %dma_start3A_120 : memref<1x128xi32, #tpu.memory_space<vmem>> -> memref<128xi32, #tpu.memory_space<vmem>>
    %dma_start3A_122 = arith.constant 0 : i32
    %dma_start3A_123 = arith.constant 0 : i32
    %dma_start3A_124 = tpu.memref_slice %arg11[%dma_start3A_122, %dma_start3A_123] : memref<10240x128xf32, #tpu.memory_space<vmem_shared>> -> memref<10240x128xf32, #tpu.memory_space<vmem_shared>>
    %dma_start3A_125 = tpu.memref_slice %arg14[%dma_start3A_114] : memref<2x!tpu.dma_semaphore, #tpu.memory_space<semaphore_mem>> -> memref<1x!tpu.dma_semaphore, #tpu.memory_space<semaphore_mem>>
    %dma_start3A_126 = tpu.memref_squeeze %dma_start3A_125 : memref<1x!tpu.dma_semaphore, #tpu.memory_space<semaphore_mem>> -> memref<!tpu.dma_semaphore, #tpu.memory_space<semaphore_mem>>
    tpu.enqueue_indirect_dma source(%dma_start3A_118 : memref<128x128xf32, #tpu.memory_space<vmem>>) target(%dma_start3A_124 : memref<10240x128xf32, #tpu.memory_space<vmem_shared>>) offsets(%dma_start3A_121 : memref<128xi32, #tpu.memory_space<vmem>>) semaphore(%dma_start3A_126 : memref<!tpu.dma_semaphore, #tpu.memory_space<semaphore_mem>>) {add = true}
    %dma_start3A_127 = arith.constant 38 : i32
    %dma_start3A_128 = arith.constant 0 : i32
    %dma_start3A_129 = arith.constant 0 : i32
    %dma_start3A_130 = tpu.memref_slice %arg8[%dma_start3A_127, %dma_start3A_129] : memref<40x128xi32, #tpu.memory_space<vmem>> -> memref<1x128xi32, #tpu.memory_space<vmem>>
    %dma_start3A_131 = tpu.memref_squeeze %dma_start3A_130 : memref<1x128xi32, #tpu.memory_space<vmem>> -> memref<128xi32, #tpu.memory_space<vmem>>
    %dma_start3A_132 = arith.constant 0 : i32
    %dma_start3A_133 = tpu.memref_slice %arg12[%dma_start3A_132] : memref<10240xf32, #tpu.memory_space<vmem_shared>> -> memref<10240xf32, #tpu.memory_space<vmem_shared>>
    %dma_start3A_134 = tpu.memref_slice %arg15[%dma_start3A_128] : memref<2x!tpu.dma_semaphore, #tpu.memory_space<semaphore_mem>> -> memref<1x!tpu.dma_semaphore, #tpu.memory_space<semaphore_mem>>
    %dma_start3A_135 = tpu.memref_squeeze %dma_start3A_134 : memref<1x!tpu.dma_semaphore, #tpu.memory_space<semaphore_mem>> -> memref<!tpu.dma_semaphore, #tpu.memory_space<semaphore_mem>>
    tpu.enqueue_indirect_dma source(%arg10 : memref<128xf32, #tpu.memory_space<vmem>>) target(%dma_start3A_133 : memref<10240xf32, #tpu.memory_space<vmem_shared>>) offsets(%dma_start3A_131 : memref<128xi32, #tpu.memory_space<vmem>>) semaphore(%dma_start3A_135 : memref<!tpu.dma_semaphore, #tpu.memory_space<semaphore_mem>>) {add = true}
    %dma_wait3A_136 = arith.constant 1 : i32
    %dma_wait3A_137 = arith.constant 1 : i32
    %dma_wait3A_138 = arith.constant 0 : i32
    %dma_wait3A_139 = arith.constant 0 : i32
    %dma_wait3A_140 = tpu.memref_slice %arg9[%dma_wait3A_136, %dma_wait3A_138, %dma_wait3A_139] : memref<2x128x128xf32, #tpu.memory_space<vmem>> -> memref<1x128x128xf32, #tpu.memory_space<vmem>>
    %dma_wait3A_141 = tpu.memref_squeeze %dma_wait3A_140 : memref<1x128x128xf32, #tpu.memory_space<vmem>> -> memref<128x128xf32, #tpu.memory_space<vmem>>
    %dma_wait3A_142 = arith.constant 0 : i32
    %dma_wait3A_143 = tpu.memref_slice %arg2[%mul3A_2, %dma_wait3A_142] : memref<163840x128xf32, #tpu.memory_space<hbm>> -> memref<128x128xf32, #tpu.memory_space<hbm>>
    %dma_wait3A_144 = tpu.memref_slice %arg13[%dma_wait3A_137] : memref<2x!tpu.dma_semaphore, #tpu.memory_space<semaphore_mem>> -> memref<1x!tpu.dma_semaphore, #tpu.memory_space<semaphore_mem>>
    %dma_wait3A_145 = tpu.memref_squeeze %dma_wait3A_144 : memref<1x!tpu.dma_semaphore, #tpu.memory_space<semaphore_mem>> -> memref<!tpu.dma_semaphore, #tpu.memory_space<semaphore_mem>>
    %dma_wait3A_146 = arith.constant 0 : i32
    %dma_wait3A_147 = arith.constant 0 : i32
    %dma_wait3A_148 = tpu.memref_slice %arg9[%dma_wait3A_136, %dma_wait3A_146, %dma_wait3A_147] : memref<2x128x128xf32, #tpu.memory_space<vmem>> -> memref<1x128x128xf32, #tpu.memory_space<vmem>>
    %dma_wait3A_149 = tpu.memref_squeeze %dma_wait3A_148 : memref<1x128x128xf32, #tpu.memory_space<vmem>> -> memref<128x128xf32, #tpu.memory_space<vmem>>
    %dma_wait3A_150 = arith.constant 0 : i32
    %dma_wait3A_151 = tpu.memref_slice %arg2[%mul3A_2, %dma_wait3A_150] : memref<163840x128xf32, #tpu.memory_space<hbm>> -> memref<128x128xf32, #tpu.memory_space<hbm>>
    tpu.wait_dma2 semaphore(%dma_wait3A_145 : memref<!tpu.dma_semaphore, #tpu.memory_space<semaphore_mem>>) src(%dma_wait3A_151 : memref<128x128xf32, #tpu.memory_space<hbm>>) dst(%dma_wait3A_149 : memref<128x128xf32, #tpu.memory_space<vmem>>)
    %dma_start3A_152 = arith.constant 1 : i32
    %dma_start3A_153 = arith.constant 39 : i32
    %dma_start3A_154 = arith.constant 1 : i32
    %dma_start3A_155 = arith.constant 0 : i32
    %dma_start3A_156 = arith.constant 0 : i32
    %dma_start3A_157 = tpu.memref_slice %arg9[%dma_start3A_152, %dma_start3A_155, %dma_start3A_156] : memref<2x128x128xf32, #tpu.memory_space<vmem>> -> memref<1x128x128xf32, #tpu.memory_space<vmem>>
    %dma_start3A_158 = tpu.memref_squeeze %dma_start3A_157 : memref<1x128x128xf32, #tpu.memory_space<vmem>> -> memref<128x128xf32, #tpu.memory_space<vmem>>
    %dma_start3A_159 = arith.constant 0 : i32
    %dma_start3A_160 = tpu.memref_slice %arg8[%dma_start3A_153, %dma_start3A_159] : memref<40x128xi32, #tpu.memory_space<vmem>> -> memref<1x128xi32, #tpu.memory_space<vmem>>
    %dma_start3A_161 = tpu.memref_squeeze %dma_start3A_160 : memref<1x128xi32, #tpu.memory_space<vmem>> -> memref<128xi32, #tpu.memory_space<vmem>>
    %dma_start3A_162 = arith.constant 0 : i32
    %dma_start3A_163 = arith.constant 0 : i32
    %dma_start3A_164 = tpu.memref_slice %arg11[%dma_start3A_162, %dma_start3A_163] : memref<10240x128xf32, #tpu.memory_space<vmem_shared>> -> memref<10240x128xf32, #tpu.memory_space<vmem_shared>>
    %dma_start3A_165 = tpu.memref_slice %arg14[%dma_start3A_154] : memref<2x!tpu.dma_semaphore, #tpu.memory_space<semaphore_mem>> -> memref<1x!tpu.dma_semaphore, #tpu.memory_space<semaphore_mem>>
    %dma_start3A_166 = tpu.memref_squeeze %dma_start3A_165 : memref<1x!tpu.dma_semaphore, #tpu.memory_space<semaphore_mem>> -> memref<!tpu.dma_semaphore, #tpu.memory_space<semaphore_mem>>
    tpu.enqueue_indirect_dma source(%dma_start3A_158 : memref<128x128xf32, #tpu.memory_space<vmem>>) target(%dma_start3A_164 : memref<10240x128xf32, #tpu.memory_space<vmem_shared>>) offsets(%dma_start3A_161 : memref<128xi32, #tpu.memory_space<vmem>>) semaphore(%dma_start3A_166 : memref<!tpu.dma_semaphore, #tpu.memory_space<semaphore_mem>>) {add = true}
    %dma_start3A_167 = arith.constant 39 : i32
    %dma_start3A_168 = arith.constant 1 : i32
    %dma_start3A_169 = arith.constant 0 : i32
    %dma_start3A_170 = tpu.memref_slice %arg8[%dma_start3A_167, %dma_start3A_169] : memref<40x128xi32, #tpu.memory_space<vmem>> -> memref<1x128xi32, #tpu.memory_space<vmem>>
    %dma_start3A_171 = tpu.memref_squeeze %dma_start3A_170 : memref<1x128xi32, #tpu.memory_space<vmem>> -> memref<128xi32, #tpu.memory_space<vmem>>
    %dma_start3A_172 = arith.constant 0 : i32
    %dma_start3A_173 = tpu.memref_slice %arg12[%dma_start3A_172] : memref<10240xf32, #tpu.memory_space<vmem_shared>> -> memref<10240xf32, #tpu.memory_space<vmem_shared>>
    %dma_start3A_174 = tpu.memref_slice %arg15[%dma_start3A_168] : memref<2x!tpu.dma_semaphore, #tpu.memory_space<semaphore_mem>> -> memref<1x!tpu.dma_semaphore, #tpu.memory_space<semaphore_mem>>
    %dma_start3A_175 = tpu.memref_squeeze %dma_start3A_174 : memref<1x!tpu.dma_semaphore, #tpu.memory_space<semaphore_mem>> -> memref<!tpu.dma_semaphore, #tpu.memory_space<semaphore_mem>>
    tpu.enqueue_indirect_dma source(%arg10 : memref<128xf32, #tpu.memory_space<vmem>>) target(%dma_start3A_173 : memref<10240xf32, #tpu.memory_space<vmem_shared>>) offsets(%dma_start3A_171 : memref<128xi32, #tpu.memory_space<vmem>>) semaphore(%dma_start3A_175 : memref<!tpu.dma_semaphore, #tpu.memory_space<semaphore_mem>>) {add = true}
    %dma_wait3A_176 = arith.constant 0 : i32
    %dma_wait3A_177 = arith.constant 0 : i32
    %dma_wait3A_178 = arith.constant 0 : i32
    %dma_wait3A_179 = arith.constant 0 : i32
    %dma_wait3A_180 = arith.constant 0 : i32
    %dma_wait3A_181 = tpu.memref_slice %arg9[%dma_wait3A_176, %dma_wait3A_179, %dma_wait3A_180] : memref<2x128x128xf32, #tpu.memory_space<vmem>> -> memref<1x128x128xf32, #tpu.memory_space<vmem>>
    %dma_wait3A_182 = tpu.memref_squeeze %dma_wait3A_181 : memref<1x128x128xf32, #tpu.memory_space<vmem>> -> memref<128x128xf32, #tpu.memory_space<vmem>>
    %dma_wait3A_183 = arith.constant 0 : i32
    %dma_wait3A_184 = tpu.memref_slice %arg8[%dma_wait3A_177, %dma_wait3A_183] : memref<40x128xi32, #tpu.memory_space<vmem>> -> memref<1x128xi32, #tpu.memory_space<vmem>>
    %dma_wait3A_185 = tpu.memref_squeeze %dma_wait3A_184 : memref<1x128xi32, #tpu.memory_space<vmem>> -> memref<128xi32, #tpu.memory_space<vmem>>
    %dma_wait3A_186 = arith.constant 0 : i32
    %dma_wait3A_187 = arith.constant 0 : i32
    %dma_wait3A_188 = tpu.memref_slice %arg11[%dma_wait3A_186, %dma_wait3A_187] : memref<10240x128xf32, #tpu.memory_space<vmem_shared>> -> memref<10240x128xf32, #tpu.memory_space<vmem_shared>>
    %dma_wait3A_189 = tpu.memref_slice %arg14[%dma_wait3A_178] : memref<2x!tpu.dma_semaphore, #tpu.memory_space<semaphore_mem>> -> memref<1x!tpu.dma_semaphore, #tpu.memory_space<semaphore_mem>>
    %dma_wait3A_190 = tpu.memref_squeeze %dma_wait3A_189 : memref<1x!tpu.dma_semaphore, #tpu.memory_space<semaphore_mem>> -> memref<!tpu.dma_semaphore, #tpu.memory_space<semaphore_mem>>
    tpu.wait_indirect_dma semaphore(%dma_wait3A_190 : memref<!tpu.dma_semaphore, #tpu.memory_space<semaphore_mem>>) src(%dma_wait3A_182 : memref<128x128xf32, #tpu.memory_space<vmem>>) dst(%dma_wait3A_188 : memref<10240x128xf32, #tpu.memory_space<vmem_shared>>)
    %dma_wait3A_191 = arith.constant 0 : i32
    %dma_wait3A_192 = arith.constant 0 : i32
    %dma_wait3A_193 = arith.constant 0 : i32
    %dma_wait3A_194 = tpu.memref_slice %arg8[%dma_wait3A_191, %dma_wait3A_193] : memref<40x128xi32, #tpu.memory_space<vmem>> -> memref<1x128xi32, #tpu.memory_space<vmem>>
    %dma_wait3A_195 = tpu.memref_squeeze %dma_wait3A_194 : memref<1x128xi32, #tpu.memory_space<vmem>> -> memref<128xi32, #tpu.memory_space<vmem>>
    %dma_wait3A_196 = arith.constant 0 : i32
    %dma_wait3A_197 = tpu.memref_slice %arg12[%dma_wait3A_196] : memref<10240xf32, #tpu.memory_space<vmem_shared>> -> memref<10240xf32, #tpu.memory_space<vmem_shared>>
    %dma_wait3A_198 = tpu.memref_slice %arg15[%dma_wait3A_192] : memref<2x!tpu.dma_semaphore, #tpu.memory_space<semaphore_mem>> -> memref<1x!tpu.dma_semaphore, #tpu.memory_space<semaphore_mem>>
    %dma_wait3A_199 = tpu.memref_squeeze %dma_wait3A_198 : memref<1x!tpu.dma_semaphore, #tpu.memory_space<semaphore_mem>> -> memref<!tpu.dma_semaphore, #tpu.memory_space<semaphore_mem>>
    tpu.wait_indirect_dma semaphore(%dma_wait3A_199 : memref<!tpu.dma_semaphore, #tpu.memory_space<semaphore_mem>>) src(%arg10 : memref<128xf32, #tpu.memory_space<vmem>>) dst(%dma_wait3A_197 : memref<10240xf32, #tpu.memory_space<vmem_shared>>)
    %dma_wait3A_200 = arith.constant 1 : i32
    %dma_wait3A_201 = arith.constant 0 : i32
    %dma_wait3A_202 = arith.constant 1 : i32
    %dma_wait3A_203 = arith.constant 0 : i32
    %dma_wait3A_204 = arith.constant 0 : i32
    %dma_wait3A_205 = tpu.memref_slice %arg9[%dma_wait3A_200, %dma_wait3A_203, %dma_wait3A_204] : memref<2x128x128xf32, #tpu.memory_space<vmem>> -> memref<1x128x128xf32, #tpu.memory_space<vmem>>
    %dma_wait3A_206 = tpu.memref_squeeze %dma_wait3A_205 : memref<1x128x128xf32, #tpu.memory_space<vmem>> -> memref<128x128xf32, #tpu.memory_space<vmem>>
    %dma_wait3A_207 = arith.constant 0 : i32
    %dma_wait3A_208 = tpu.memref_slice %arg8[%dma_wait3A_201, %dma_wait3A_207] : memref<40x128xi32, #tpu.memory_space<vmem>> -> memref<1x128xi32, #tpu.memory_space<vmem>>
    %dma_wait3A_209 = tpu.memref_squeeze %dma_wait3A_208 : memref<1x128xi32, #tpu.memory_space<vmem>> -> memref<128xi32, #tpu.memory_space<vmem>>
    %dma_wait3A_210 = arith.constant 0 : i32
    %dma_wait3A_211 = arith.constant 0 : i32
    %dma_wait3A_212 = tpu.memref_slice %arg11[%dma_wait3A_210, %dma_wait3A_211] : memref<10240x128xf32, #tpu.memory_space<vmem_shared>> -> memref<10240x128xf32, #tpu.memory_space<vmem_shared>>
    %dma_wait3A_213 = tpu.memref_slice %arg14[%dma_wait3A_202] : memref<2x!tpu.dma_semaphore, #tpu.memory_space<semaphore_mem>> -> memref<1x!tpu.dma_semaphore, #tpu.memory_space<semaphore_mem>>
    %dma_wait3A_214 = tpu.memref_squeeze %dma_wait3A_213 : memref<1x!tpu.dma_semaphore, #tpu.memory_space<semaphore_mem>> -> memref<!tpu.dma_semaphore, #tpu.memory_space<semaphore_mem>>
    tpu.wait_indirect_dma semaphore(%dma_wait3A_214 : memref<!tpu.dma_semaphore, #tpu.memory_space<semaphore_mem>>) src(%dma_wait3A_206 : memref<128x128xf32, #tpu.memory_space<vmem>>) dst(%dma_wait3A_212 : memref<10240x128xf32, #tpu.memory_space<vmem_shared>>)
    %dma_wait3A_215 = arith.constant 0 : i32
    %dma_wait3A_216 = arith.constant 1 : i32
    %dma_wait3A_217 = arith.constant 0 : i32
    %dma_wait3A_218 = tpu.memref_slice %arg8[%dma_wait3A_215, %dma_wait3A_217] : memref<40x128xi32, #tpu.memory_space<vmem>> -> memref<1x128xi32, #tpu.memory_space<vmem>>
    %dma_wait3A_219 = tpu.memref_squeeze %dma_wait3A_218 : memref<1x128xi32, #tpu.memory_space<vmem>> -> memref<128xi32, #tpu.memory_space<vmem>>
    %dma_wait3A_220 = arith.constant 0 : i32
    %dma_wait3A_221 = tpu.memref_slice %arg12[%dma_wait3A_220] : memref<10240xf32, #tpu.memory_space<vmem_shared>> -> memref<10240xf32, #tpu.memory_space<vmem_shared>>
    %dma_wait3A_222 = tpu.memref_slice %arg15[%dma_wait3A_216] : memref<2x!tpu.dma_semaphore, #tpu.memory_space<semaphore_mem>> -> memref<1x!tpu.dma_semaphore, #tpu.memory_space<semaphore_mem>>
    %dma_wait3A_223 = tpu.memref_squeeze %dma_wait3A_222 : memref<1x!tpu.dma_semaphore, #tpu.memory_space<semaphore_mem>> -> memref<!tpu.dma_semaphore, #tpu.memory_space<semaphore_mem>>
    tpu.wait_indirect_dma semaphore(%dma_wait3A_223 : memref<!tpu.dma_semaphore, #tpu.memory_space<semaphore_mem>>) src(%arg10 : memref<128xf32, #tpu.memory_space<vmem>>) dst(%dma_wait3A_221 : memref<10240xf32, #tpu.memory_space<vmem_shared>>)
    %barrier3A_224 = arith.constant 0 : index
    tpu.barrier barrier_id(%barrier3A_224)
    %mul3A_225 = arith.constant 640 : i32
    %mul3A_226 = arith.muli %arg1, %mul3A_225 : i32
    %mul3A_227 = arith.constant 640 : i32
    %mul3A_228 = arith.muli %arg1, %mul3A_227 : i32
    "tpu.region"() ({
      %run_scoped3A = tpu.sem_alloc : memref<!tpu.dma_semaphore, #tpu.memory_space<semaphore_mem>>
      %dma_start3A_233 = arith.constant 0 : i32
      %dma_start3A_234 = tpu.memref_slice %arg6[%arg0, %mul3A_228, %dma_start3A_233] : memref<2x10240x128xf32, #tpu.memory_space<hbm>> -> memref<1x640x128xf32, #tpu.memory_space<hbm>>
      %dma_start3A_235 = tpu.memref_squeeze %dma_start3A_234 : memref<1x640x128xf32, #tpu.memory_space<hbm>> -> memref<640x128xf32, #tpu.memory_space<hbm>>
      %dma_start3A_236 = arith.constant 0 : i32
      %dma_start3A_237 = tpu.memref_slice %arg11[%mul3A_226, %dma_start3A_236] : memref<10240x128xf32, #tpu.memory_space<vmem_shared>> -> memref<640x128xf32, #tpu.memory_space<vmem_shared>>
      tpu.enqueue_dma source(%dma_start3A_237 : memref<640x128xf32, #tpu.memory_space<vmem_shared>>) target(%dma_start3A_235 : memref<640x128xf32, #tpu.memory_space<hbm>>) target_semaphore(%run_scoped3A : memref<!tpu.dma_semaphore, #tpu.memory_space<semaphore_mem>>)
      %dma_wait3A_238 = arith.constant 0 : i32
      %dma_wait3A_239 = tpu.memref_slice %arg6[%arg0, %mul3A_228, %dma_wait3A_238] : memref<2x10240x128xf32, #tpu.memory_space<hbm>> -> memref<1x640x128xf32, #tpu.memory_space<hbm>>
      %dma_wait3A_240 = tpu.memref_squeeze %dma_wait3A_239 : memref<1x640x128xf32, #tpu.memory_space<hbm>> -> memref<640x128xf32, #tpu.memory_space<hbm>>
      %dma_wait3A_241 = arith.constant 0 : i32
      %dma_wait3A_242 = tpu.memref_slice %arg11[%mul3A_226, %dma_wait3A_241] : memref<10240x128xf32, #tpu.memory_space<vmem_shared>> -> memref<640x128xf32, #tpu.memory_space<vmem_shared>>
      tpu.wait_dma2 semaphore(%run_scoped3A : memref<!tpu.dma_semaphore, #tpu.memory_space<semaphore_mem>>) src(%dma_wait3A_242 : memref<640x128xf32, #tpu.memory_space<vmem_shared>>) dst(%dma_wait3A_240 : memref<640x128xf32, #tpu.memory_space<hbm>>)
      tpu.yield
    }) : () -> ()
    %mul3A_229 = arith.constant 640 : i32
    %mul3A_230 = arith.muli %arg1, %mul3A_229 : i32
    %mul3A_231 = arith.constant 640 : i32
    %mul3A_232 = arith.muli %arg1, %mul3A_231 : i32
    "tpu.region"() ({
      %run_scoped3A = tpu.sem_alloc : memref<!tpu.dma_semaphore, #tpu.memory_space<semaphore_mem>>
      %dma_start3A_233 = tpu.memref_slice %arg7[%arg0, %mul3A_232] : memref<2x10240xf32, #tpu.memory_space<hbm>> -> memref<1x640xf32, #tpu.memory_space<hbm>>
      %dma_start3A_234 = tpu.memref_squeeze %dma_start3A_233 : memref<1x640xf32, #tpu.memory_space<hbm>> -> memref<640xf32, #tpu.memory_space<hbm>>
      %dma_start3A_235 = tpu.memref_slice %arg12[%mul3A_230] : memref<10240xf32, #tpu.memory_space<vmem_shared>> -> memref<640xf32, #tpu.memory_space<vmem_shared>>
      tpu.enqueue_dma source(%dma_start3A_235 : memref<640xf32, #tpu.memory_space<vmem_shared>>) target(%dma_start3A_234 : memref<640xf32, #tpu.memory_space<hbm>>) target_semaphore(%run_scoped3A : memref<!tpu.dma_semaphore, #tpu.memory_space<semaphore_mem>>)
      %dma_wait3A_236 = tpu.memref_slice %arg7[%arg0, %mul3A_232] : memref<2x10240xf32, #tpu.memory_space<hbm>> -> memref<1x640xf32, #tpu.memory_space<hbm>>
      %dma_wait3A_237 = tpu.memref_squeeze %dma_wait3A_236 : memref<1x640xf32, #tpu.memory_space<hbm>> -> memref<640xf32, #tpu.memory_space<hbm>>
      %dma_wait3A_238 = tpu.memref_slice %arg12[%mul3A_230] : memref<10240xf32, #tpu.memory_space<vmem_shared>> -> memref<640xf32, #tpu.memory_space<vmem_shared>>
      tpu.wait_dma2 semaphore(%run_scoped3A : memref<!tpu.dma_semaphore, #tpu.memory_space<semaphore_mem>>) src(%dma_wait3A_238 : memref<640xf32, #tpu.memory_space<vmem_shared>>) dst(%dma_wait3A_237 : memref<640xf32, #tpu.memory_space<hbm>>)
      tpu.yield
    }) : () -> ()
    return
  }
}

module attributes {stable_mosaic.version = 14 : i64} {
  func.func @_x1_body(%arg0: memref<10240x128xf32, #tpu.memory_space<vmem>>, %arg1: memref<128x128xf32, #tpu.memory_space<vmem>>, %arg2: memref<1x128xf32, #tpu.memory_space<vmem>>, %arg3: memref<10240x128xf32, #tpu.memory_space<vmem>>) attributes {dimension_semantics = [], scalar_prefetch = 0 : i64, scratch_operands = 0 : i64, tpu.core_type = #tpu.core_type<tc>} {
    %get3A = arith.constant 0 : index
    %get3A_0 = arith.constant 0 : index
    %get3A_1 = vector.load %arg0[%get3A, %get3A_0] : memref<10240x128xf32, #tpu.memory_space<vmem>>, vector<10240x128xf32>
    %get3A_2 = arith.constant 0 : index
    %get3A_3 = arith.constant 0 : index
    %get3A_4 = vector.load %arg1[%get3A_2, %get3A_3] : memref<128x128xf32, #tpu.memory_space<vmem>>, vector<128x128xf32>
    %dot_general3A = arith.constant dense<0.000000e+00> : vector<10240x128xf32>
    %dot_general3A_5 = tpu.matmul %get3A_1, %get3A_4, %dot_general3A {dimension_numbers = #tpu.dot_dimension_numbers<[1], [0], [0], [1], [0, 0, 1, 1], [], []>, transpose_lhs_hint = false} : vector<10240x128xf32>, vector<128x128xf32>, vector<10240x128xf32> -> vector<10240x128xf32>
    %get3A_6 = arith.constant 0 : index
    %get3A_7 = arith.constant 0 : index
    %get3A_8 = vector.load %arg2[%get3A_6, %get3A_7] : memref<1x128xf32, #tpu.memory_space<vmem>>, vector<1x128xf32>
    %add3A = vector.broadcast %get3A_8 : vector<1x128xf32> to vector<10240x128xf32>
    %add3A_9 = arith.addf %dot_general3A_5, %add3A : vector<10240x128xf32>
    %swap3A = arith.constant 0 : index
    %swap3A_10 = arith.constant 0 : index
    %swap3A_11 = vector.load %arg3[%swap3A, %swap3A_10] : memref<10240x128xf32, #tpu.memory_space<vmem>>, vector<10240x128xf32>
    tpu.vector_store %arg3[%swap3A, %swap3A_10], %add3A_9 {strides = array<i32>} : memref<10240x128xf32, #tpu.memory_space<vmem>>, vector<10240x128xf32>,
    return
  }
}

module attributes {stable_mosaic.version = 14 : i64} {
  func.func @_mlp_body(%arg0: i32, %arg1: memref<5120x128xf32, #tpu.memory_space<vmem>>, %arg2: memref<16x5120xf32, #tpu.memory_space<vmem>>, %arg3: memref<16x128xf32, #tpu.memory_space<vmem>>, %arg4: memref<128x128xf32, #tpu.memory_space<vmem>>, %arg5: memref<1x128xf32, #tpu.memory_space<vmem>>, %arg6: memref<5120x128xf32, #tpu.memory_space<vmem>>) attributes {dimension_semantics = [#tpu.dimension_semantics<arbitrary>], iteration_bounds = array<i64: 32>, scalar_prefetch = 0 : i64, scratch_operands = 0 : i64, tpu.core_type = #tpu.core_type<tc>, window_params = [{transform_indices = @transform_0, window_bounds = array<i64: 5120, 128>}, {transform_indices = @transform_1, window_bounds = array<i64: 16, 5120>}, {pipeline_mode = #tpu.pipeline_mode<synchronous>, transform_indices = @transform_2, window_bounds = array<i64: 16, 128>}, {pipeline_mode = #tpu.pipeline_mode<synchronous>, transform_indices = @transform_3, window_bounds = array<i64: 128, 128>}, {pipeline_mode = #tpu.pipeline_mode<synchronous>, transform_indices = @transform_4, window_bounds = array<i64: 1, 128>}, {transform_indices = @transform_5, window_bounds = array<i64: 5120, 128>}]} {
    %get3A = arith.constant 0 : index
    %get3A_0 = arith.constant 0 : index
    %get3A_1 = vector.load %arg2[%get3A, %get3A_0] : memref<16x5120xf32, #tpu.memory_space<vmem>>, vector<16x5120xf32>
    %get3A_2 = arith.constant 0 : index
    %get3A_3 = arith.constant 0 : index
    %get3A_4 = vector.load %arg3[%get3A_2, %get3A_3] : memref<16x128xf32, #tpu.memory_space<vmem>>, vector<16x128xf32>
    %dot_general3A = arith.constant dense<0.000000e+00> : vector<5120x128xf32>
    %dot_general3A_5 = tpu.matmul %get3A_1, %get3A_4, %dot_general3A {dimension_numbers = #tpu.dot_dimension_numbers<[0], [0], [1], [1], [0, 1, 1, 1], [], []>, transpose_lhs_hint = false} : vector<16x5120xf32>, vector<16x128xf32>, vector<5120x128xf32> -> vector<5120x128xf32>
    %get3A_6 = arith.constant 0 : index
    %get3A_7 = arith.constant 0 : index
    %get3A_8 = vector.load %arg1[%get3A_6, %get3A_7] : memref<5120x128xf32, #tpu.memory_space<vmem>>, vector<5120x128xf32>
    %add3A = arith.addf %get3A_8, %dot_general3A_5 : vector<5120x128xf32>
    %max3A = arith.constant 0.000000e+00 : f32
    %max3A_9 = vector.broadcast %max3A : f32 to vector<5120x128xf32>
    %max3A_10 = arith.maximumf %add3A, %max3A_9 : vector<5120x128xf32>
    %get3A_11 = arith.constant 0 : index
    %get3A_12 = arith.constant 0 : index
    %get3A_13 = vector.load %arg4[%get3A_11, %get3A_12] : memref<128x128xf32, #tpu.memory_space<vmem>>, vector<128x128xf32>
    %dot_general3A_14 = arith.constant dense<0.000000e+00> : vector<5120x128xf32>
    %dot_general3A_15 = tpu.matmul %max3A_10, %get3A_13, %dot_general3A_14 {dimension_numbers = #tpu.dot_dimension_numbers<[1], [0], [0], [1], [0, 0, 1, 1], [], []>, transpose_lhs_hint = false} : vector<5120x128xf32>, vector<128x128xf32>, vector<5120x128xf32> -> vector<5120x128xf32>
    %get3A_16 = arith.constant 0 : index
    %get3A_17 = arith.constant 0 : index
    %get3A_18 = vector.load %arg5[%get3A_16, %get3A_17] : memref<1x128xf32, #tpu.memory_space<vmem>>, vector<1x128xf32>
    %add3A_19 = vector.broadcast %get3A_18 : vector<1x128xf32> to vector<5120x128xf32>
    %add3A_20 = arith.addf %dot_general3A_15, %add3A_19 : vector<5120x128xf32>
    %max3A_21 = arith.constant 0.000000e+00 : f32
    %max3A_22 = vector.broadcast %max3A_21 : f32 to vector<5120x128xf32>
    %max3A_23 = arith.maximumf %add3A_20, %max3A_22 : vector<5120x128xf32>
    %swap3A = arith.constant 0 : index
    %swap3A_24 = arith.constant 0 : index
    %swap3A_25 = vector.load %arg6[%swap3A, %swap3A_24] : memref<5120x128xf32, #tpu.memory_space<vmem>>, vector<5120x128xf32>
    tpu.vector_store %arg6[%swap3A, %swap3A_24], %max3A_23 {strides = array<i32>} : memref<5120x128xf32, #tpu.memory_space<vmem>>, vector<5120x128xf32>,
    return
  }
  func.func @transform_0(%arg0: i32) -> (i32, i32) {
    %c0_i32 = arith.constant 0 : i32
    %c0_i32_0 = arith.constant 0 : i32
    return %arg0, %c0_i32 : i32, i32
  }
  func.func @transform_1(%arg0: i32) -> (i32, i32) {
    %add3A = arith.constant 0 : i32
    %add3A_0 = arith.addi %add3A, %arg0 : i32
    %min3A = arith.constant 62 : i32
    %min3A_1 = arith.minsi %add3A_0, %min3A : i32
    %c0_i32 = arith.constant 0 : i32
    %c0_i32_2 = arith.constant 0 : i32
    return %c0_i32, %min3A_1 : i32, i32
  }
  func.func @transform_2(%arg0: i32) -> (i32, i32) {
    %c0_i32 = arith.constant 0 : i32
    %c0_i32_0 = arith.constant 0 : i32
    %c0_i32_1 = arith.constant 0 : i32
    return %c0_i32, %c0_i32_0 : i32, i32
  }
  func.func @transform_3(%arg0: i32) -> (i32, i32) {
    %c0_i32 = arith.constant 0 : i32
    %c0_i32_0 = arith.constant 0 : i32
    %c0_i32_1 = arith.constant 0 : i32
    return %c0_i32, %c0_i32_0 : i32, i32
  }
  func.func @transform_4(%arg0: i32) -> (i32, i32) {
    %c0_i32 = arith.constant 0 : i32
    %c0_i32_0 = arith.constant 0 : i32
    %c0_i32_1 = arith.constant 0 : i32
    return %c0_i32, %c0_i32_0 : i32, i32
  }
  func.func @transform_5(%arg0: i32) -> (i32, i32) {
    %c0_i32 = arith.constant 0 : i32
    %c0_i32_0 = arith.constant 0 : i32
    return %arg0, %c0_i32 : i32, i32
  }
}

module attributes {stable_mosaic.version = 14 : i64} {
  func.func @_mlp_body(%arg0: i32, %arg1: memref<5120x128xf32, #tpu.memory_space<vmem>>, %arg2: memref<16x5120xf32, #tpu.memory_space<vmem>>, %arg3: memref<16x128xf32, #tpu.memory_space<vmem>>, %arg4: memref<128x128xf32, #tpu.memory_space<vmem>>, %arg5: memref<1x128xf32, #tpu.memory_space<vmem>>, %arg6: memref<5120x128xf32, #tpu.memory_space<vmem>>) attributes {dimension_semantics = [#tpu.dimension_semantics<arbitrary>], iteration_bounds = array<i64: 32>, scalar_prefetch = 0 : i64, scratch_operands = 0 : i64, tpu.core_type = #tpu.core_type<tc>, window_params = [{transform_indices = @transform_0, window_bounds = array<i64: 5120, 128>}, {transform_indices = @transform_1, window_bounds = array<i64: 16, 5120>}, {pipeline_mode = #tpu.pipeline_mode<synchronous>, transform_indices = @transform_2, window_bounds = array<i64: 16, 128>}, {pipeline_mode = #tpu.pipeline_mode<synchronous>, transform_indices = @transform_3, window_bounds = array<i64: 128, 128>}, {pipeline_mode = #tpu.pipeline_mode<synchronous>, transform_indices = @transform_4, window_bounds = array<i64: 1, 128>}, {transform_indices = @transform_5, window_bounds = array<i64: 5120, 128>}]} {
    %get3A = arith.constant 0 : index
    %get3A_0 = arith.constant 0 : index
    %get3A_1 = vector.load %arg2[%get3A, %get3A_0] : memref<16x5120xf32, #tpu.memory_space<vmem>>, vector<16x5120xf32>
    %get3A_2 = arith.constant 0 : index
    %get3A_3 = arith.constant 0 : index
    %get3A_4 = vector.load %arg3[%get3A_2, %get3A_3] : memref<16x128xf32, #tpu.memory_space<vmem>>, vector<16x128xf32>
    %dot_general3A = arith.constant dense<0.000000e+00> : vector<5120x128xf32>
    %dot_general3A_5 = tpu.matmul %get3A_1, %get3A_4, %dot_general3A {dimension_numbers = #tpu.dot_dimension_numbers<[0], [0], [1], [1], [0, 1, 1, 1], [], []>, transpose_lhs_hint = false} : vector<16x5120xf32>, vector<16x128xf32>, vector<5120x128xf32> -> vector<5120x128xf32>
    %get3A_6 = arith.constant 0 : index
    %get3A_7 = arith.constant 0 : index
    %get3A_8 = vector.load %arg1[%get3A_6, %get3A_7] : memref<5120x128xf32, #tpu.memory_space<vmem>>, vector<5120x128xf32>
    %add3A = arith.addf %get3A_8, %dot_general3A_5 : vector<5120x128xf32>
    %max3A = arith.constant 0.000000e+00 : f32
    %max3A_9 = vector.broadcast %max3A : f32 to vector<5120x128xf32>
    %max3A_10 = arith.maximumf %add3A, %max3A_9 : vector<5120x128xf32>
    %get3A_11 = arith.constant 0 : index
    %get3A_12 = arith.constant 0 : index
    %get3A_13 = vector.load %arg4[%get3A_11, %get3A_12] : memref<128x128xf32, #tpu.memory_space<vmem>>, vector<128x128xf32>
    %dot_general3A_14 = arith.constant dense<0.000000e+00> : vector<5120x128xf32>
    %dot_general3A_15 = tpu.matmul %max3A_10, %get3A_13, %dot_general3A_14 {dimension_numbers = #tpu.dot_dimension_numbers<[1], [0], [0], [1], [0, 0, 1, 1], [], []>, transpose_lhs_hint = false} : vector<5120x128xf32>, vector<128x128xf32>, vector<5120x128xf32> -> vector<5120x128xf32>
    %get3A_16 = arith.constant 0 : index
    %get3A_17 = arith.constant 0 : index
    %get3A_18 = vector.load %arg5[%get3A_16, %get3A_17] : memref<1x128xf32, #tpu.memory_space<vmem>>, vector<1x128xf32>
    %add3A_19 = vector.broadcast %get3A_18 : vector<1x128xf32> to vector<5120x128xf32>
    %add3A_20 = arith.addf %dot_general3A_15, %add3A_19 : vector<5120x128xf32>
    %max3A_21 = arith.constant 0.000000e+00 : f32
    %max3A_22 = vector.broadcast %max3A_21 : f32 to vector<5120x128xf32>
    %max3A_23 = arith.maximumf %add3A_20, %max3A_22 : vector<5120x128xf32>
    %swap3A = arith.constant 0 : index
    %swap3A_24 = arith.constant 0 : index
    %swap3A_25 = vector.load %arg6[%swap3A, %swap3A_24] : memref<5120x128xf32, #tpu.memory_space<vmem>>, vector<5120x128xf32>
    tpu.vector_store %arg6[%swap3A, %swap3A_24], %max3A_23 {strides = array<i32>} : memref<5120x128xf32, #tpu.memory_space<vmem>>, vector<5120x128xf32>,
    return
  }
  func.func @transform_0(%arg0: i32) -> (i32, i32) {
    %c0_i32 = arith.constant 0 : i32
    %c0_i32_0 = arith.constant 0 : i32
    return %arg0, %c0_i32 : i32, i32
  }
  func.func @transform_1(%arg0: i32) -> (i32, i32) {
    %add3A = arith.constant 32 : i32
    %add3A_0 = arith.addi %add3A, %arg0 : i32
    %min3A = arith.constant 62 : i32
    %min3A_1 = arith.minsi %add3A_0, %min3A : i32
    %c0_i32 = arith.constant 0 : i32
    %c0_i32_2 = arith.constant 0 : i32
    return %c0_i32, %min3A_1 : i32, i32
  }
  func.func @transform_2(%arg0: i32) -> (i32, i32) {
    %c0_i32 = arith.constant 0 : i32
    %c0_i32_0 = arith.constant 0 : i32
    %c0_i32_1 = arith.constant 0 : i32
    return %c0_i32, %c0_i32_0 : i32, i32
  }
  func.func @transform_3(%arg0: i32) -> (i32, i32) {
    %c0_i32 = arith.constant 0 : i32
    %c0_i32_0 = arith.constant 0 : i32
    %c0_i32_1 = arith.constant 0 : i32
    return %c0_i32, %c0_i32_0 : i32, i32
  }
  func.func @transform_4(%arg0: i32) -> (i32, i32) {
    %c0_i32 = arith.constant 0 : i32
    %c0_i32_0 = arith.constant 0 : i32
    %c0_i32_1 = arith.constant 0 : i32
    return %c0_i32, %c0_i32_0 : i32, i32
  }
  func.func @transform_5(%arg0: i32) -> (i32, i32) {
    %c0_i32 = arith.constant 0 : i32
    %c0_i32_0 = arith.constant 0 : i32
    return %arg0, %c0_i32 : i32, i32
  }
}

module attributes {stable_mosaic.version = 14 : i64} {
  func.func @_apply_body(%arg0: i32, %arg1: memref<1024x128xf32, #tpu.memory_space<vmem>>, %arg2: memref<2x1024x128xf32, #tpu.memory_space<vmem>>, %arg3: memref<2x1024xf32, #tpu.memory_space<vmem>>, %arg4: memref<128x128xf32, #tpu.memory_space<vmem>>, %arg5: memref<128x128xf32, #tpu.memory_space<vmem>>, %arg6: memref<1x128xf32, #tpu.memory_space<vmem>>, %arg7: memref<1024x128xf32, #tpu.memory_space<vmem>>) attributes {dimension_semantics = [#tpu.dimension_semantics<arbitrary>], iteration_bounds = array<i64: 10>, scalar_prefetch = 0 : i64, scratch_operands = 0 : i64, tpu.core_type = #tpu.core_type<tc>, window_params = [{transform_indices = @transform_0, window_bounds = array<i64: 1024, 128>}, {transform_indices = @transform_1, window_bounds = array<i64: 2, 1024, 128>}, {transform_indices = @transform_2, window_bounds = array<i64: 2, 1024>}, {pipeline_mode = #tpu.pipeline_mode<synchronous>, transform_indices = @transform_3, window_bounds = array<i64: 128, 128>}, {pipeline_mode = #tpu.pipeline_mode<synchronous>, transform_indices = @transform_4, window_bounds = array<i64: 128, 128>}, {pipeline_mode = #tpu.pipeline_mode<synchronous>, transform_indices = @transform_5, window_bounds = array<i64: 1, 128>}, {transform_indices = @transform_6, window_bounds = array<i64: 1024, 128>}]} {
    %get3A = arith.constant 0 : index
    %get3A_0 = arith.constant 0 : index
    %get3A_1 = arith.constant 0 : index
    %get3A_2 = vector.load %arg2[%get3A, %get3A_0, %get3A_1] : memref<2x1024x128xf32, #tpu.memory_space<vmem>>, vector<1x1024x128xf32>
    %get3A_3 = vector.shape_cast %get3A_2 : vector<1x1024x128xf32> to vector<1024x128xf32>
    %get3A_4 = arith.constant 1 : index
    %get3A_5 = arith.constant 0 : index
    %get3A_6 = arith.constant 0 : index
    %get3A_7 = vector.load %arg2[%get3A_4, %get3A_5, %get3A_6] : memref<2x1024x128xf32, #tpu.memory_space<vmem>>, vector<1x1024x128xf32>
    %get3A_8 = vector.shape_cast %get3A_7 : vector<1x1024x128xf32> to vector<1024x128xf32>
    %add3A = arith.addf %get3A_3, %get3A_8 : vector<1024x128xf32>
    %get3A_9 = arith.constant 0 : index
    %get3A_10 = arith.constant 0 : index
    %get3A_11 = vector.load %arg3[%get3A_9, %get3A_10] : memref<2x1024xf32, #tpu.memory_space<vmem>>, vector<1x1024xf32>
    %get3A_12 = vector.shape_cast %get3A_11 : vector<1x1024xf32> to vector<1024xf32>
    %get3A_13 = arith.constant 1 : index
    %get3A_14 = arith.constant 0 : index
    %get3A_15 = vector.load %arg3[%get3A_13, %get3A_14] : memref<2x1024xf32, #tpu.memory_space<vmem>>, vector<1x1024xf32>
    %get3A_16 = vector.shape_cast %get3A_15 : vector<1x1024xf32> to vector<1024xf32>
    %add3A_17 = arith.addf %get3A_12, %get3A_16 : vector<1024xf32>
    %max3A = arith.constant 1.000000e+00 : f32
    %max3A_18 = vector.broadcast %max3A : f32 to vector<1024xf32>
    %max3A_19 = arith.maximumf %add3A_17, %max3A_18 : vector<1024xf32>
    %div3A = arith.constant 1.000000e+00 : f32
    %div3A_20 = vector.broadcast %div3A : f32 to vector<1024xf32>
    %div3A_21 = arith.divf %div3A_20, %max3A_19 : vector<1024xf32>
    %broadcast_in_dim3A = vector.shape_cast %div3A_21 : vector<1024xf32> to vector<1024x1xf32>
    %mul3A = vector.broadcast %broadcast_in_dim3A : vector<1024x1xf32> to vector<1024x128xf32>
    %mul3A_22 = arith.mulf %add3A, %mul3A : vector<1024x128xf32>
    %get3A_23 = arith.constant 0 : index
    %get3A_24 = arith.constant 0 : index
    %get3A_25 = vector.load %arg1[%get3A_23, %get3A_24] : memref<1024x128xf32, #tpu.memory_space<vmem>>, vector<1024x128xf32>
    %get3A_26 = arith.constant 0 : index
    %get3A_27 = arith.constant 0 : index
    %get3A_28 = vector.load %arg4[%get3A_26, %get3A_27] : memref<128x128xf32, #tpu.memory_space<vmem>>, vector<128x128xf32>
    %dot_general3A = arith.constant dense<0.000000e+00> : vector<1024x128xf32>
    %dot_general3A_29 = tpu.matmul %get3A_25, %get3A_28, %dot_general3A {dimension_numbers = #tpu.dot_dimension_numbers<[1], [0], [0], [1], [0, 0, 1, 1], [], []>, transpose_lhs_hint = false} : vector<1024x128xf32>, vector<128x128xf32>, vector<1024x128xf32> -> vector<1024x128xf32>
    %get3A_30 = arith.constant 0 : index
    %get3A_31 = arith.constant 0 : index
    %get3A_32 = vector.load %arg5[%get3A_30, %get3A_31] : memref<128x128xf32, #tpu.memory_space<vmem>>, vector<128x128xf32>
    %dot_general3A_33 = arith.constant dense<0.000000e+00> : vector<1024x128xf32>
    %dot_general3A_34 = tpu.matmul %mul3A_22, %get3A_32, %dot_general3A_33 {dimension_numbers = #tpu.dot_dimension_numbers<[1], [0], [0], [1], [0, 0, 1, 1], [], []>, transpose_lhs_hint = false} : vector<1024x128xf32>, vector<128x128xf32>, vector<1024x128xf32> -> vector<1024x128xf32>
    %add3A_35 = arith.addf %dot_general3A_29, %dot_general3A_34 : vector<1024x128xf32>
    %get3A_36 = arith.constant 0 : index
    %get3A_37 = arith.constant 0 : index
    %get3A_38 = vector.load %arg6[%get3A_36, %get3A_37] : memref<1x128xf32, #tpu.memory_space<vmem>>, vector<1x128xf32>
    %add3A_39 = vector.broadcast %get3A_38 : vector<1x128xf32> to vector<1024x128xf32>
    %add3A_40 = arith.addf %add3A_35, %add3A_39 : vector<1024x128xf32>
    %swap3A = arith.constant 0 : index
    %swap3A_41 = arith.constant 0 : index
    %swap3A_42 = vector.load %arg7[%swap3A, %swap3A_41] : memref<1024x128xf32, #tpu.memory_space<vmem>>, vector<1024x128xf32>
    tpu.vector_store %arg7[%swap3A, %swap3A_41], %add3A_40 {strides = array<i32>} : memref<1024x128xf32, #tpu.memory_space<vmem>>, vector<1024x128xf32>,
    return
  }
  func.func @transform_0(%arg0: i32) -> (i32, i32) {
    %c0_i32 = arith.constant 0 : i32
    %c0_i32_0 = arith.constant 0 : i32
    return %arg0, %c0_i32 : i32, i32
  }
  func.func @transform_1(%arg0: i32) -> (i32, i32, i32) {
    %c0_i32 = arith.constant 0 : i32
    %c0_i32_0 = arith.constant 0 : i32
    %c0_i32_1 = arith.constant 0 : i32
    return %c0_i32, %arg0, %c0_i32_0 : i32, i32, i32
  }
  func.func @transform_2(%arg0: i32) -> (i32, i32) {
    %c0_i32 = arith.constant 0 : i32
    %c0_i32_0 = arith.constant 0 : i32
    return %c0_i32, %arg0 : i32, i32
  }
  func.func @transform_3(%arg0: i32) -> (i32, i32) {
    %c0_i32 = arith.constant 0 : i32
    %c0_i32_0 = arith.constant 0 : i32
    %c0_i32_1 = arith.constant 0 : i32
    return %c0_i32, %c0_i32_0 : i32, i32
  }
  func.func @transform_4(%arg0: i32) -> (i32, i32) {
    %c0_i32 = arith.constant 0 : i32
    %c0_i32_0 = arith.constant 0 : i32
    %c0_i32_1 = arith.constant 0 : i32
    return %c0_i32, %c0_i32_0 : i32, i32
  }
  func.func @transform_5(%arg0: i32) -> (i32, i32) {
    %c0_i32 = arith.constant 0 : i32
    %c0_i32_0 = arith.constant 0 : i32
    %c0_i32_1 = arith.constant 0 : i32
    return %c0_i32, %c0_i32_0 : i32, i32
  }
  func.func @transform_6(%arg0: i32) -> (i32, i32) {
    %c0_i32 = arith.constant 0 : i32
    %c0_i32_0 = arith.constant 0 : i32
    return %arg0, %c0_i32 : i32, i32
  }
}

</mosaic_0001>

<sc_bundles>
// kernel: kernel.10.cloned.1.call-start
scs
__scs_entry_jumppad:
0x0: {  	(pc) =	sbr.rel $0x88, $3  }
0x1: {  	(tag) =	ssettag $0x0;
	lr =	simm.s32 $0x1  }
0x2: {  	[smem:$0x3F98] =	sst lr;
	_ =	strace $0xD0000000  }
0x3: {  	_ = 	snop  }
0x4: {  	_ = 	snop  }
0x5: {  	_ = 	snop  }
0x6: {  	_ = 	snop  }
0x7: {  	_ = 	snop  }
__scs_overlays_trampoline_lowered:
0x8: {  	[smem:$0x3FA7] =	sst s0  }
0x9: {  	[smem:$0x3FA8] =	sst s1  }
0xa: {  	[smem:$0x3FA9] =	sst s2  }
0xb: {  	[smem:$0x3FAA] =	sst s3  }
0xc: {  	[smem:$0x3FAB] =	sst s4  }
0xd: {  	[smem:$0x3FAC] =	sst s5  }
0xe: {  	[smem:$0x3FAD] =	sst s6  }
0xf: {  	[smem:$0x3FAE] =	sst s7  }
0x10: {  	[smem:$0x3FAF] =	sst s8  }
0x11: {  	[smem:$0x3FB0] =	sst s9;
	s0 =	simm.s32 @!p0 $0x0  }
0x12: {  	s1 =	sld [smem:$0x3F96];
	s0 =	simm.s32 @p0 $0x1  }
0x13: {  	[smem:$0x3FB1] =	sst s0;
	s0 =	simm.s32 @!p1 $0x0  }
0x14: {  	s2 =	sld [smem:$0x3F95];
	s0 =	simm.s32 @p1 $0x1  }
0x15: {  	[smem:$0x3FB2] =	sst s0;
	s0 =	simm.s32 @!p2 $0x0  }
0x16: {  	s3 =	sld [smem:$0x3FDB];
	s0 =	simm.s32 @p2 $0x1  }
0x17: {  	s4 =	simm.s32 $0x1BF5;
	[smem:$0x3FB4] =	sst s0  }
0x18: {  	s0 =	sld [smem:$0x3F97];
	_ =	swait.ge [sflag:s4], $0x0  }
0x19: {  	s7 =	sld [smem:$0x3F98]  }
0x1a: {  	s8 =	sadd.s32 $0xFFFFE003, lr  }
0x1b: {  	s9 =	sadd.s32 $0xFFFFFEF7, lr;
	s5 =	simm.s32 $0xFFFFFFFF;
	p2 =	slt.u32 s8, $0xFFFFF086  }
0x1c: {  	p1 =	slt.u32 s9, $0xF7A;
	s5 =	simm.s32 @!p2 $0x0  }
0x1d: {  	s5 =	simm.s32 @p1 $0x1;
	p0 =	seq.s32 s7, s2  }
0x1e: {  	s7 =	smul.u32 @!p0 $0xF7A, s2;
	p2 =	seq.s32 @!p0 s5, $0x0  }
0x1f: {  	s9 =	smul.u32 $0xF7A, s1;
	s8 =	simm.s32 @!p0 $0x1BF5;
	p2 =	por !p2, p0  }
0x20: {  	[sflag:s8] =	ssyncset.s32 @!p0 $0xFFFFF086;
	s6 =	sadd.s32 @!p0 s3, s7;
	s7 =	simm.s32 @!p0 $0x108  }
0x21: {  	s3 =	sadd.s32 s3, s9;
	s6 =	sadd.s32 @!p0 $0x88, s6;
	s7 =	simm.s32 @p2 $0x1082  }
0x22: {  	[simem:s7], [sflag:s8] =	dma.local @!p0 [hbm:s6], $0xF7A  }
0x23: {  	s9 =	sor.u32 $0xD0000000, s2;
	s6 =	simm.s32 $0x108;
	_ =	swait.ge @!p0 [sflag:s8], $0x0  }
0x24: {  	s3 =	sadd.s32 $0x88, s3;
	s6 =	simm.s32 @!p1 $0x1082;
	[sflag:s4] =	ssyncset.s32 $0xFFFFF086  }
0x25: {  	[simem:s6], [sflag:s4] =	dma.local [hbm:s3], $0xF7A  }
0x26: {  	[smem:$0x3F98] =	sst s1;
	(tag) =	ssettag s2;
	_ =	strace s9  }
0x27: {  	s1 =	sld [smem:$0x3FA8]  }
0x28: {  	s2 =	sld [smem:$0x3FA9]  }
0x29: {  	s4 =	sld [smem:$0x3FAB]  }
0x2a: {  	p0 =	seq.s32 s5, $0x0;
	s5 =	sld [smem:$0x3FAC]  }
0x2b: {  	s6 =	sld [smem:$0x3FAD]  }
0x2c: {  	s7 =	sld [smem:$0x3FAE]  }
0x2d: {  	s3 =	simm.s32 $0x108;
	s8 =	sld [smem:$0x3FAF]  }
0x2e: {  	s3 =	simm.s32 @!p0 $0x1082;
	s9 =	sld [smem:$0x3FB0]  }
0x2f: {  	lr =	sadd.s32 s0, s3;
	s0 =	sld [smem:$0x3FA7]  }
0x30: {  	s3 =	sld [smem:$0x3FAA]  }
0x31: {  	[smem:$0x3FB3] =	sst s10  }
0x32: {  	s10 =	sld [smem:$0x3FB1];
	_ =	sdelay $0x3  }
0x33: {  	p0 =	seq.s32 s10, $0x1;
	s10 =	sld [smem:$0x3FB3];
	_ =	sdelay $0x3  }
0x34: {  	[smem:$0x3FB3] =	sst s10  }
0x35: {  	s10 =	sld [smem:$0x3FB2];
	_ =	sdelay $0x3  }
0x36: {  	p1 =	seq.s32 s10, $0x1;
	s10 =	sld [smem:$0x3FB3];
	_ =	sdelay $0x3  }
0x37: {  	[smem:$0x3FB3] =	sst s10  }
0x38: {  	s10 =	sld [smem:$0x3FB4]  }
0x39: {  	_ = 	snop;
	(pc) =	sbr.ind lr, $3  }
0x3a: {  	_ = 	snop  }
0x3b: {  	_ = 	snop  }
0x3c: {  	p2 =	seq.s32 s10, $0x1;
	s10 =	sld [smem:$0x3FB3]  }
0x3d: {  	_ =	shalt  }
0x3e: {  	_ =	shalt  }
0x3f: {  	_ =	shalt  }
0x40: {  	_ =	shalt  }
0x41: {  	_ =	shalt  }
0x42: {  	_ =	shalt  }
0x43: {  	_ =	shalt  }
0x44: {  	_ =	shalt  }
0x45: {  	_ =	shalt  }
0x46: {  	_ =	shalt  }
0x47: {  	_ =	shalt  }
0x48: {  	_ =	shalt  }
0x49: {  	_ =	shalt  }
0x4a: {  	_ =	shalt  }
0x4b: {  	_ =	shalt  }
0x4c: {  	_ =	shalt  }
0x4d: {  	_ =	shalt  }
0x4e: {  	_ =	shalt  }
0x4f: {  	_ =	shalt  }
0x50: {  	_ =	shalt  }
0x51: {  	_ =	shalt  }
0x52: {  	_ =	shalt  }
0x53: {  	_ =	shalt  }
0x54: {  	_ =	shalt  }
0x55: {  	_ =	shalt  }
0x56: {  	_ =	shalt  }
0x57: {  	_ =	shalt  }
0x58: {  	_ =	shalt  }
0x59: {  	_ =	shalt  }
0x5a: {  	_ =	shalt  }
0x5b: {  	_ =	shalt  }
0x5c: {  	_ =	shalt  }
0x5d: {  	_ =	shalt  }
0x5e: {  	_ =	shalt  }
0x5f: {  	_ =	shalt  }
0x60: {  	_ =	shalt  }
0x61: {  	_ =	shalt  }
0x62: {  	_ =	shalt  }
0x63: {  	_ =	shalt  }
0x64: {  	_ =	shalt  }
0x65: {  	_ =	shalt  }
0x66: {  	_ =	shalt  }
0x67: {  	_ =	shalt  }
0x68: {  	_ =	shalt  }
0x69: {  	_ =	shalt  }
0x6a: {  	_ =	shalt  }
0x6b: {  	_ =	shalt  }
0x6c: {  	_ =	shalt  }
0x6d: {  	_ =	shalt  }
0x6e: {  	_ =	shalt  }
0x6f: {  	_ =	shalt  }
0x70: {  	_ =	shalt  }
0x71: {  	_ =	shalt  }
0x72: {  	_ =	shalt  }
0x73: {  	_ =	shalt  }
0x74: {  	_ =	shalt  }
0x75: {  	_ =	shalt  }
0x76: {  	_ =	shalt  }
0x77: {  	_ =	shalt  }
0x78: {  	_ =	shalt  }
0x79: {  	_ =	shalt  }
0x7a: {  	_ =	shalt  }
0x7b: {  	_ =	shalt  }
0x7c: {  	_ =	shalt  }
0x7d: {  	_ =	shalt  }
0x7e: {  	_ =	shalt  }
0x7f: {  	_ =	shalt  }
0x80: {  	_ =	shalt  }
0x81: {  	_ =	shalt  }
0x82: {  	_ =	shalt  }
0x83: {  	_ =	shalt  }
0x84: {  	_ =	shalt  }
0x85: {  	_ =	shalt  }
0x86: {  	_ =	shalt  }
0x87: {  	_ =	shalt  }
.Lfunc_end0:
.L_simem_size_0:
called_computation_lowered:
.L_overlay_start_0:
0x88: {  	s2 =	sld [smem:$0x3FD9]  }
0x89: {  	s3 =	sld [smem:$0x3FFE];
	_ =	sdelay $0x1  }
0x8a: {  	s1 =	srdreg.scid  }
0x8b: {  	s0 =	sand.u32 $0x1, s1  }
0x8c: {  	s16 =	sshll.u32 s0, $0xA;
	s2 =	sadd.s32 s3, s2  }
0x8d: {  	s2 =	sadd.s32 s2, s16  }
0x8e: {  	[smem:$0x3FBF] =	sst s2  }
0x8f: {  	_ = 	snop  }
0x90: {  	(tm) =	ssettm $0x1  }
0x91: {  	s17 =	sld [smem:$0x3FFB];
	_ =	sdelay $0x3  }
0x92: {  	_ =	strace s17  }
0x93: {  	s2 =	sld [smem:$0x3FFC];
	_ =	sdelay $0x3  }
0x94: {  	_ =	strace s2  }
0x95: {  	s2 =	sld [smem:$0x3FFD];
	_ =	sdelay $0x3  }
0x96: {  	_ =	strace s2  }
0x97: {  	_ =	strace $0x8FFFFFFF  }
0x98: {  	s18 =	sld [smem:$0x3FDB];
	_ =	sdelay $0x1  }
0x99: {  	s19 =	simm.s32 $_scs_section_size  }
0x9a: {  	s4 =	simm.s32 $_size__tile_overlayer_lowered;
	s5 =	simm.s32 $_tile_overlayer_lowered  }
0x9b: {  	s22 =	simm.s32 $0x1BFF;
	s21 =	sshll.u32 s5, $0x1;
	s2 =	sadd.s32 s19, s18  }
0x9c: {  	s6 =	simm.s32 $0x0;
	s20 =	sshll.u32 s4, $0x1;
	s4 =	sadd.s32 s21, s2  }
0x9d: {  	[timem:s6], [sflag:s22] =	dma.local [hbm:s4], s20  }
0x9e: {  	_ =	swait.ge [sflag:s22], s20  }
0x9f: {  	s3 =	ssub.s32 $0x0, s20;
	[sflag:s22] =	ssyncset.done $0x0  }
0xa0: {  	[sflag:s22] =	ssyncadd.s32 s3;
	_ =	sdelay $0x1  }
0xa1: {  	s23 =	simm.s32 $0x1B8B  }
0xa2: {  	_ =	swait.ge [sflag:s23], $0x1  }
0xa3: {  	[sflag:s23] =	ssyncset.done $0x0  }
0xa4: {  	s25 =	simm.s32 $0x1B8E;
	s24 =	sld [smem:$0x3FFE];
	[sflag:s23] =	ssyncadd.s32 $0xFFFFFFFF  }
0xa5: {  	s26 =	simm.s32 $execute0_lowered;
	[smem:$0x3FD2] =	sst s25  }
0xa6: {  	s4 =	sshll.u32 s26, $0x1;
	_ =	strace $0x80000046;
	[dreg:$0x1] =	wrdreg $0xFFFFFFFF  }
0xa7: {  	s28 =	simm.s32 $_size_execute0_lowered;
	s2 =	sadd.s32 s2, s4;
	[dreg:$0x0] =	wrdreg $0x0  }
0xa8: {  	s4 =	sshll.u32 s28, $0x1;
	[dreg:$0x2] =	wrdreg s2  }
0xa9: {  	[dreg:$0x3] =	wrdreg s4  }
0xaa: {  	[dreg:$0x4] =	wrdreg $0xC0  }
0xab: {  	_ =	task [dreg:s6], $0x5FFFF  }
0xac: {  	[dreg:$0x1] =	wrdreg $0xFFFFFFFF  }
0xad: {  	[dreg:$0x0] =	wrdreg $0x60  }
0xae: {  	[dreg:$0x2] =	wrdreg s24  }
0xaf: {  	[dreg:$0x3] =	wrdreg $0x94000  }
0xb0: {  	[dreg:$0x4] =	wrdreg $0xA  }
0xb1: {  	_ =	task.clear_ibuf [dreg:s6], $0x5FFFF;
	_ =	strace $0x90000046  }
0xb2: {  	s29 =	simm.s32 $0xA;
	_ =	strace $0x80000048  }
0xb3: {  	_ =	swait.ge [sflag:s29], $0x1  }
0xb4: {  	[sflag:s29] =	ssyncadd.s32 $0xFFFFFFFF  }
0xb5: {  	_ =	strace $0x90000048  }
0xb6: {  	_ =	sfence  }
0xb7: {  	s30 =	sld [smem:$0x0];
	_ =	sdelay $0x2  }
0xb8: {  	s31 =	sshll.u32 s1, $0xD;
	s1 =	sshrl.u32 s1, $0x2  }
0xb9: {  	s3 =	sand.u32 $0x4000, s31;
	s1 =	sadd.s32 s1, s30  }
0xba: {  	s0 =	sor.u32 s3, s0;
	s1 =	sshll.u32 s1, $0x11  }
0xbb: {  	s0 =	sor.u32 s1, s0  }
0xbc: {  	s0 =	sadd.s32 $0x8F2B, s0  }
0xbd: {  	[sflag:s0] =	ssyncadd.remote.s32 $0x1  }
0xbe: {  	_ =	sfence.sel $0xFFFF  }
0xbf: {  	[dreg:$0x0] =	wrdreg $0xFFFFFFFF;
	(pc) =	sbr.abs _section_cstart, $3  }
0xc0: {  	[dreg:$0x1] =	wrdreg $0xFFFFFFFF  }
0xc1: {  	_ =	task.clear_ibuf [dreg:s6], $0x2FFFF;
	_ =	strace $0x9FFFFFFF  }
0xc2: {  	(tm) =	ssettm $0x7FFFFFFF  }
0xc3: {  	_ =	shalt  }
tec
execute0_lowered:
.L_overlay_start_1:
0x0: {  	(tag) =	ssettag $0x1  }
0x1: {  	s4 =	rddreg [dreg:$0x0]  }
0x2: {  	s1 =	rddreg [dreg:$0x1]  }
0x3: {  	s2 =	srdreg.scid;
	s0 =	rddreg [dreg:$0x2]  }
0x4: {  	s3 =	simm.s32 $0x0;
	s5 =	sand.u32 $0x1, s2;
	s2 =	stileid.u32  }
0x5: {  	s17 =	simm.s32 $0x1;
	s18 =	simm.s32 $0x2;
	s7 =	smul.u32 $0x2800, s2  }
0x6: {  	s19 =	simm.s32 $0x3;
	s20 =	simm.s32 $0x4;
	s10 =	smul.u32 $0x50000, s2  }
0x7: {  	s21 =	simm.s32 $0x0;
	[smem:$0x7FF] =	sst s3;
	s30 =	smul.u32 $0x140000, s5  }
0x8: {  	s11 =	sadd.s32 $0x5E600, s4;
	s6 =	sshll.u32 s5, $0x4;
	s13 =	smul.u32 $0xA00000, s5  }
0x9: {  	_ =	strace $0x80000047;
	s9 =	ssub.s32 $0x2, s5;
	s15 =	smul.u32 $0xA0000, s2  }
0xa: {  	s31 =	sshll.u32 s2, $0x6;
	s16 =	smul.u32 $0x14000, s2;
	s6 =	sor.u32 s2, s6  }
0xb: {  	s28 =	sshrl.u32 s9, $0x1;
	s5 =	sor.u32 $0x1C05, s31;
	s8 =	smul.u32 $0x280, s6  }
0xc: {  	s7 =	sadd.s32 s7, s4;
	s9 =	ssub.s32 s9, s28;
	s29 =	sshrl.u32 s10, $0x2  }
0xd: {  	s6 =	smul.u32 $0xA0000, s6;
	s10 =	sadd.s32 s30, s11;
	s13 =	sadd.s32 s15, s13  }
0xe: {  	s15 =	simm.s32 $0x1400;
	s12 =	sadd.s32 s29, s1;
	s9 =	smax.u32 s9, $0x1  }
0xf: {  	s10 =	sadd.s32 s16, s10;
	s13 =	sshrl.u32 s13, $0x3;
	s16 =	simm.s32 $0x5400  }
0x10: {  	s8 =	sadd.s32 s8, s4;
	s4 =	sadd.s32 $0x36600, s7;
	s6 =	sshrl.u32 s6, $0x3  }
0x11: {  	s10 =	sadd.s32 $0x800, s10;
	s12 =	sshrl.u32 s12, $0x3;
	s14 =	sadd.s32 s11, s6  }
0x12: {  	s6 =	sadd.s32 $0x4600, s8;
	s11 =	sadd.s32 s13, s11;
	s13 =	simm.s32 $0x5  }
0x13: {  	s7 =	sadd.s32 $0x13000, s14;
	s8 =	sadd.s32 $0x13800, s14;
	s14 =	simm.s32 $0x80  }
.LBB2_1:
0x14: {  	[spmem:s12], [sflag:s5] =	dma.local [hbm:s4], $0x2800  }
0x15: {  	_ =	swait.ge [sflag:s13], $0x2800  }
0x16: {  	[sflag:s13] =	ssyncset.done $0x0  }
0x17: {  	[sflag:s13] =	ssyncadd.s32 $0xFFFFD800  }
0x18: {  	[tilespmem:s3], [sflag:$0x5] =	stream.linear.gather [hbm4b:s6+s3], $0x1400, $0x38;
	[tilespmem:$0x1D400] =	vst v63  }
0x19: {  	_ =	swait.ge [sflag:s13], $0x1400  }
0x1a: {  	[sflag:s13] =	ssyncset.done $0x0  }
0x1b: {  	[sflag:s13] =	ssyncadd.s32 $0xFFFFEC00  }
0x1c: {  	[bflag:$0x0] =	sbarrier.arrive $0xFFFF  }
0x1d: {  	[tilespmem:s15], [sflag:$0x1] =	stream.indirect.gather [spmem:s1], $0x80, s3, s14, $0xb8;
	[tilespmem:$0x1D400] =	vst v63  }
0x1e: {  	_ = 	snop  }
0x1f: {  	[tilespmem:s16], [sflag:$0x2] =	stream.indirect.gather [spmem:s1], $0x80, s14, s14, $0xb8;
	[tilespmem:$0x1D400] =	vst v63  }
0x20: {  	_ =	swait.ge [sflag:s17], $0x4000  }
0x21: {  	[sflag:s17] =	ssyncset.done $0x0  }
0x22: {  	s22 =	sadd.s32 $0x0, s11;
	[sflag:s17] =	ssyncadd.s32 $0xFFFFC000  }
0x23: {  	[hbm4b:s22+s3] =	stream.linear.scatter [tilespmem:s15], [sflag:$0x3], $0x4000, $0x38;
	[tilespmem:$0x1D400] =	vst v63  }
0x24: {  	_ =	swait.ge [sflag:s18], $0x4000  }
0x25: {  	[sflag:s18] =	ssyncset.done $0x0  }
0x26: {  	s30 =	sadd.s32 $0x0, s10;
	[sflag:s18] =	ssyncadd.s32 $0xFFFFC000  }
0x27: {  	[hbm4b:s30+s3] =	stream.linear.scatter [tilespmem:s16], [sflag:$0x4], $0x4000, $0x38;
	[tilespmem:$0x1D400] =	vst v63  }
0x28: {  	_ =	swait.ge [sflag:s19], $0x4000  }
0x29: {  	[sflag:s19] =	ssyncset.done $0x0  }
0x2a: {  	s31 =	simm.s32 $0x100;
	[sflag:s19] =	ssyncadd.s32 $0xFFFFC000  }
0x2b: {  	[tilespmem:s15], [sflag:$0x1] =	stream.indirect.gather [spmem:s1], $0x80, s31, s14, $0xb8;
	[tilespmem:$0x1D400] =	vst v63  }
0x2c: {  	_ =	swait.ge [sflag:s20], $0x4000  }
0x2d: {  	s23 =	simm.s32 $0x1000;
	[sflag:s20] =	ssyncset.done $0x0  }
0x2e: {  	s24 =	simm.s32 $0x280;
	s22 =	simm.s32 $0x180;
	[sflag:s20] =	ssyncadd.s32 $0xFFFFC000  }
.LBB2_2:
0x2f: {  	[tilespmem:s16], [sflag:$0x2] =	stream.indirect.gather [spmem:s1], $0x80, s22, s14, $0xb8;
	[tilespmem:$0x1D400] =	vst v63  }
0x30: {  	s25 =	smov.u32 s23;
	s22 =	smov.u32 s24  }
0x31: {  	p0 =	sne.s32 s23, $0x12000;
	s23 =	sadd.s32 $0x1000, s23;
	_ =	swait.ge [sflag:s17], $0x4000  }
0x32: {  	[sflag:s17] =	ssyncset.done $0x0  }
0x33: {  	s26 =	sadd.s32 s25, s11;
	[sflag:s17] =	ssyncadd.s32 $0xFFFFC000  }
0x34: {  	[hbm4b:s26+s3] =	stream.linear.scatter [tilespmem:s15], [sflag:$0x3], $0x4000, $0x38;
	[tilespmem:$0x1D400] =	vst v63  }
0x35: {  	_ =	swait.ge [sflag:s18], $0x4000  }
0x36: {  	[sflag:s18] =	ssyncset.done $0x0  }
0x37: {  	s25 =	sadd.s32 s25, s10;
	[sflag:s18] =	ssyncadd.s32 $0xFFFFC000  }
0x38: {  	[hbm4b:s25+s3] =	stream.linear.scatter [tilespmem:s16], [sflag:$0x4], $0x4000, $0x38;
	[tilespmem:$0x1D400] =	vst v63  }
0x39: {  	_ =	swait.ge [sflag:s19], $0x4000  }
0x3a: {  	[sflag:s19] =	ssyncset.done $0x0  }
.Ltmp0:
0x3b: {  	s25 =	sadd.s32 $0xFFFFFF80, s24;
	[sflag:s19] =	ssyncadd.s32 $0xFFFFC000;
	(pc) =	sbr.rel @p0 .LBB2_2-.Ltmp0, $4  }
0x3c: {  	[tilespmem:s15], [sflag:$0x1] =	stream.indirect.gather [spmem:s1], $0x80, s25, s14, $0xb8;
	[tilespmem:$0x1D400] =	vst v63  }
0x3d: {  	_ =	swait.ge [sflag:s20], $0x4000  }
0x3e: {  	[sflag:s20] =	ssyncset.done $0x0  }
0x3f: {  	s24 =	sadd.s32 $0x100, s24;
	[sflag:s20] =	ssyncadd.s32 $0xFFFFC000  }
0x40: {  	[tilespmem:s16], [sflag:$0x2] =	stream.indirect.gather [spmem:s1], $0x80, s22, s14, $0xb8;
	[tilespmem:$0x1D400] =	vst v63  }
0x41: {  	_ =	swait.ge [sflag:s17], $0x4000  }
0x42: {  	[sflag:s17] =	ssyncset.done $0x0  }
0x43: {  	[sflag:s17] =	ssyncadd.s32 $0xFFFFC000  }
0x44: {  	[hbm4b:s7+s3] =	stream.linear.scatter [tilespmem:s15], [sflag:$0x3], $0x4000, $0x38;
	[tilespmem:$0x1D400] =	vst v63  }
0x45: {  	_ =	swait.ge [sflag:s18], $0x4000  }
0x46: {  	[sflag:s18] =	ssyncset.done $0x0  }
0x47: {  	s21 =	sadd.s32 $0x1, s21;
	[sflag:s18] =	ssyncadd.s32 $0xFFFFC000  }
0x48: {  	[hbm4b:s8+s3] =	stream.linear.scatter [tilespmem:s16], [sflag:$0x4], $0x4000, $0x38;
	[tilespmem:$0x1D400] =	vst v63  }
0x49: {  	p0 =	sne.s32 s21, s9;
	_ =	swait.ge [sflag:s19], $0x4000  }
.Ltmp1:
0x4a: {  	[sflag:s19] =	ssyncset.done $0x0;
	(pc) =	sbr.rel @p0 .LBB2_1-.Ltmp1, $4  }
0x4b: {  	[sflag:s19] =	ssyncadd.s32 $0xFFFFC000  }
0x4c: {  	_ =	swait.ge [sflag:s20], $0x4000  }
0x4d: {  	[sflag:s20] =	ssyncset.done $0x0  }
0x4e: {  	[sflag:s20] =	ssyncadd.s32 $0xFFFFC000  }
0x4f: {  	_ =	sfence.sel $0x180000  }
0x50: {  	[bflag:$0x0] =	sbarrier.arrive $0xFFFF  }
0x51: {  	p0 =	sne.s32 s2, $0x0;
	_ =	strace $0x90000047  }
0x52: {  	s0 =	sadd.s32 @!p0 $0x100000, s0;
	[bflag:$0x2] =	sbarrier.arrive $0xFFFF  }
0x53: {  	[sflag:s0] =	ssyncadd.tile.s32 @!p0 $0x1;
	_ =	shalt  }
.Lfunc_end2:
_tile_overlayer_lowered:
.L_overlay_start_2:
0x54: {  	(tag) =	ssettag $0x2  }
0x55: {  	s0 =	rddreg [dreg:$0x0];
	s2 =	stileid.u32  }
0x56: {  	s1 =	rddreg [dreg:$0x1];
	p0 =	sne.s32 s2, $0x0  }
0x57: {  	s3 =	rddreg [dreg:$0x2];
	[bflag:$0x3] =	sbarrier.arrive $0xFFFF;
	s2 =	simm.s32 @!p0 $0x1C05  }
0x58: {  	[timem:s3], [sflag:s2] =	dma.local @!p0 [hbm:s0], s1  }
0x59: {  	s0 =	simm.s32 @!p0 $0x5  }
0x5a: {  	_ =	swait.ge @!p0 [sflag:s0], s1  }
0x5b: {  	s1 =	ssub.s32 @!p0 $0x0, s1;
	[sflag:s0] =	ssyncset.done @!p0 $0x0  }
0x5c: {  	[sflag:s0] =	ssyncadd.s32 @!p0 s1  }
0x5d: {  	[bflag:$0x3] =	sbarrier.arrive $0xFFFF  }
0x5e: {  	_ =	shalt  }

// kernel: kernel.13.cloned.1.call-start
scs
__scs_entry_jumppad:
0x0: {  	(pc) =	sbr.rel $0x88, $3  }
0x1: {  	(tag) =	ssettag $0x0;
	lr =	simm.s32 $0x1  }
0x2: {  	[smem:$0x3F98] =	sst lr;
	_ =	strace $0xD0000000  }
0x3: {  	_ = 	snop  }
0x4: {  	_ = 	snop  }
0x5: {  	_ = 	snop  }
0x6: {  	_ = 	snop  }
0x7: {  	_ = 	snop  }
__scs_overlays_trampoline_lowered:
0x8: {  	[smem:$0x3FA7] =	sst s0  }
0x9: {  	[smem:$0x3FA8] =	sst s1  }
0xa: {  	[smem:$0x3FA9] =	sst s2  }
0xb: {  	[smem:$0x3FAA] =	sst s3  }
0xc: {  	[smem:$0x3FAB] =	sst s4  }
0xd: {  	[smem:$0x3FAC] =	sst s5  }
0xe: {  	[smem:$0x3FAD] =	sst s6  }
0xf: {  	[smem:$0x3FAE] =	sst s7  }
0x10: {  	[smem:$0x3FAF] =	sst s8  }
0x11: {  	[smem:$0x3FB0] =	sst s9;
	s0 =	simm.s32 @!p0 $0x0  }
0x12: {  	s1 =	sld [smem:$0x3F96];
	s0 =	simm.s32 @p0 $0x1  }
0x13: {  	[smem:$0x3FB1] =	sst s0;
	s0 =	simm.s32 @!p1 $0x0  }
0x14: {  	s2 =	sld [smem:$0x3F95];
	s0 =	simm.s32 @p1 $0x1  }
0x15: {  	[smem:$0x3FB2] =	sst s0;
	s0 =	simm.s32 @!p2 $0x0  }
0x16: {  	s3 =	sld [smem:$0x3FDB];
	s0 =	simm.s32 @p2 $0x1  }
0x17: {  	s4 =	simm.s32 $0x1BF5;
	[smem:$0x3FB4] =	sst s0  }
0x18: {  	s0 =	sld [smem:$0x3F97];
	_ =	swait.ge [sflag:s4], $0x0  }
0x19: {  	s7 =	sld [smem:$0x3F98]  }
0x1a: {  	s8 =	sadd.s32 $0xFFFFE003, lr  }
0x1b: {  	s9 =	sadd.s32 $0xFFFFFEF7, lr;
	s5 =	simm.s32 $0xFFFFFFFF;
	p2 =	slt.u32 s8, $0xFFFFF086  }
0x1c: {  	p1 =	slt.u32 s9, $0xF7A;
	s5 =	simm.s32 @!p2 $0x0  }
0x1d: {  	s5 =	simm.s32 @p1 $0x1;
	p0 =	seq.s32 s7, s2  }
0x1e: {  	s7 =	smul.u32 @!p0 $0xF7A, s2;
	p2 =	seq.s32 @!p0 s5, $0x0  }
0x1f: {  	s9 =	smul.u32 $0xF7A, s1;
	s8 =	simm.s32 @!p0 $0x1BF5;
	p2 =	por !p2, p0  }
0x20: {  	[sflag:s8] =	ssyncset.s32 @!p0 $0xFFFFF086;
	s6 =	sadd.s32 @!p0 s3, s7;
	s7 =	simm.s32 @!p0 $0x108  }
0x21: {  	s3 =	sadd.s32 s3, s9;
	s6 =	sadd.s32 @!p0 $0x88, s6;
	s7 =	simm.s32 @p2 $0x1082  }
0x22: {  	[simem:s7], [sflag:s8] =	dma.local @!p0 [hbm:s6], $0xF7A  }
0x23: {  	s9 =	sor.u32 $0xD0000000, s2;
	s6 =	simm.s32 $0x108;
	_ =	swait.ge @!p0 [sflag:s8], $0x0  }
0x24: {  	s3 =	sadd.s32 $0x88, s3;
	s6 =	simm.s32 @!p1 $0x1082;
	[sflag:s4] =	ssyncset.s32 $0xFFFFF086  }
0x25: {  	[simem:s6], [sflag:s4] =	dma.local [hbm:s3], $0xF7A  }
0x26: {  	[smem:$0x3F98] =	sst s1;
	(tag) =	ssettag s2;
	_ =	strace s9  }
0x27: {  	s1 =	sld [smem:$0x3FA8]  }
0x28: {  	s2 =	sld [smem:$0x3FA9]  }
0x29: {  	s4 =	sld [smem:$0x3FAB]  }
0x2a: {  	p0 =	seq.s32 s5, $0x0;
	s5 =	sld [smem:$0x3FAC]  }
0x2b: {  	s6 =	sld [smem:$0x3FAD]  }
0x2c: {  	s7 =	sld [smem:$0x3FAE]  }
0x2d: {  	s3 =	simm.s32 $0x108;
	s8 =	sld [smem:$0x3FAF]  }
0x2e: {  	s3 =	simm.s32 @!p0 $0x1082;
	s9 =	sld [smem:$0x3FB0]  }
0x2f: {  	lr =	sadd.s32 s0, s3;
	s0 =	sld [smem:$0x3FA7]  }
0x30: {  	s3 =	sld [smem:$0x3FAA]  }
0x31: {  	[smem:$0x3FB3] =	sst s10  }
0x32: {  	s10 =	sld [smem:$0x3FB1];
	_ =	sdelay $0x3  }
0x33: {  	p0 =	seq.s32 s10, $0x1;
	s10 =	sld [smem:$0x3FB3];
	_ =	sdelay $0x3  }
0x34: {  	[smem:$0x3FB3] =	sst s10  }
0x35: {  	s10 =	sld [smem:$0x3FB2];
	_ =	sdelay $0x3  }
0x36: {  	p1 =	seq.s32 s10, $0x1;
	s10 =	sld [smem:$0x3FB3];
	_ =	sdelay $0x3  }
0x37: {  	[smem:$0x3FB3] =	sst s10  }
0x38: {  	s10 =	sld [smem:$0x3FB4]  }
0x39: {  	_ = 	snop;
	(pc) =	sbr.ind lr, $3  }
0x3a: {  	_ = 	snop  }
0x3b: {  	_ = 	snop  }
0x3c: {  	p2 =	seq.s32 s10, $0x1;
	s10 =	sld [smem:$0x3FB3]  }
0x3d: {  	_ =	shalt  }
0x3e: {  	_ =	shalt  }
0x3f: {  	_ =	shalt  }
0x40: {  	_ =	shalt  }
0x41: {  	_ =	shalt  }
0x42: {  	_ =	shalt  }
0x43: {  	_ =	shalt  }
0x44: {  	_ =	shalt  }
0x45: {  	_ =	shalt  }
0x46: {  	_ =	shalt  }
0x47: {  	_ =	shalt  }
0x48: {  	_ =	shalt  }
0x49: {  	_ =	shalt  }
0x4a: {  	_ =	shalt  }
0x4b: {  	_ =	shalt  }
0x4c: {  	_ =	shalt  }
0x4d: {  	_ =	shalt  }
0x4e: {  	_ =	shalt  }
0x4f: {  	_ =	shalt  }
0x50: {  	_ =	shalt  }
0x51: {  	_ =	shalt  }
0x52: {  	_ =	shalt  }
0x53: {  	_ =	shalt  }
0x54: {  	_ =	shalt  }
0x55: {  	_ =	shalt  }
0x56: {  	_ =	shalt  }
0x57: {  	_ =	shalt  }
0x58: {  	_ =	shalt  }
0x59: {  	_ =	shalt  }
0x5a: {  	_ =	shalt  }
0x5b: {  	_ =	shalt  }
0x5c: {  	_ =	shalt  }
0x5d: {  	_ =	shalt  }
0x5e: {  	_ =	shalt  }
0x5f: {  	_ =	shalt  }
0x60: {  	_ =	shalt  }
0x61: {  	_ =	shalt  }
0x62: {  	_ =	shalt  }
0x63: {  	_ =	shalt  }
0x64: {  	_ =	shalt  }
0x65: {  	_ =	shalt  }
0x66: {  	_ =	shalt  }
0x67: {  	_ =	shalt  }
0x68: {  	_ =	shalt  }
0x69: {  	_ =	shalt  }
0x6a: {  	_ =	shalt  }
0x6b: {  	_ =	shalt  }
0x6c: {  	_ =	shalt  }
0x6d: {  	_ =	shalt  }
0x6e: {  	_ =	shalt  }
0x6f: {  	_ =	shalt  }
0x70: {  	_ =	shalt  }
0x71: {  	_ =	shalt  }
0x72: {  	_ =	shalt  }
0x73: {  	_ =	shalt  }
0x74: {  	_ =	shalt  }
0x75: {  	_ =	shalt  }
0x76: {  	_ =	shalt  }
0x77: {  	_ =	shalt  }
0x78: {  	_ =	shalt  }
0x79: {  	_ =	shalt  }
0x7a: {  	_ =	shalt  }
0x7b: {  	_ =	shalt  }
0x7c: {  	_ =	shalt  }
0x7d: {  	_ =	shalt  }
0x7e: {  	_ =	shalt  }
0x7f: {  	_ =	shalt  }
0x80: {  	_ =	shalt  }
0x81: {  	_ =	shalt  }
0x82: {  	_ =	shalt  }
0x83: {  	_ =	shalt  }
0x84: {  	_ =	shalt  }
0x85: {  	_ =	shalt  }
0x86: {  	_ =	shalt  }
0x87: {  	_ =	shalt  }
.Lfunc_end0:
.L_simem_size_0:
called_computation.1_lowered:
.L_overlay_start_0:
0x88: {  	s2 =	sld [smem:$0x3FD9]  }
0x89: {  	s3 =	sld [smem:$0x3FFE];
	_ =	sdelay $0x1  }
0x8a: {  	s1 =	srdreg.scid  }
0x8b: {  	s0 =	sand.u32 $0x1, s1  }
0x8c: {  	s17 =	sshll.u32 s0, $0xA;
	s2 =	sadd.s32 s3, s2  }
0x8d: {  	s2 =	sadd.s32 s2, s17  }
0x8e: {  	[smem:$0x3FBF] =	sst s2  }
0x8f: {  	_ = 	snop  }
0x90: {  	(tm) =	ssettm $0x1  }
0x91: {  	s18 =	sld [smem:$0x3FFB];
	_ =	sdelay $0x3  }
0x92: {  	_ =	strace s18  }
0x93: {  	s2 =	sld [smem:$0x3FFC];
	_ =	sdelay $0x3  }
0x94: {  	_ =	strace s2  }
0x95: {  	s2 =	sld [smem:$0x3FFD];
	_ =	sdelay $0x3  }
0x96: {  	_ =	strace s2  }
0x97: {  	_ =	strace $0x8FFFFFFF  }
0x98: {  	s19 =	sld [smem:$0x3FDB];
	_ =	sdelay $0x1  }
0x99: {  	s20 =	simm.s32 $_scs_section_size  }
0x9a: {  	s4 =	simm.s32 $_size__tile_overlayer_lowered;
	s5 =	simm.s32 $_tile_overlayer_lowered  }
0x9b: {  	s6 =	simm.s32 $0x1BFF;
	s21 =	sshll.u32 s5, $0x1;
	s3 =	sadd.s32 s20, s19  }
0x9c: {  	s22 =	simm.s32 $0x0;
	s4 =	sshll.u32 s4, $0x1;
	s5 =	sadd.s32 s21, s3  }
0x9d: {  	[timem:s22], [sflag:s6] =	dma.local [hbm:s5], s4  }
0x9e: {  	_ =	swait.ge [sflag:s6], s4  }
0x9f: {  	s4 =	ssub.s32 $0x0, s4;
	[sflag:s6] =	ssyncset.done $0x0  }
0xa0: {  	[sflag:s6] =	ssyncadd.s32 s4;
	_ =	sdelay $0x1  }
0xa1: {  	s23 =	simm.s32 $0x1B8B  }
0xa2: {  	_ =	swait.ge [sflag:s23], $0x1  }
0xa3: {  	[sflag:s23] =	ssyncset.done $0x0  }
0xa4: {  	[sflag:s23] =	ssyncadd.s32 $0xFFFFFFFF  }
0xa5: {  	s4 =	sld [smem:$0x0]  }
0xa6: {  	s5 =	sand.u32 $0xFFFFFFFE, s1  }
0xa7: {  	p0 =	sne.s32 s1, s5  }
0xa8: {  	s5 =	sshll.u32 @p0 s5, $0xE  }
0xa9: {  	s5 =	sadd.s32 @p0 $0x11B8D, s5;
	s6 =	sshll.u32 @p0 s4, $0x11  }
0xaa: {  	s5 =	sor.u32 @p0 s6, s5  }
0xab: {  	[sflag:s5] =	ssyncadd.remote.s32 @p0 $0x1;
	_ =	sdelay $0x1  }
0xac: {  	s5 =	simm.s32 @p0 $0x1B8D  }
0xad: {  	_ =	swait.eq @p0 [sflag:s5], $0x1  }
0xae: {  	[sflag:s5] =	ssyncadd.s32 @p0 $0xFFFFFFFF  }
0xaf: {  	s6 =	sshll.u32 @!p0 s1, $0xE  }
0xb0: {  	s6 =	sor.u32 @!p0 $0x4000, s6;
	s5 =	simm.s32 @!p0 $0x1B8D  }
0xb1: {  	s4 =	sshll.u32 @!p0 s4, $0x11;
	s6 =	sadd.s32 @!p0 $0x11B8D, s6;
	_ =	swait.eq @!p0 [sflag:s5], $0x1  }
0xb2: {  	s4 =	sor.u32 @!p0 s4, s6;
	[sflag:s5] =	ssyncadd.s32 @!p0 $0xFFFFFFFF  }
0xb3: {  	s25 =	simm.s32 $0x1B8E;
	s24 =	sld [smem:$0x3FFE];
	[sflag:s4] =	ssyncadd.remote.s32 @!p0 $0x1  }
0xb4: {  	s26 =	simm.s32 $execute0_lowered;
	[smem:$0x3FD2] =	sst s25  }
0xb5: {  	s5 =	sshll.u32 s26, $0x1;
	_ =	strace $0x8000004C;
	[dreg:$0x1] =	wrdreg $0xFFFFFFFF  }
0xb6: {  	s28 =	simm.s32 $_size_execute0_lowered;
	s3 =	sadd.s32 s3, s5;
	[dreg:$0x0] =	wrdreg $0x0  }
0xb7: {  	s5 =	sshll.u32 s28, $0x1;
	[dreg:$0x2] =	wrdreg s3  }
0xb8: {  	[dreg:$0x3] =	wrdreg s5  }
0xb9: {  	[dreg:$0x4] =	wrdreg $0xC0  }
0xba: {  	_ =	task [dreg:s22], $0x5FFFF  }
0xbb: {  	[dreg:$0x1] =	wrdreg $0xFFFFFFFF  }
0xbc: {  	[dreg:$0x0] =	wrdreg $0x60  }
0xbd: {  	[dreg:$0x2] =	wrdreg s24  }
0xbe: {  	[dreg:$0x3] =	wrdreg $0x94800  }
0xbf: {  	[dreg:$0x4] =	wrdreg $0x1D4800  }
0xc0: {  	[dreg:$0x5] =	wrdreg $0xA  }
0xc1: {  	_ =	task.clear_ibuf [dreg:s22], $0x6FFFF;
	_ =	strace $0x9000004C  }
0xc2: {  	s29 =	simm.s32 $0xA;
	_ =	strace $0x8000004E  }
0xc3: {  	_ =	swait.ge [sflag:s29], $0x1  }
0xc4: {  	[sflag:s29] =	ssyncadd.s32 $0xFFFFFFFF  }
0xc5: {  	_ =	strace $0x9000004E  }
0xc6: {  	_ =	sfence  }
0xc7: {  	s30 =	sld [smem:$0x0];
	_ =	sdelay $0x2  }
0xc8: {  	s31 =	sshll.u32 s1, $0xD;
	s1 =	sshrl.u32 s1, $0x2  }
0xc9: {  	s4 =	sand.u32 $0x4000, s31;
	s1 =	sadd.s32 s1, s30  }
0xca: {  	s0 =	sor.u32 s4, s0;
	s1 =	sshll.u32 s1, $0x11  }
0xcb: {  	s0 =	sor.u32 s1, s0  }
0xcc: {  	s0 =	sadd.s32 $0x8F2B, s0  }
0xcd: {  	[sflag:s0] =	ssyncadd.remote.s32 $0x1  }
0xce: {  	_ =	sfence.sel $0xFFFF  }
0xcf: {  	[dreg:$0x0] =	wrdreg $0xFFFFFFFF;
	(pc) =	sbr.abs _section_cstart, $3  }
0xd0: {  	[dreg:$0x1] =	wrdreg $0xFFFFFFFF  }
0xd1: {  	_ =	task.clear_ibuf [dreg:s22], $0x2FFFF;
	_ =	strace $0x9FFFFFFF  }
0xd2: {  	(tm) =	ssettm $0x7FFFFFFF  }
0xd3: {  	_ =	shalt  }
tec
execute0_lowered:
.L_overlay_start_1:
0x0: {  	(tag) =	ssettag $0x1  }
0x1: {  	s0 =	rddreg [dreg:$0x0]  }
0x2: {  	s1 =	rddreg [dreg:$0x1]  }
0x3: {  	s3 =	rddreg [dreg:$0x2];
	s15 =	stileid.u32  }
0x4: {  	s2 =	srdreg.scid;
	s7 =	smul.u32 $0x14000, s15  }
0x5: {  	s4 =	simm.s32 $0x0;
	s28 =	simm.s32 $0x3;
	s14 =	smul.u32 $0x500, s15  }
0x6: {  	s29 =	simm.s32 $0x5;
	s30 =	simm.s32 $0x4;
	s17 =	smul.u32 $0x50000, s15  }
0x7: {  	s31 =	simm.s32 $0x6;
	s2 =	sand.u32 $0x1, s2;
	s13 =	smul.u32 $0xA00, s15  }
0x8: {  	[smem:$0x7FF] =	sst s4;
	s10 =	sadd.s32 $0x563600, s0;
	s23 =	smul.u32 $0xA0000, s15  }
0x9: {  	s21 =	sshll.u32 s15, $0x6;
	s5 =	sshll.u32 s2, $0x4;
	s6 =	smul.u32 $0x140000, s2  }
0xa: {  	_ =	strace $0x8000004D;
	s11 =	sshll.u32 s2, $0x7;
	s16 =	ssub.s32 $0x2, s2  }
0xb: {  	s2 =	smul.u32 $0xA00000, s2;
	s5 =	sor.u32 s15, s5;
	s18 =	sshrl.u32 s16, $0x1  }
0xc: {  	s19 =	sshrl.u32 s17, $0x2;
	s22 =	sshrl.u32 s13, $0x2;
	s17 =	simm.s32 $0x7  }
0xd: {  	s8 =	smul.u32 $0x280, s5;
	s7 =	sadd.s32 s7, s6;
	s6 =	sor.u32 s11, s14  }
0xe: {  	s14 =	ssub.s32 s16, s18;
	s5 =	smul.u32 $0x14000, s5;
	s16 =	sadd.s32 s19, s1  }
0xf: {  	s18 =	sadd.s32 s22, s3;
	s2 =	sadd.s32 s23, s2;
	s19 =	simm.s32 $0x1  }
0x10: {  	s22 =	simm.s32 $0x1400;
	s23 =	simm.s32 $0x5400;
	s9 =	sshrl.u32 s7, $0x3  }
0x11: {  	s6 =	sshrl.u32 s6, $0x3;
	s2 =	sor.u32 $0x8000, s2;
	s26 =	sadd.s32 s10, s7  }
0x12: {  	s13 =	smax.u32 s14, $0x1;
	s16 =	sshrl.u32 s16, $0x3;
	s18 =	sshrl.u32 s18, $0x3  }
0x13: {  	s8 =	sadd.s32 s8, s0;
	s12 =	sadd.s32 s9, s0;
	s0 =	sadd.s32 s6, s0  }
0x14: {  	s6 =	sor.u32 $0x1C07, s21;
	s9 =	sadd.s32 s10, s5;
	s2 =	sshrl.u32 s2, $0x3  }
0x15: {  	s14 =	sadd.s32 $0x1800, s26;
	s21 =	simm.s32 $0x20;
	s20 =	sadd.s32 $0x5E600, s12  }
0x16: {  	s26 =	simm.s32 $0x2;
	s24 =	sadd.s32 $0x4600, s0;
	[dreg:$0x4] =	wrdreg s20  }
0x17: {  	s8 =	sadd.s32 $0x9600, s8;
	s5 =	sadd.s32 $0x800, s9;
	[dreg:$0x5] =	wrdreg s24  }
0x18: {  	s25 =	sadd.s32 $0xAE600, s12;
	s12 =	sadd.s32 $0x5000, s0;
	[dreg:$0x6] =	wrdreg s8  }
0x19: {  	s15 =	sadd.s32 s2, s10;
	s0 =	simm.s32 $0x1300;
	[dreg:$0x7] =	wrdreg s5  }
0x1a: {  	s2 =	simm.s32 $0x1380;
	[dreg:$0x8] =	wrdreg s25;
	s20 =	simm.s32 $0x10  }
0x1b: {  	v0 =	vimm.f32 $1.000000000e+00;
	s24 =	simm.s32 $0x80;
	s25 =	simm.s32 $0x9400;
	s5 =	simm.s32 $0x0  }
.LBB2_1:
0x1c: {  	s7 =	rddreg [dreg:$0x4]  }
0x1d: {  	[spmem:s16], [sflag:s6] =	dma.local [hbm:s7], $0x2800  }
0x1e: {  	_ =	swait.ge [sflag:s17], $0x2800  }
0x1f: {  	[sflag:s17] =	ssyncset.done $0x0  }
0x20: {  	s10 =	rddreg [dreg:$0x5];
	[sflag:s17] =	ssyncadd.s32 $0xFFFFD800  }
0x21: {  	[spmem:s18@s20], [sflag:s6] =	dma.strided [hbm:s10@s21], $0x50, s19, $0x10   }
0x22: {  	_ =	swait.ge [sflag:s17], $0x50  }
0x23: {  	[sflag:s17] =	ssyncset.done $0x0  }
0x24: {  	[sflag:s17] =	ssyncadd.s32 $0xFFFFFFB0  }
0x25: {  	[tilespmem:$0x9400] =	vst v0  }
0x26: {  	[tilespmem:$0x9410] =	vst v0  }
0x27: {  	[tilespmem:$0x9420] =	vst v0  }
0x28: {  	[tilespmem:$0x9430] =	vst v0  }
0x29: {  	[tilespmem:$0x9440] =	vst v0  }
0x2a: {  	[tilespmem:$0x9450] =	vst v0  }
0x2b: {  	[tilespmem:$0x9460] =	vst v0  }
0x2c: {  	s11 =	rddreg [dreg:$0x6];
	[tilespmem:$0x9470] =	vst v0  }
0x2d: {  	[tilespmem:s4], [sflag:$0x7] =	stream.linear.gather [hbm4b:s11+s4], $0x1400, $0x38;
	[tilespmem:$0x1D700] =	vst v63  }
0x2e: {  	_ =	swait.ge [sflag:s17], $0x1400  }
0x2f: {  	[sflag:s17] =	ssyncset.done $0x0  }
0x30: {  	[sflag:s17] =	ssyncadd.s32 $0xFFFFEC00  }
0x31: {  	[bflag:$0x0] =	sbarrier.arrive $0xFFFF  }
0x32: {  	[tilespmem:s22], [sflag:$0x1] =	stream.linear.gather [hbm4b:s9+s4], $0x4000, $0x38;
	[tilespmem:$0x1D700] =	vst v63  }
0x33: {  	s8 =	rddreg [dreg:$0x7]  }
0x34: {  	[tilespmem:s23], [sflag:$0x2] =	stream.linear.gather [hbm4b:s8+s4], $0x4000, $0x38;
	[tilespmem:$0x1D700] =	vst v63  }
0x35: {  	_ =	swait.ge [sflag:s19], $0x4000  }
0x36: {  	[sflag:s19] =	ssyncset.done $0x0  }
0x37: {  	s10 =	simm.s32 $0x0;
	[sflag:s19] =	ssyncadd.s32 $0xFFFFC000  }
0x38: {  	[spmem:s1] =	stream.indirect.scatter.add.f32 [tilespmem:s22], [sflag:$0x3], $0x80, s10, s24, $0xb8;
	[tilespmem:$0x1D700] =	vst v63  }
0x39: {  	_ = 	snop  }
0x3a: {  	[spmem:s3] =	stream.indirect.scatter.add.f32 [tilespmem:s25], [sflag:$0x5], $0x1, s10, s24, $0xb8;
	[tilespmem:$0x1D700] =	vst v63  }
0x3b: {  	_ =	swait.ge [sflag:s26], $0x4000  }
0x3c: {  	[sflag:s26] =	ssyncset.done $0x0  }
0x3d: {  	[sflag:s26] =	ssyncadd.s32 $0xFFFFC000  }
0x3e: {  	[spmem:s1] =	stream.indirect.scatter.add.f32 [tilespmem:s23], [sflag:$0x4], $0x80, s24, s24, $0xb8;
	[tilespmem:$0x1D700] =	vst v63  }
0x3f: {  	_ = 	snop  }
0x40: {  	[spmem:s3] =	stream.indirect.scatter.add.f32 [tilespmem:s25], [sflag:$0x6], $0x1, s24, s24, $0xb8;
	[tilespmem:$0x1D700] =	vst v63  }
0x41: {  	_ =	swait.ge [sflag:s28], $0x4000  }
0x42: {  	[sflag:s28] =	ssyncset.done $0x0  }
0x43: {  	[sflag:s28] =	ssyncadd.s32 $0xFFFFC000  }
0x44: {  	_ =	swait.ge [sflag:s29], $0x80  }
0x45: {  	[sflag:s29] =	ssyncset.done $0x0  }
0x46: {  	s11 =	sadd.s32 $0x0, s15;
	[sflag:s29] =	ssyncadd.s32 $0xFFFFFF80  }
0x47: {  	[tilespmem:s22], [sflag:$0x1] =	stream.linear.gather [hbm4b:s11+s4], $0x4000, $0x38;
	[tilespmem:$0x1D700] =	vst v63  }
0x48: {  	_ =	swait.ge [sflag:s30], $0x4000  }
0x49: {  	[sflag:s30] =	ssyncset.done $0x0  }
0x4a: {  	[sflag:s30] =	ssyncadd.s32 $0xFFFFC000  }
0x4b: {  	_ =	swait.ge [sflag:s31], $0x80  }
0x4c: {  	s7 =	simm.s32 $0x1000;
	[sflag:s31] =	ssyncset.done $0x0  }
0x4d: {  	s8 =	simm.s32 $0x180;
	s10 =	sadd.s32 $0x0, s14;
	[sflag:s31] =	ssyncadd.s32 $0xFFFFFF80  }
.LBB2_2:
0x4e: {  	[tilespmem:s23], [sflag:$0x2] =	stream.linear.gather [hbm4b:s10+s4], $0x4000, $0x38;
	[tilespmem:$0x1D700] =	vst v63  }
0x4f: {  	s10 =	smov.u32 s7  }
0x50: {  	p0 =	sne.s32 s7, $0x12000;
	s7 =	sadd.s32 $0x1000, s7;
	_ =	swait.ge [sflag:s19], $0x4000  }
0x51: {  	[sflag:s19] =	ssyncset.done $0x0  }
0x52: {  	s11 =	sadd.s32 $0xFFFFFF80, s8;
	[sflag:s19] =	ssyncadd.s32 $0xFFFFC000  }
0x53: {  	[spmem:s1] =	stream.indirect.scatter.add.f32 [tilespmem:s22], [sflag:$0x3], $0x80, s11, s24, $0xb8;
	[tilespmem:$0x1D700] =	vst v63  }
0x54: {  	_ = 	snop  }
0x55: {  	[spmem:s3] =	stream.indirect.scatter.add.f32 [tilespmem:s25], [sflag:$0x5], $0x1, s11, s24, $0xb8;
	[tilespmem:$0x1D700] =	vst v63  }
0x56: {  	_ =	swait.ge [sflag:s26], $0x4000  }
0x57: {  	[sflag:s26] =	ssyncset.done $0x0  }
0x58: {  	[sflag:s26] =	ssyncadd.s32 $0xFFFFC000  }
0x59: {  	[spmem:s1] =	stream.indirect.scatter.add.f32 [tilespmem:s23], [sflag:$0x4], $0x80, s8, s24, $0xb8;
	[tilespmem:$0x1D700] =	vst v63  }
0x5a: {  	_ = 	snop  }
0x5b: {  	[spmem:s3] =	stream.indirect.scatter.add.f32 [tilespmem:s25], [sflag:$0x6], $0x1, s8, s24, $0xb8;
	[tilespmem:$0x1D700] =	vst v63  }
0x5c: {  	_ =	swait.ge [sflag:s28], $0x4000  }
0x5d: {  	[sflag:s28] =	ssyncset.done $0x0  }
0x5e: {  	[sflag:s28] =	ssyncadd.s32 $0xFFFFC000  }
0x5f: {  	_ =	swait.ge [sflag:s29], $0x80  }
0x60: {  	[sflag:s29] =	ssyncset.done $0x0  }
0x61: {  	s11 =	sadd.s32 s10, s15;
	[sflag:s29] =	ssyncadd.s32 $0xFFFFFF80  }
0x62: {  	[tilespmem:s22], [sflag:$0x1] =	stream.linear.gather [hbm4b:s11+s4], $0x4000, $0x38;
	[tilespmem:$0x1D700] =	vst v63  }
0x63: {  	_ =	swait.ge [sflag:s30], $0x4000  }
.Ltmp0:
0x64: {  	[sflag:s30] =	ssyncset.done $0x0;
	(pc) =	sbr.rel @p0 .LBB2_2-.Ltmp0, $4  }
0x65: {  	[sflag:s30] =	ssyncadd.s32 $0xFFFFC000  }
0x66: {  	_ =	swait.ge [sflag:s31], $0x80  }
0x67: {  	[sflag:s31] =	ssyncset.done $0x0  }
0x68: {  	s10 =	sadd.s32 s10, s14;
	s8 =	sadd.s32 $0x100, s8;
	[sflag:s31] =	ssyncadd.s32 $0xFFFFFF80  }
0x69: {  	[tilespmem:s23], [sflag:$0x2] =	stream.linear.gather [hbm4b:s10+s4], $0x4000, $0x38;
	[tilespmem:$0x1D700] =	vst v63  }
0x6a: {  	_ =	swait.ge [sflag:s19], $0x4000  }
0x6b: {  	[sflag:s19] =	ssyncset.done $0x0  }
0x6c: {  	[sflag:s19] =	ssyncadd.s32 $0xFFFFC000  }
0x6d: {  	[spmem:s1] =	stream.indirect.scatter.add.f32 [tilespmem:s22], [sflag:$0x3], $0x80, s0, s24, $0xb8;
	[tilespmem:$0x1D700] =	vst v63  }
0x6e: {  	_ = 	snop  }
0x6f: {  	[spmem:s3] =	stream.indirect.scatter.add.f32 [tilespmem:s25], [sflag:$0x5], $0x1, s0, s24, $0xb8;
	[tilespmem:$0x1D700] =	vst v63  }
0x70: {  	_ =	swait.ge [sflag:s26], $0x4000  }
0x71: {  	[sflag:s26] =	ssyncset.done $0x0  }
0x72: {  	[sflag:s26] =	ssyncadd.s32 $0xFFFFC000  }
0x73: {  	[spmem:s1] =	stream.indirect.scatter.add.f32 [tilespmem:s23], [sflag:$0x4], $0x80, s2, s24, $0xb8;
	[tilespmem:$0x1D700] =	vst v63  }
0x74: {  	_ = 	snop  }
0x75: {  	[spmem:s3] =	stream.indirect.scatter.add.f32 [tilespmem:s25], [sflag:$0x6], $0x1, s2, s24, $0xb8;
	[tilespmem:$0x1D700] =	vst v63  }
0x76: {  	_ =	swait.ge [sflag:s28], $0x4000  }
0x77: {  	[sflag:s28] =	ssyncset.done $0x0  }
0x78: {  	[sflag:s28] =	ssyncadd.s32 $0xFFFFC000  }
0x79: {  	_ =	swait.ge [sflag:s29], $0x80  }
0x7a: {  	[sflag:s29] =	ssyncset.done $0x0  }
0x7b: {  	[sflag:s29] =	ssyncadd.s32 $0xFFFFFF80  }
0x7c: {  	_ =	swait.ge [sflag:s30], $0x4000  }
0x7d: {  	[sflag:s30] =	ssyncset.done $0x0  }
0x7e: {  	[sflag:s30] =	ssyncadd.s32 $0xFFFFC000  }
0x7f: {  	_ =	swait.ge [sflag:s31], $0x80  }
0x80: {  	[sflag:s31] =	ssyncset.done $0x0  }
0x81: {  	[sflag:s31] =	ssyncadd.s32 $0xFFFFFF80  }
0x82: {  	[bflag:$0x0] =	sbarrier.arrive $0xFFFF  }
0x83: {  	s7 =	rddreg [dreg:$0x8]  }
0x84: {  	[hbm:s7], [sflag:s6] =	dma.local [spmem:s16], $0x2800  }
0x85: {  	s5 =	sadd.s32 $0x1, s5;
	_ =	swait.ge [sflag:s17], $0x2800  }
0x86: {  	p0 =	sne.s32 s5, s13;
	[sflag:s17] =	ssyncset.done $0x0  }
.Ltmp1:
0x87: {  	[sflag:s17] =	ssyncadd.s32 $0xFFFFD800;
	(pc) =	sbr.rel @p0 .LBB2_1-.Ltmp1, $4  }
0x88: {  	[hbm:s12@s21], [sflag:s6] =	dma.strided [spmem:s18@s20], $0x50, s19, $0x10   }
0x89: {  	_ =	swait.ge [sflag:s17], $0x50  }
0x8a: {  	[sflag:s17] =	ssyncset.done $0x0  }
0x8b: {  	[sflag:s17] =	ssyncadd.s32 $0xFFFFFFB0  }
0x8c: {  	_ =	sfence.sel $0x180000  }
0x8d: {  	[bflag:$0x0] =	sbarrier.arrive $0xFFFF  }
0x8e: {  	_ =	strace $0x9000004D  }
0x8f: {  	s0 =	stileid.u32;
	[bflag:$0x2] =	sbarrier.arrive $0xFFFF  }
0x90: {  	p0 =	sne.s32 s0, $0x0;
	s0 =	rddreg [dreg:$0x3]  }
0x91: {  	s0 =	sadd.s32 @!p0 $0x100000, s0  }
0x92: {  	[sflag:s0] =	ssyncadd.tile.s32 @!p0 $0x1;
	_ =	shalt  }
.Lfunc_end2:
_tile_overlayer_lowered:
.L_overlay_start_2:
0x93: {  	(tag) =	ssettag $0x2  }
0x94: {  	s0 =	rddreg [dreg:$0x0];
	s2 =	stileid.u32  }
0x95: {  	s1 =	rddreg [dreg:$0x1];
	p0 =	sne.s32 s2, $0x0  }
0x96: {  	s3 =	rddreg [dreg:$0x2];
	[bflag:$0x3] =	sbarrier.arrive $0xFFFF;
	s2 =	simm.s32 @!p0 $0x1C07  }
0x97: {  	[timem:s3], [sflag:s2] =	dma.local @!p0 [hbm:s0], s1  }
0x98: {  	s0 =	simm.s32 @!p0 $0x7  }
0x99: {  	_ =	swait.ge @!p0 [sflag:s0], s1  }
0x9a: {  	s1 =	ssub.s32 @!p0 $0x0, s1;
	[sflag:s0] =	ssyncset.done @!p0 $0x0  }
0x9b: {  	[sflag:s0] =	ssyncadd.s32 @!p0 s1  }
0x9c: {  	[bflag:$0x3] =	sbarrier.arrive $0xFFFF  }
0x9d: {  	_ =	shalt  }

// kernel: kernel.16.cloned.1.call-start
scs
__scs_entry_jumppad:
0x0: {  	(pc) =	sbr.rel $0x88, $3  }
0x1: {  	(tag) =	ssettag $0x0;
	lr =	simm.s32 $0x1  }
0x2: {  	[smem:$0x3F98] =	sst lr;
	_ =	strace $0xD0000000  }
0x3: {  	_ = 	snop  }
0x4: {  	_ = 	snop  }
0x5: {  	_ = 	snop  }
0x6: {  	_ = 	snop  }
0x7: {  	_ = 	snop  }
__scs_overlays_trampoline_lowered:
0x8: {  	[smem:$0x3FA7] =	sst s0  }
0x9: {  	[smem:$0x3FA8] =	sst s1  }
0xa: {  	[smem:$0x3FA9] =	sst s2  }
0xb: {  	[smem:$0x3FAA] =	sst s3  }
0xc: {  	[smem:$0x3FAB] =	sst s4  }
0xd: {  	[smem:$0x3FAC] =	sst s5  }
0xe: {  	[smem:$0x3FAD] =	sst s6  }
0xf: {  	[smem:$0x3FAE] =	sst s7  }
0x10: {  	[smem:$0x3FAF] =	sst s8  }
0x11: {  	[smem:$0x3FB0] =	sst s9;
	s0 =	simm.s32 @!p0 $0x0  }
0x12: {  	s1 =	sld [smem:$0x3F96];
	s0 =	simm.s32 @p0 $0x1  }
0x13: {  	[smem:$0x3FB1] =	sst s0;
	s0 =	simm.s32 @!p1 $0x0  }
0x14: {  	s2 =	sld [smem:$0x3F95];
	s0 =	simm.s32 @p1 $0x1  }
0x15: {  	[smem:$0x3FB2] =	sst s0;
	s0 =	simm.s32 @!p2 $0x0  }
0x16: {  	s3 =	sld [smem:$0x3FDB];
	s0 =	simm.s32 @p2 $0x1  }
0x17: {  	s4 =	simm.s32 $0x1BF5;
	[smem:$0x3FB4] =	sst s0  }
0x18: {  	s0 =	sld [smem:$0x3F97];
	_ =	swait.ge [sflag:s4], $0x0  }
0x19: {  	s7 =	sld [smem:$0x3F98]  }
0x1a: {  	s8 =	sadd.s32 $0xFFFFE003, lr  }
0x1b: {  	s9 =	sadd.s32 $0xFFFFFEF7, lr;
	s5 =	simm.s32 $0xFFFFFFFF;
	p2 =	slt.u32 s8, $0xFFFFF086  }
0x1c: {  	p1 =	slt.u32 s9, $0xF7A;
	s5 =	simm.s32 @!p2 $0x0  }
0x1d: {  	s5 =	simm.s32 @p1 $0x1;
	p0 =	seq.s32 s7, s2  }
0x1e: {  	s7 =	smul.u32 @!p0 $0xF7A, s2;
	p2 =	seq.s32 @!p0 s5, $0x0  }
0x1f: {  	s9 =	smul.u32 $0xF7A, s1;
	s8 =	simm.s32 @!p0 $0x1BF5;
	p2 =	por !p2, p0  }
0x20: {  	[sflag:s8] =	ssyncset.s32 @!p0 $0xFFFFF086;
	s6 =	sadd.s32 @!p0 s3, s7;
	s7 =	simm.s32 @!p0 $0x108  }
0x21: {  	s3 =	sadd.s32 s3, s9;
	s6 =	sadd.s32 @!p0 $0x88, s6;
	s7 =	simm.s32 @p2 $0x1082  }
0x22: {  	[simem:s7], [sflag:s8] =	dma.local @!p0 [hbm:s6], $0xF7A  }
0x23: {  	s9 =	sor.u32 $0xD0000000, s2;
	s6 =	simm.s32 $0x108;
	_ =	swait.ge @!p0 [sflag:s8], $0x0  }
0x24: {  	s3 =	sadd.s32 $0x88, s3;
	s6 =	simm.s32 @!p1 $0x1082;
	[sflag:s4] =	ssyncset.s32 $0xFFFFF086  }
0x25: {  	[simem:s6], [sflag:s4] =	dma.local [hbm:s3], $0xF7A  }
0x26: {  	[smem:$0x3F98] =	sst s1;
	(tag) =	ssettag s2;
	_ =	strace s9  }
0x27: {  	s1 =	sld [smem:$0x3FA8]  }
0x28: {  	s2 =	sld [smem:$0x3FA9]  }
0x29: {  	s4 =	sld [smem:$0x3FAB]  }
0x2a: {  	p0 =	seq.s32 s5, $0x0;
	s5 =	sld [smem:$0x3FAC]  }
0x2b: {  	s6 =	sld [smem:$0x3FAD]  }
0x2c: {  	s7 =	sld [smem:$0x3FAE]  }
0x2d: {  	s3 =	simm.s32 $0x108;
	s8 =	sld [smem:$0x3FAF]  }
0x2e: {  	s3 =	simm.s32 @!p0 $0x1082;
	s9 =	sld [smem:$0x3FB0]  }
0x2f: {  	lr =	sadd.s32 s0, s3;
	s0 =	sld [smem:$0x3FA7]  }
0x30: {  	s3 =	sld [smem:$0x3FAA]  }
0x31: {  	[smem:$0x3FB3] =	sst s10  }
0x32: {  	s10 =	sld [smem:$0x3FB1];
	_ =	sdelay $0x3  }
0x33: {  	p0 =	seq.s32 s10, $0x1;
	s10 =	sld [smem:$0x3FB3];
	_ =	sdelay $0x3  }
0x34: {  	[smem:$0x3FB3] =	sst s10  }
0x35: {  	s10 =	sld [smem:$0x3FB2];
	_ =	sdelay $0x3  }
0x36: {  	p1 =	seq.s32 s10, $0x1;
	s10 =	sld [smem:$0x3FB3];
	_ =	sdelay $0x3  }
0x37: {  	[smem:$0x3FB3] =	sst s10  }
0x38: {  	s10 =	sld [smem:$0x3FB4]  }
0x39: {  	_ = 	snop;
	(pc) =	sbr.ind lr, $3  }
0x3a: {  	_ = 	snop  }
0x3b: {  	_ = 	snop  }
0x3c: {  	p2 =	seq.s32 s10, $0x1;
	s10 =	sld [smem:$0x3FB3]  }
0x3d: {  	_ =	shalt  }
0x3e: {  	_ =	shalt  }
0x3f: {  	_ =	shalt  }
0x40: {  	_ =	shalt  }
0x41: {  	_ =	shalt  }
0x42: {  	_ =	shalt  }
0x43: {  	_ =	shalt  }
0x44: {  	_ =	shalt  }
0x45: {  	_ =	shalt  }
0x46: {  	_ =	shalt  }
0x47: {  	_ =	shalt  }
0x48: {  	_ =	shalt  }
0x49: {  	_ =	shalt  }
0x4a: {  	_ =	shalt  }
0x4b: {  	_ =	shalt  }
0x4c: {  	_ =	shalt  }
0x4d: {  	_ =	shalt  }
0x4e: {  	_ =	shalt  }
0x4f: {  	_ =	shalt  }
0x50: {  	_ =	shalt  }
0x51: {  	_ =	shalt  }
0x52: {  	_ =	shalt  }
0x53: {  	_ =	shalt  }
0x54: {  	_ =	shalt  }
0x55: {  	_ =	shalt  }
0x56: {  	_ =	shalt  }
0x57: {  	_ =	shalt  }
0x58: {  	_ =	shalt  }
0x59: {  	_ =	shalt  }
0x5a: {  	_ =	shalt  }
0x5b: {  	_ =	shalt  }
0x5c: {  	_ =	shalt  }
0x5d: {  	_ =	shalt  }
0x5e: {  	_ =	shalt  }
0x5f: {  	_ =	shalt  }
0x60: {  	_ =	shalt  }
0x61: {  	_ =	shalt  }
0x62: {  	_ =	shalt  }
0x63: {  	_ =	shalt  }
0x64: {  	_ =	shalt  }
0x65: {  	_ =	shalt  }
0x66: {  	_ =	shalt  }
0x67: {  	_ =	shalt  }
0x68: {  	_ =	shalt  }
0x69: {  	_ =	shalt  }
0x6a: {  	_ =	shalt  }
0x6b: {  	_ =	shalt  }
0x6c: {  	_ =	shalt  }
0x6d: {  	_ =	shalt  }
0x6e: {  	_ =	shalt  }
0x6f: {  	_ =	shalt  }
0x70: {  	_ =	shalt  }
0x71: {  	_ =	shalt  }
0x72: {  	_ =	shalt  }
0x73: {  	_ =	shalt  }
0x74: {  	_ =	shalt  }
0x75: {  	_ =	shalt  }
0x76: {  	_ =	shalt  }
0x77: {  	_ =	shalt  }
0x78: {  	_ =	shalt  }
0x79: {  	_ =	shalt  }
0x7a: {  	_ =	shalt  }
0x7b: {  	_ =	shalt  }
0x7c: {  	_ =	shalt  }
0x7d: {  	_ =	shalt  }
0x7e: {  	_ =	shalt  }
0x7f: {  	_ =	shalt  }
0x80: {  	_ =	shalt  }
0x81: {  	_ =	shalt  }
0x82: {  	_ =	shalt  }
0x83: {  	_ =	shalt  }
0x84: {  	_ =	shalt  }
0x85: {  	_ =	shalt  }
0x86: {  	_ =	shalt  }
0x87: {  	_ =	shalt  }
.Lfunc_end0:
.L_simem_size_0:
called_computation.2_lowered:
.L_overlay_start_0:
0x88: {  	s2 =	sld [smem:$0x3FD9]  }
0x89: {  	s3 =	sld [smem:$0x3FFE];
	_ =	sdelay $0x1  }
0x8a: {  	s1 =	srdreg.scid  }
0x8b: {  	s0 =	sand.u32 $0x1, s1  }
0x8c: {  	s17 =	sshll.u32 s0, $0xA;
	s2 =	sadd.s32 s3, s2  }
0x8d: {  	s2 =	sadd.s32 s2, s17  }
0x8e: {  	[smem:$0x3FBF] =	sst s2  }
0x8f: {  	_ = 	snop  }
0x90: {  	(tm) =	ssettm $0x1  }
0x91: {  	s18 =	sld [smem:$0x3FFB];
	_ =	sdelay $0x3  }
0x92: {  	_ =	strace s18  }
0x93: {  	s2 =	sld [smem:$0x3FFC];
	_ =	sdelay $0x3  }
0x94: {  	_ =	strace s2  }
0x95: {  	s2 =	sld [smem:$0x3FFD];
	_ =	sdelay $0x3  }
0x96: {  	_ =	strace s2  }
0x97: {  	_ =	strace $0x8FFFFFFF  }
0x98: {  	s19 =	sld [smem:$0x3FDB];
	_ =	sdelay $0x1  }
0x99: {  	s20 =	simm.s32 $_scs_section_size  }
0x9a: {  	s4 =	simm.s32 $_size__tile_overlayer_lowered;
	s5 =	simm.s32 $_tile_overlayer_lowered  }
0x9b: {  	s6 =	simm.s32 $0x1BFF;
	s21 =	sshll.u32 s5, $0x1;
	s3 =	sadd.s32 s20, s19  }
0x9c: {  	s22 =	simm.s32 $0x0;
	s4 =	sshll.u32 s4, $0x1;
	s5 =	sadd.s32 s21, s3  }
0x9d: {  	[timem:s22], [sflag:s6] =	dma.local [hbm:s5], s4  }
0x9e: {  	_ =	swait.ge [sflag:s6], s4  }
0x9f: {  	s4 =	ssub.s32 $0x0, s4;
	[sflag:s6] =	ssyncset.done $0x0  }
0xa0: {  	[sflag:s6] =	ssyncadd.s32 s4;
	_ =	sdelay $0x1  }
0xa1: {  	s23 =	simm.s32 $0x1B8B  }
0xa2: {  	_ =	swait.ge [sflag:s23], $0x1  }
0xa3: {  	[sflag:s23] =	ssyncset.done $0x0  }
0xa4: {  	[sflag:s23] =	ssyncadd.s32 $0xFFFFFFFF  }
0xa5: {  	s4 =	sld [smem:$0x0]  }
0xa6: {  	s5 =	sand.u32 $0xFFFFFFFE, s1  }
0xa7: {  	p0 =	sne.s32 s1, s5  }
0xa8: {  	s5 =	sshll.u32 @p0 s5, $0xE  }
0xa9: {  	s5 =	sadd.s32 @p0 $0x11B8D, s5;
	s6 =	sshll.u32 @p0 s4, $0x11  }
0xaa: {  	s5 =	sor.u32 @p0 s6, s5  }
0xab: {  	[sflag:s5] =	ssyncadd.remote.s32 @p0 $0x1;
	_ =	sdelay $0x1  }
0xac: {  	s5 =	simm.s32 @p0 $0x1B8D  }
0xad: {  	_ =	swait.eq @p0 [sflag:s5], $0x1  }
0xae: {  	[sflag:s5] =	ssyncadd.s32 @p0 $0xFFFFFFFF  }
0xaf: {  	s6 =	sshll.u32 @!p0 s1, $0xE  }
0xb0: {  	s6 =	sor.u32 @!p0 $0x4000, s6;
	s5 =	simm.s32 @!p0 $0x1B8D  }
0xb1: {  	s4 =	sshll.u32 @!p0 s4, $0x11;
	s6 =	sadd.s32 @!p0 $0x11B8D, s6;
	_ =	swait.eq @!p0 [sflag:s5], $0x1  }
0xb2: {  	s4 =	sor.u32 @!p0 s4, s6;
	[sflag:s5] =	ssyncadd.s32 @!p0 $0xFFFFFFFF  }
0xb3: {  	s25 =	simm.s32 $0x1B8E;
	s24 =	sld [smem:$0x3FFE];
	[sflag:s4] =	ssyncadd.remote.s32 @!p0 $0x1  }
0xb4: {  	s26 =	simm.s32 $execute0_lowered;
	[smem:$0x3FD2] =	sst s25  }
0xb5: {  	s5 =	sshll.u32 s26, $0x1;
	_ =	strace $0x80000049;
	[dreg:$0x1] =	wrdreg $0xFFFFFFFF  }
0xb6: {  	s28 =	simm.s32 $_size_execute0_lowered;
	s3 =	sadd.s32 s3, s5;
	[dreg:$0x0] =	wrdreg $0x0  }
0xb7: {  	s5 =	sshll.u32 s28, $0x1;
	[dreg:$0x2] =	wrdreg s3  }
0xb8: {  	[dreg:$0x3] =	wrdreg s5  }
0xb9: {  	[dreg:$0x4] =	wrdreg $0xC0  }
0xba: {  	_ =	task [dreg:s22], $0x5FFFF  }
0xbb: {  	[dreg:$0x1] =	wrdreg $0xFFFFFFFF  }
0xbc: {  	[dreg:$0x0] =	wrdreg $0x60  }
0xbd: {  	[dreg:$0x2] =	wrdreg s24  }
0xbe: {  	[dreg:$0x3] =	wrdreg $0x94000  }
0xbf: {  	[dreg:$0x4] =	wrdreg $0x9  }
0xc0: {  	_ =	task.clear_ibuf [dreg:s22], $0x5FFFF;
	_ =	strace $0x90000049  }
0xc1: {  	s29 =	simm.s32 $0x9;
	_ =	strace $0x8000004B  }
0xc2: {  	_ =	swait.ge [sflag:s29], $0x1  }
0xc3: {  	[sflag:s29] =	ssyncadd.s32 $0xFFFFFFFF  }
0xc4: {  	_ =	strace $0x9000004B  }
0xc5: {  	_ =	sfence  }
0xc6: {  	s30 =	sld [smem:$0x0];
	_ =	sdelay $0x2  }
0xc7: {  	s31 =	sshll.u32 s1, $0xD;
	s1 =	sshrl.u32 s1, $0x2  }
0xc8: {  	s4 =	sand.u32 $0x4000, s31;
	s1 =	sadd.s32 s1, s30  }
0xc9: {  	s0 =	sor.u32 s4, s0;
	s1 =	sshll.u32 s1, $0x11  }
0xca: {  	s0 =	sor.u32 s1, s0  }
0xcb: {  	s0 =	sadd.s32 $0x8F2B, s0  }
0xcc: {  	[sflag:s0] =	ssyncadd.remote.s32 $0x1  }
0xcd: {  	_ =	sfence.sel $0xFFFF  }
0xce: {  	[dreg:$0x0] =	wrdreg $0xFFFFFFFF;
	(pc) =	sbr.abs _section_cstart, $3  }
0xcf: {  	[dreg:$0x1] =	wrdreg $0xFFFFFFFF  }
0xd0: {  	_ =	task.clear_ibuf [dreg:s22], $0x2FFFF;
	_ =	strace $0x9FFFFFFF  }
0xd1: {  	(tm) =	ssettm $0x7FFFFFFF  }
tec
execute0_lowered:
.L_overlay_start_1:
0x0: {  	(tag) =	ssettag $0x1  }
0x1: {  	s4 =	rddreg [dreg:$0x0]  }
0x2: {  	s1 =	rddreg [dreg:$0x1]  }
0x3: {  	s2 =	srdreg.scid;
	s0 =	rddreg [dreg:$0x2]  }
0x4: {  	s3 =	simm.s32 $0x0;
	s5 =	sand.u32 $0x1, s2;
	s2 =	stileid.u32  }
0x5: {  	s17 =	simm.s32 $0x1;
	s18 =	simm.s32 $0x2;
	s7 =	smul.u32 $0x2800, s2  }
0x6: {  	s19 =	simm.s32 $0x3;
	s20 =	simm.s32 $0x4;
	s10 =	smul.u32 $0x50000, s2  }
0x7: {  	s21 =	simm.s32 $0x0;
	[smem:$0x7FF] =	sst s3;
	s30 =	smul.u32 $0x140000, s5  }
0x8: {  	s11 =	sadd.s32 $0x2E3600, s4;
	s6 =	sshll.u32 s5, $0x4;
	s13 =	smul.u32 $0xA00000, s5  }
0x9: {  	_ =	strace $0x8000004A;
	s9 =	ssub.s32 $0x2, s5;
	s15 =	smul.u32 $0xA0000, s2  }
0xa: {  	s31 =	sshll.u32 s2, $0x6;
	s16 =	smul.u32 $0x14000, s2;
	s6 =	sor.u32 s2, s6  }
0xb: {  	s28 =	sshrl.u32 s9, $0x1;
	s5 =	sor.u32 $0x1C05, s31;
	s8 =	smul.u32 $0x280, s6  }
0xc: {  	s7 =	sadd.s32 s7, s4;
	s9 =	ssub.s32 s9, s28;
	s29 =	sshrl.u32 s10, $0x2  }
0xd: {  	s6 =	smul.u32 $0xA0000, s6;
	s10 =	sadd.s32 s30, s11;
	s13 =	sadd.s32 s15, s13  }
0xe: {  	s15 =	simm.s32 $0x1400;
	s12 =	sadd.s32 s29, s1;
	s9 =	smax.u32 s9, $0x1  }
0xf: {  	s10 =	sadd.s32 s16, s10;
	s13 =	sshrl.u32 s13, $0x3;
	s16 =	simm.s32 $0x5400  }
0x10: {  	s8 =	sadd.s32 s8, s4;
	s4 =	sadd.s32 $0x36600, s7;
	s6 =	sshrl.u32 s6, $0x3  }
0x11: {  	s10 =	sadd.s32 $0x800, s10;
	s12 =	sshrl.u32 s12, $0x3;
	s14 =	sadd.s32 s11, s6  }
0x12: {  	s6 =	sadd.s32 $0x2DE600, s8;
	s11 =	sadd.s32 s13, s11;
	s13 =	simm.s32 $0x5  }
0x13: {  	s7 =	sadd.s32 $0x13000, s14;
	s8 =	sadd.s32 $0x13800, s14;
	s14 =	simm.s32 $0x80  }
.LBB2_1:
0x14: {  	[spmem:s12], [sflag:s5] =	dma.local [hbm:s4], $0x2800  }
0x15: {  	_ =	swait.ge [sflag:s13], $0x2800  }
0x16: {  	[sflag:s13] =	ssyncset.done $0x0  }
0x17: {  	[sflag:s13] =	ssyncadd.s32 $0xFFFFD800  }
0x18: {  	[tilespmem:s3], [sflag:$0x5] =	stream.linear.gather [hbm4b:s6+s3], $0x1400, $0x38;
	[tilespmem:$0x1D400] =	vst v63  }
0x19: {  	_ =	swait.ge [sflag:s13], $0x1400  }
0x1a: {  	[sflag:s13] =	ssyncset.done $0x0  }
0x1b: {  	[sflag:s13] =	ssyncadd.s32 $0xFFFFEC00  }
0x1c: {  	[bflag:$0x0] =	sbarrier.arrive $0xFFFF  }
0x1d: {  	[tilespmem:s15], [sflag:$0x1] =	stream.indirect.gather [spmem:s1], $0x80, s3, s14, $0xb8;
	[tilespmem:$0x1D400] =	vst v63  }
0x1e: {  	_ = 	snop  }
0x1f: {  	[tilespmem:s16], [sflag:$0x2] =	stream.indirect.gather [spmem:s1], $0x80, s14, s14, $0xb8;
	[tilespmem:$0x1D400] =	vst v63  }
0x20: {  	_ =	swait.ge [sflag:s17], $0x4000  }
0x21: {  	[sflag:s17] =	ssyncset.done $0x0  }
0x22: {  	s22 =	sadd.s32 $0x0, s11;
	[sflag:s17] =	ssyncadd.s32 $0xFFFFC000  }
0x23: {  	[hbm4b:s22+s3] =	stream.linear.scatter [tilespmem:s15], [sflag:$0x3], $0x4000, $0x38;
	[tilespmem:$0x1D400] =	vst v63  }
0x24: {  	_ =	swait.ge [sflag:s18], $0x4000  }
0x25: {  	[sflag:s18] =	ssyncset.done $0x0  }
0x26: {  	s30 =	sadd.s32 $0x0, s10;
	[sflag:s18] =	ssyncadd.s32 $0xFFFFC000  }
0x27: {  	[hbm4b:s30+s3] =	stream.linear.scatter [tilespmem:s16], [sflag:$0x4], $0x4000, $0x38;
	[tilespmem:$0x1D400] =	vst v63  }
0x28: {  	_ =	swait.ge [sflag:s19], $0x4000  }
0x29: {  	[sflag:s19] =	ssyncset.done $0x0  }
0x2a: {  	s31 =	simm.s32 $0x100;
	[sflag:s19] =	ssyncadd.s32 $0xFFFFC000  }
0x2b: {  	[tilespmem:s15], [sflag:$0x1] =	stream.indirect.gather [spmem:s1], $0x80, s31, s14, $0xb8;
	[tilespmem:$0x1D400] =	vst v63  }
0x2c: {  	_ =	swait.ge [sflag:s20], $0x4000  }
0x2d: {  	s23 =	simm.s32 $0x1000;
	[sflag:s20] =	ssyncset.done $0x0  }
0x2e: {  	s24 =	simm.s32 $0x280;
	s22 =	simm.s32 $0x180;
	[sflag:s20] =	ssyncadd.s32 $0xFFFFC000  }
.LBB2_2:
0x2f: {  	[tilespmem:s16], [sflag:$0x2] =	stream.indirect.gather [spmem:s1], $0x80, s22, s14, $0xb8;
	[tilespmem:$0x1D400] =	vst v63  }
0x30: {  	s25 =	smov.u32 s23;
	s22 =	smov.u32 s24  }
0x31: {  	p0 =	sne.s32 s23, $0x12000;
	s23 =	sadd.s32 $0x1000, s23;
	_ =	swait.ge [sflag:s17], $0x4000  }
0x32: {  	[sflag:s17] =	ssyncset.done $0x0  }
0x33: {  	s26 =	sadd.s32 s25, s11;
	[sflag:s17] =	ssyncadd.s32 $0xFFFFC000  }
0x34: {  	[hbm4b:s26+s3] =	stream.linear.scatter [tilespmem:s15], [sflag:$0x3], $0x4000, $0x38;
	[tilespmem:$0x1D400] =	vst v63  }
0x35: {  	_ =	swait.ge [sflag:s18], $0x4000  }
0x36: {  	[sflag:s18] =	ssyncset.done $0x0  }
0x37: {  	s25 =	sadd.s32 s25, s10;
	[sflag:s18] =	ssyncadd.s32 $0xFFFFC000  }
0x38: {  	[hbm4b:s25+s3] =	stream.linear.scatter [tilespmem:s16], [sflag:$0x4], $0x4000, $0x38;
	[tilespmem:$0x1D400] =	vst v63  }
0x39: {  	_ =	swait.ge [sflag:s19], $0x4000  }
0x3a: {  	[sflag:s19] =	ssyncset.done $0x0  }
.Ltmp0:
0x3b: {  	s25 =	sadd.s32 $0xFFFFFF80, s24;
	[sflag:s19] =	ssyncadd.s32 $0xFFFFC000;
	(pc) =	sbr.rel @p0 .LBB2_2-.Ltmp0, $4  }
0x3c: {  	[tilespmem:s15], [sflag:$0x1] =	stream.indirect.gather [spmem:s1], $0x80, s25, s14, $0xb8;
	[tilespmem:$0x1D400] =	vst v63  }
0x3d: {  	_ =	swait.ge [sflag:s20], $0x4000  }
0x3e: {  	[sflag:s20] =	ssyncset.done $0x0  }
0x3f: {  	s24 =	sadd.s32 $0x100, s24;
	[sflag:s20] =	ssyncadd.s32 $0xFFFFC000  }
0x40: {  	[tilespmem:s16], [sflag:$0x2] =	stream.indirect.gather [spmem:s1], $0x80, s22, s14, $0xb8;
	[tilespmem:$0x1D400] =	vst v63  }
0x41: {  	_ =	swait.ge [sflag:s17], $0x4000  }
0x42: {  	[sflag:s17] =	ssyncset.done $0x0  }
0x43: {  	[sflag:s17] =	ssyncadd.s32 $0xFFFFC000  }
0x44: {  	[hbm4b:s7+s3] =	stream.linear.scatter [tilespmem:s15], [sflag:$0x3], $0x4000, $0x38;
	[tilespmem:$0x1D400] =	vst v63  }
0x45: {  	_ =	swait.ge [sflag:s18], $0x4000  }
0x46: {  	[sflag:s18] =	ssyncset.done $0x0  }
0x47: {  	s21 =	sadd.s32 $0x1, s21;
	[sflag:s18] =	ssyncadd.s32 $0xFFFFC000  }
0x48: {  	[hbm4b:s8+s3] =	stream.linear.scatter [tilespmem:s16], [sflag:$0x4], $0x4000, $0x38;
	[tilespmem:$0x1D400] =	vst v63  }
0x49: {  	p0 =	sne.s32 s21, s9;
	_ =	swait.ge [sflag:s19], $0x4000  }
.Ltmp1:
0x4a: {  	[sflag:s19] =	ssyncset.done $0x0;
	(pc) =	sbr.rel @p0 .LBB2_1-.Ltmp1, $4  }
0x4b: {  	[sflag:s19] =	ssyncadd.s32 $0xFFFFC000  }
0x4c: {  	_ =	swait.ge [sflag:s20], $0x4000  }
0x4d: {  	[sflag:s20] =	ssyncset.done $0x0  }
0x4e: {  	[sflag:s20] =	ssyncadd.s32 $0xFFFFC000  }
0x4f: {  	_ =	sfence.sel $0x180000  }
0x50: {  	[bflag:$0x0] =	sbarrier.arrive $0xFFFF  }
0x51: {  	p0 =	sne.s32 s2, $0x0;
	_ =	strace $0x9000004A  }
0x52: {  	s0 =	sadd.s32 @!p0 $0x100000, s0;
	[bflag:$0x2] =	sbarrier.arrive $0xFFFF  }
0x53: {  	[sflag:s0] =	ssyncadd.tile.s32 @!p0 $0x1;
	_ =	shalt  }
.Lfunc_end2:
_tile_overlayer_lowered:
.L_overlay_start_2:
0x54: {  	(tag) =	ssettag $0x2  }
0x55: {  	s0 =	rddreg [dreg:$0x0];
	s2 =	stileid.u32  }
0x56: {  	s1 =	rddreg [dreg:$0x1];
	p0 =	sne.s32 s2, $0x0  }
0x57: {  	s3 =	rddreg [dreg:$0x2];
	[bflag:$0x3] =	sbarrier.arrive $0xFFFF;
	s2 =	simm.s32 @!p0 $0x1C05  }
0x58: {  	[timem:s3], [sflag:s2] =	dma.local @!p0 [hbm:s0], s1  }
0x59: {  	s0 =	simm.s32 @!p0 $0x5  }
0x5a: {  	_ =	swait.ge @!p0 [sflag:s0], s1  }
0x5b: {  	s1 =	ssub.s32 @!p0 $0x0, s1;
	[sflag:s0] =	ssyncset.done @!p0 $0x0  }
0x5c: {  	[sflag:s0] =	ssyncadd.s32 @!p0 s1  }
0x5d: {  	[bflag:$0x3] =	sbarrier.arrive $0xFFFF  }
0x5e: {  	_ =	shalt  }

// kernel: kernel.19.cloned.1.call-start
scs
__scs_entry_jumppad:
0x0: {  	(pc) =	sbr.rel $0x88, $3  }
0x1: {  	(tag) =	ssettag $0x0;
	lr =	simm.s32 $0x1  }
0x2: {  	[smem:$0x3F98] =	sst lr;
	_ =	strace $0xD0000000  }
0x3: {  	_ = 	snop  }
0x4: {  	_ = 	snop  }
0x5: {  	_ = 	snop  }
0x6: {  	_ = 	snop  }
0x7: {  	_ = 	snop  }
__scs_overlays_trampoline_lowered:
0x8: {  	[smem:$0x3FA7] =	sst s0  }
0x9: {  	[smem:$0x3FA8] =	sst s1  }
0xa: {  	[smem:$0x3FA9] =	sst s2  }
0xb: {  	[smem:$0x3FAA] =	sst s3  }
0xc: {  	[smem:$0x3FAB] =	sst s4  }
0xd: {  	[smem:$0x3FAC] =	sst s5  }
0xe: {  	[smem:$0x3FAD] =	sst s6  }
0xf: {  	[smem:$0x3FAE] =	sst s7  }
0x10: {  	[smem:$0x3FAF] =	sst s8  }
0x11: {  	[smem:$0x3FB0] =	sst s9;
	s0 =	simm.s32 @!p0 $0x0  }
0x12: {  	s1 =	sld [smem:$0x3F96];
	s0 =	simm.s32 @p0 $0x1  }
0x13: {  	[smem:$0x3FB1] =	sst s0;
	s0 =	simm.s32 @!p1 $0x0  }
0x14: {  	s2 =	sld [smem:$0x3F95];
	s0 =	simm.s32 @p1 $0x1  }
0x15: {  	[smem:$0x3FB2] =	sst s0;
	s0 =	simm.s32 @!p2 $0x0  }
0x16: {  	s3 =	sld [smem:$0x3FDB];
	s0 =	simm.s32 @p2 $0x1  }
0x17: {  	s4 =	simm.s32 $0x1BF5;
	[smem:$0x3FB4] =	sst s0  }
0x18: {  	s0 =	sld [smem:$0x3F97];
	_ =	swait.ge [sflag:s4], $0x0  }
0x19: {  	s7 =	sld [smem:$0x3F98]  }
0x1a: {  	s8 =	sadd.s32 $0xFFFFE003, lr  }
0x1b: {  	s9 =	sadd.s32 $0xFFFFFEF7, lr;
	s5 =	simm.s32 $0xFFFFFFFF;
	p2 =	slt.u32 s8, $0xFFFFF086  }
0x1c: {  	p1 =	slt.u32 s9, $0xF7A;
	s5 =	simm.s32 @!p2 $0x0  }
0x1d: {  	s5 =	simm.s32 @p1 $0x1;
	p0 =	seq.s32 s7, s2  }
0x1e: {  	s7 =	smul.u32 @!p0 $0xF7A, s2;
	p2 =	seq.s32 @!p0 s5, $0x0  }
0x1f: {  	s9 =	smul.u32 $0xF7A, s1;
	s8 =	simm.s32 @!p0 $0x1BF5;
	p2 =	por !p2, p0  }
0x20: {  	[sflag:s8] =	ssyncset.s32 @!p0 $0xFFFFF086;
	s6 =	sadd.s32 @!p0 s3, s7;
	s7 =	simm.s32 @!p0 $0x108  }
0x21: {  	s3 =	sadd.s32 s3, s9;
	s6 =	sadd.s32 @!p0 $0x88, s6;
	s7 =	simm.s32 @p2 $0x1082  }
0x22: {  	[simem:s7], [sflag:s8] =	dma.local @!p0 [hbm:s6], $0xF7A  }
0x23: {  	s9 =	sor.u32 $0xD0000000, s2;
	s6 =	simm.s32 $0x108;
	_ =	swait.ge @!p0 [sflag:s8], $0x0  }
0x24: {  	s3 =	sadd.s32 $0x88, s3;
	s6 =	simm.s32 @!p1 $0x1082;
	[sflag:s4] =	ssyncset.s32 $0xFFFFF086  }
0x25: {  	[simem:s6], [sflag:s4] =	dma.local [hbm:s3], $0xF7A  }
0x26: {  	[smem:$0x3F98] =	sst s1;
	(tag) =	ssettag s2;
	_ =	strace s9  }
0x27: {  	s1 =	sld [smem:$0x3FA8]  }
0x28: {  	s2 =	sld [smem:$0x3FA9]  }
0x29: {  	s4 =	sld [smem:$0x3FAB]  }
0x2a: {  	p0 =	seq.s32 s5, $0x0;
	s5 =	sld [smem:$0x3FAC]  }
0x2b: {  	s6 =	sld [smem:$0x3FAD]  }
0x2c: {  	s7 =	sld [smem:$0x3FAE]  }
0x2d: {  	s3 =	simm.s32 $0x108;
	s8 =	sld [smem:$0x3FAF]  }
0x2e: {  	s3 =	simm.s32 @!p0 $0x1082;
	s9 =	sld [smem:$0x3FB0]  }
0x2f: {  	lr =	sadd.s32 s0, s3;
	s0 =	sld [smem:$0x3FA7]  }
0x30: {  	s3 =	sld [smem:$0x3FAA]  }
0x31: {  	[smem:$0x3FB3] =	sst s10  }
0x32: {  	s10 =	sld [smem:$0x3FB1];
	_ =	sdelay $0x3  }
0x33: {  	p0 =	seq.s32 s10, $0x1;
	s10 =	sld [smem:$0x3FB3];
	_ =	sdelay $0x3  }
0x34: {  	[smem:$0x3FB3] =	sst s10  }
0x35: {  	s10 =	sld [smem:$0x3FB2];
	_ =	sdelay $0x3  }
0x36: {  	p1 =	seq.s32 s10, $0x1;
	s10 =	sld [smem:$0x3FB3];
	_ =	sdelay $0x3  }
0x37: {  	[smem:$0x3FB3] =	sst s10  }
0x38: {  	s10 =	sld [smem:$0x3FB4]  }
0x39: {  	_ = 	snop;
	(pc) =	sbr.ind lr, $3  }
0x3a: {  	_ = 	snop  }
0x3b: {  	_ = 	snop  }
0x3c: {  	p2 =	seq.s32 s10, $0x1;
	s10 =	sld [smem:$0x3FB3]  }
0x3d: {  	_ =	shalt  }
0x3e: {  	_ =	shalt  }
0x3f: {  	_ =	shalt  }
0x40: {  	_ =	shalt  }
0x41: {  	_ =	shalt  }
0x42: {  	_ =	shalt  }
0x43: {  	_ =	shalt  }
0x44: {  	_ =	shalt  }
0x45: {  	_ =	shalt  }
0x46: {  	_ =	shalt  }
0x47: {  	_ =	shalt  }
0x48: {  	_ =	shalt  }
0x49: {  	_ =	shalt  }
0x4a: {  	_ =	shalt  }
0x4b: {  	_ =	shalt  }
0x4c: {  	_ =	shalt  }
0x4d: {  	_ =	shalt  }
0x4e: {  	_ =	shalt  }
0x4f: {  	_ =	shalt  }
0x50: {  	_ =	shalt  }
0x51: {  	_ =	shalt  }
0x52: {  	_ =	shalt  }
0x53: {  	_ =	shalt  }
0x54: {  	_ =	shalt  }
0x55: {  	_ =	shalt  }
0x56: {  	_ =	shalt  }
0x57: {  	_ =	shalt  }
0x58: {  	_ =	shalt  }
0x59: {  	_ =	shalt  }
0x5a: {  	_ =	shalt  }
0x5b: {  	_ =	shalt  }
0x5c: {  	_ =	shalt  }
0x5d: {  	_ =	shalt  }
0x5e: {  	_ =	shalt  }
0x5f: {  	_ =	shalt  }
0x60: {  	_ =	shalt  }
0x61: {  	_ =	shalt  }
0x62: {  	_ =	shalt  }
0x63: {  	_ =	shalt  }
0x64: {  	_ =	shalt  }
0x65: {  	_ =	shalt  }
0x66: {  	_ =	shalt  }
0x67: {  	_ =	shalt  }
0x68: {  	_ =	shalt  }
0x69: {  	_ =	shalt  }
0x6a: {  	_ =	shalt  }
0x6b: {  	_ =	shalt  }
0x6c: {  	_ =	shalt  }
0x6d: {  	_ =	shalt  }
0x6e: {  	_ =	shalt  }
0x6f: {  	_ =	shalt  }
0x70: {  	_ =	shalt  }
0x71: {  	_ =	shalt  }
0x72: {  	_ =	shalt  }
0x73: {  	_ =	shalt  }
0x74: {  	_ =	shalt  }
0x75: {  	_ =	shalt  }
0x76: {  	_ =	shalt  }
0x77: {  	_ =	shalt  }
0x78: {  	_ =	shalt  }
0x79: {  	_ =	shalt  }
0x7a: {  	_ =	shalt  }
0x7b: {  	_ =	shalt  }
0x7c: {  	_ =	shalt  }
0x7d: {  	_ =	shalt  }
0x7e: {  	_ =	shalt  }
0x7f: {  	_ =	shalt  }
0x80: {  	_ =	shalt  }
0x81: {  	_ =	shalt  }
0x82: {  	_ =	shalt  }
0x83: {  	_ =	shalt  }
0x84: {  	_ =	shalt  }
0x85: {  	_ =	shalt  }
0x86: {  	_ =	shalt  }
0x87: {  	_ =	shalt  }
.Lfunc_end0:
.L_simem_size_0:
called_computation.3_lowered:
.L_overlay_start_0:
0x88: {  	s2 =	sld [smem:$0x3FD9]  }
0x89: {  	s3 =	sld [smem:$0x3FFE];
	_ =	sdelay $0x1  }
0x8a: {  	s1 =	srdreg.scid  }
0x8b: {  	s0 =	sand.u32 $0x1, s1  }
0x8c: {  	s17 =	sshll.u32 s0, $0xA;
	s2 =	sadd.s32 s3, s2  }
0x8d: {  	s2 =	sadd.s32 s2, s17  }
0x8e: {  	[smem:$0x3FBF] =	sst s2  }
0x8f: {  	_ = 	snop  }
0x90: {  	s2 =	sld [smem:$0x3FD0];
	(tm) =	ssettm $0x1  }
0x91: {  	s18 =	sld [smem:$0x3FFB];
	_ =	sdelay $0x3  }
0x92: {  	_ =	strace s18  }
0x93: {  	s3 =	sld [smem:$0x3FFC];
	_ =	sdelay $0x3  }
0x94: {  	_ =	strace s3  }
0x95: {  	s3 =	sld [smem:$0x3FFD];
	_ =	sdelay $0x3  }
0x96: {  	_ =	strace s3  }
0x97: {  	_ =	strace $0x8FFFFFFF  }
0x98: {  	s19 =	sld [smem:$0x3FDB];
	_ =	sdelay $0x1  }
0x99: {  	s4 =	simm.s32 $_scs_section_size  }
0x9a: {  	s5 =	simm.s32 $_size__tile_overlayer_lowered;
	s6 =	simm.s32 $_tile_overlayer_lowered  }
0x9b: {  	s22 =	simm.s32 $0x1BFF;
	s21 =	sshll.u32 s6, $0x1;
	s3 =	sadd.s32 s4, s19  }
0x9c: {  	s7 =	simm.s32 $0x0;
	s20 =	sshll.u32 s5, $0x1;
	s5 =	sadd.s32 s21, s3  }
0x9d: {  	[timem:s7], [sflag:s22] =	dma.local [hbm:s5], s20  }
0x9e: {  	_ =	swait.ge [sflag:s22], s20  }
0x9f: {  	s4 =	ssub.s32 $0x0, s20;
	[sflag:s22] =	ssyncset.done $0x0  }
0xa0: {  	[sflag:s22] =	ssyncadd.s32 s4;
	_ =	sdelay $0x1  }
0xa1: {  	s23 =	simm.s32 $0x1B8B  }
0xa2: {  	_ =	swait.ge [sflag:s23], $0x1  }
0xa3: {  	[sflag:s23] =	ssyncset.done $0x0  }
0xa4: {  	s25 =	simm.s32 $0x1B8E;
	s24 =	sld [smem:$0x3FFE];
	[sflag:s23] =	ssyncadd.s32 $0xFFFFFFFF  }
0xa5: {  	s26 =	simm.s32 $execute0_lowered;
	[smem:$0x3FD2] =	sst s25  }
0xa6: {  	s5 =	sshll.u32 s26, $0x1;
	_ =	strace $0x8000004F;
	[dreg:$0x1] =	wrdreg $0xFFFFFFFF  }
0xa7: {  	s28 =	simm.s32 $_size_execute0_lowered;
	s3 =	sadd.s32 s3, s5;
	[dreg:$0x0] =	wrdreg $0x0  }
0xa8: {  	s5 =	sshll.u32 s28, $0x1;
	[dreg:$0x2] =	wrdreg s3  }
0xa9: {  	[dreg:$0x3] =	wrdreg s5  }
0xaa: {  	[dreg:$0x4] =	wrdreg $0xC0  }
0xab: {  	_ =	task [dreg:s7], $0x5FFFF  }
0xac: {  	[dreg:$0x1] =	wrdreg $0xFFFFFFFF  }
0xad: {  	[dreg:$0x0] =	wrdreg $0x60  }
0xae: {  	[dreg:$0x2] =	wrdreg s24  }
0xaf: {  	[dreg:$0x3] =	wrdreg s2  }
0xb0: {  	[dreg:$0x4] =	wrdreg $0x94800  }
0xb1: {  	[dreg:$0x5] =	wrdreg $0x1D4800  }
0xb2: {  	[dreg:$0x6] =	wrdreg $0x9  }
0xb3: {  	_ =	task.clear_ibuf [dreg:s7], $0x7FFFF;
	_ =	strace $0x9000004F  }
0xb4: {  	s29 =	simm.s32 $0x9;
	_ =	strace $0x80000051  }
0xb5: {  	_ =	swait.ge [sflag:s29], $0x1  }
0xb6: {  	[sflag:s29] =	ssyncadd.s32 $0xFFFFFFFF  }
0xb7: {  	_ =	strace $0x90000051  }
0xb8: {  	_ =	sfence  }
0xb9: {  	s30 =	sld [smem:$0x0];
	_ =	sdelay $0x2  }
0xba: {  	s31 =	sshll.u32 s1, $0xD;
	s1 =	sshrl.u32 s1, $0x2  }
0xbb: {  	s3 =	sand.u32 $0x4000, s31;
	s1 =	sadd.s32 s1, s30  }
0xbc: {  	s0 =	sor.u32 s3, s0;
	s1 =	sshll.u32 s1, $0x11  }
0xbd: {  	s0 =	sor.u32 s1, s0  }
0xbe: {  	s0 =	sadd.s32 $0x8F2B, s0  }
0xbf: {  	[sflag:s0] =	ssyncadd.remote.s32 $0x1  }
0xc0: {  	_ =	sfence.sel $0xFFFF  }
0xc1: {  	[dreg:$0x0] =	wrdreg $0xFFFFFFFF;
	(pc) =	sbr.abs _section_cstart, $3  }
0xc2: {  	[dreg:$0x1] =	wrdreg $0xFFFFFFFF  }
0xc3: {  	_ =	task.clear_ibuf [dreg:s7], $0x2FFFF;
	_ =	strace $0x9FFFFFFF  }
0xc4: {  	(tm) =	ssettm $0x7FFFFFFF  }
0xc5: {  	_ =	shalt  }
tec
execute0_lowered:
.L_overlay_start_1:
0x0: {  	(tag) =	ssettag $0x1  }
0x1: {  	s0 =	rddreg [dreg:$0x0]  }
0x2: {  	s1 =	rddreg [dreg:$0x1];
	s3 =	srdreg.scid  }
0x3: {  	s2 =	rddreg [dreg:$0x2];
	s17 =	stileid.u32;
	s4 =	simm.s32 $0x0  }
0x4: {  	s28 =	simm.s32 $0x3;
	s29 =	simm.s32 $0x5;
	s7 =	smul.u32 $0x14000, s17  }
0x5: {  	s30 =	simm.s32 $0x4;
	s31 =	simm.s32 $0x6;
	s13 =	smul.u32 $0x500, s17  }
0x6: {  	s5 =	sand.u32 $0x1, s3;
	s3 =	rddreg [dreg:$0x3];
	s11 =	smul.u32 $0x50000, s17  }
0x7: {  	[smem:$0x7FF] =	sst s4;
	s10 =	sadd.s32 $0x7E3600, s0;
	s21 =	smul.u32 $0xA0000, s17  }
0x8: {  	s19 =	sshll.u32 s17, $0x6;
	s6 =	smul.u32 $0x140000, s5;
	_ =	strace $0x80000050  }
0x9: {  	s9 =	sshll.u32 s5, $0x7;
	s14 =	sshll.u32 s5, $0x4;
	s12 =	ssub.s32 $0x2, s5  }
0xa: {  	s5 =	smul.u32 $0xA00000, s5;
	s15 =	sshrl.u32 s12, $0x1;
	s16 =	sshrl.u32 s11, $0x2  }
0xb: {  	s7 =	sadd.s32 s7, s6;
	s6 =	sor.u32 s9, s13;
	s9 =	sor.u32 s17, s14  }
0xc: {  	s13 =	smul.u32 $0xA00, s17;
	s15 =	ssub.s32 s12, s15;
	s16 =	sadd.s32 s16, s2  }
0xd: {  	s23 =	sadd.s32 s21, s5;
	s17 =	simm.s32 $0x7;
	s21 =	simm.s32 $0x20  }
0xe: {  	s5 =	simm.s32 $0x0;
	s8 =	sshrl.u32 s7, $0x3;
	s14 =	smul.u32 $0x280, s9  }
0xf: {  	s6 =	sshrl.u32 s6, $0x3;
	s9 =	smul.u32 $0x14000, s9;
	s26 =	sadd.s32 s10, s7  }
0x10: {  	s16 =	sshrl.u32 s16, $0x3;
	s8 =	sadd.s32 s8, s0;
	s0 =	sadd.s32 s6, s0  }
0x11: {  	s20 =	sshrl.u32 s13, $0x2;
	s6 =	sor.u32 $0x1C07, s19;
	s13 =	smax.u32 s15, $0x1  }
0x12: {  	s19 =	simm.s32 $0x1;
	s18 =	sadd.s32 $0xAE600, s8;
	s22 =	sadd.s32 $0x5000, s0  }
0x13: {  	s1 =	sadd.s32 s1, s14;
	s9 =	sadd.s32 s10, s9;
	s25 =	sadd.s32 $0x36600, s8  }
0x14: {  	s12 =	sadd.s32 $0x4600, s0;
	s14 =	sadd.s32 $0x1800, s26;
	[dreg:$0x5] =	wrdreg s18  }
0x15: {  	s26 =	simm.s32 $0x2;
	s0 =	simm.s32 $0x1380;
	[dreg:$0x6] =	wrdreg s22  }
0x16: {  	s18 =	sadd.s32 s20, s3;
	[dreg:$0x7] =	wrdreg s1;
	s24 =	sadd.s32 $0x800, s9  }
0x17: {  	[dreg:$0x9] =	wrdreg s25;
	s1 =	sor.u32 $0x8000, s23;
	s20 =	simm.s32 $0x10  }
0x18: {  	s22 =	simm.s32 $0x1400;
	s23 =	simm.s32 $0x5400;
	s25 =	simm.s32 $0x9400  }
0x19: {  	[dreg:$0x8] =	wrdreg s24;
	s1 =	sshrl.u32 s1, $0x3;
	s18 =	sshrl.u32 s18, $0x3  }
0x1a: {  	v0 =	vimm.f32 $1.000000000e+00;
	s24 =	simm.s32 $0x80;
	s15 =	sadd.s32 s1, s10;
	s1 =	simm.s32 $0x1300  }
.LBB2_1:
0x1b: {  	s7 =	rddreg [dreg:$0x5]  }
0x1c: {  	[spmem:s16], [sflag:s6] =	dma.local [hbm:s7], $0x2800  }
0x1d: {  	_ =	swait.ge [sflag:s17], $0x2800  }
0x1e: {  	[sflag:s17] =	ssyncset.done $0x0  }
0x1f: {  	s10 =	rddreg [dreg:$0x6];
	[sflag:s17] =	ssyncadd.s32 $0xFFFFD800  }
0x20: {  	[spmem:s18@s20], [sflag:s6] =	dma.strided [hbm:s10@s21], $0x50, s19, $0x10   }
0x21: {  	_ =	swait.ge [sflag:s17], $0x50  }
0x22: {  	[sflag:s17] =	ssyncset.done $0x0  }
0x23: {  	[sflag:s17] =	ssyncadd.s32 $0xFFFFFFB0  }
0x24: {  	[tilespmem:$0x9400] =	vst v0  }
0x25: {  	[tilespmem:$0x9410] =	vst v0  }
0x26: {  	[tilespmem:$0x9420] =	vst v0  }
0x27: {  	[tilespmem:$0x9430] =	vst v0  }
0x28: {  	[tilespmem:$0x9440] =	vst v0  }
0x29: {  	[tilespmem:$0x9450] =	vst v0  }
0x2a: {  	[tilespmem:$0x9460] =	vst v0  }
0x2b: {  	s11 =	rddreg [dreg:$0x7];
	[tilespmem:$0x9470] =	vst v0  }
0x2c: {  	[tilespmem:s4], [sflag:$0x7] =	stream.linear.gather [hbm4b:s11+s4], $0x1400, $0x38;
	[tilespmem:$0x1D700] =	vst v63  }
0x2d: {  	_ =	swait.ge [sflag:s17], $0x1400  }
0x2e: {  	[sflag:s17] =	ssyncset.done $0x0  }
0x2f: {  	[sflag:s17] =	ssyncadd.s32 $0xFFFFEC00  }
0x30: {  	[bflag:$0x0] =	sbarrier.arrive $0xFFFF  }
0x31: {  	[tilespmem:s22], [sflag:$0x1] =	stream.linear.gather [hbm4b:s9+s4], $0x4000, $0x38;
	[tilespmem:$0x1D700] =	vst v63  }
0x32: {  	s8 =	rddreg [dreg:$0x8]  }
0x33: {  	[tilespmem:s23], [sflag:$0x2] =	stream.linear.gather [hbm4b:s8+s4], $0x4000, $0x38;
	[tilespmem:$0x1D700] =	vst v63  }
0x34: {  	_ =	swait.ge [sflag:s19], $0x4000  }
0x35: {  	[sflag:s19] =	ssyncset.done $0x0  }
0x36: {  	s10 =	simm.s32 $0x0;
	[sflag:s19] =	ssyncadd.s32 $0xFFFFC000  }
0x37: {  	[spmem:s2] =	stream.indirect.scatter.add.f32 [tilespmem:s22], [sflag:$0x3], $0x80, s10, s24, $0xb8;
	[tilespmem:$0x1D700] =	vst v63  }
0x38: {  	_ = 	snop  }
0x39: {  	[spmem:s3] =	stream.indirect.scatter.add.f32 [tilespmem:s25], [sflag:$0x5], $0x1, s10, s24, $0xb8;
	[tilespmem:$0x1D700] =	vst v63  }
0x3a: {  	_ =	swait.ge [sflag:s26], $0x4000  }
0x3b: {  	[sflag:s26] =	ssyncset.done $0x0  }
0x3c: {  	[sflag:s26] =	ssyncadd.s32 $0xFFFFC000  }
0x3d: {  	[spmem:s2] =	stream.indirect.scatter.add.f32 [tilespmem:s23], [sflag:$0x4], $0x80, s24, s24, $0xb8;
	[tilespmem:$0x1D700] =	vst v63  }
0x3e: {  	_ = 	snop  }
0x3f: {  	[spmem:s3] =	stream.indirect.scatter.add.f32 [tilespmem:s25], [sflag:$0x6], $0x1, s24, s24, $0xb8;
	[tilespmem:$0x1D700] =	vst v63  }
0x40: {  	_ =	swait.ge [sflag:s28], $0x4000  }
0x41: {  	[sflag:s28] =	ssyncset.done $0x0  }
0x42: {  	[sflag:s28] =	ssyncadd.s32 $0xFFFFC000  }
0x43: {  	_ =	swait.ge [sflag:s29], $0x80  }
0x44: {  	[sflag:s29] =	ssyncset.done $0x0  }
0x45: {  	s11 =	sadd.s32 $0x0, s15;
	[sflag:s29] =	ssyncadd.s32 $0xFFFFFF80  }
0x46: {  	[tilespmem:s22], [sflag:$0x1] =	stream.linear.gather [hbm4b:s11+s4], $0x4000, $0x38;
	[tilespmem:$0x1D700] =	vst v63  }
0x47: {  	_ =	swait.ge [sflag:s30], $0x4000  }
0x48: {  	[sflag:s30] =	ssyncset.done $0x0  }
0x49: {  	[sflag:s30] =	ssyncadd.s32 $0xFFFFC000  }
0x4a: {  	_ =	swait.ge [sflag:s31], $0x80  }
0x4b: {  	s7 =	simm.s32 $0x1000;
	[sflag:s31] =	ssyncset.done $0x0  }
0x4c: {  	s8 =	simm.s32 $0x180;
	s10 =	sadd.s32 $0x0, s14;
	[sflag:s31] =	ssyncadd.s32 $0xFFFFFF80  }
.LBB2_2:
0x4d: {  	[tilespmem:s23], [sflag:$0x2] =	stream.linear.gather [hbm4b:s10+s4], $0x4000, $0x38;
	[tilespmem:$0x1D700] =	vst v63  }
0x4e: {  	s10 =	smov.u32 s7  }
0x4f: {  	p0 =	sne.s32 s7, $0x12000;
	s7 =	sadd.s32 $0x1000, s7;
	_ =	swait.ge [sflag:s19], $0x4000  }
0x50: {  	[sflag:s19] =	ssyncset.done $0x0  }
0x51: {  	s11 =	sadd.s32 $0xFFFFFF80, s8;
	[sflag:s19] =	ssyncadd.s32 $0xFFFFC000  }
0x52: {  	[spmem:s2] =	stream.indirect.scatter.add.f32 [tilespmem:s22], [sflag:$0x3], $0x80, s11, s24, $0xb8;
	[tilespmem:$0x1D700] =	vst v63  }
0x53: {  	_ = 	snop  }
0x54: {  	[spmem:s3] =	stream.indirect.scatter.add.f32 [tilespmem:s25], [sflag:$0x5], $0x1, s11, s24, $0xb8;
	[tilespmem:$0x1D700] =	vst v63  }
0x55: {  	_ =	swait.ge [sflag:s26], $0x4000  }
0x56: {  	[sflag:s26] =	ssyncset.done $0x0  }
0x57: {  	[sflag:s26] =	ssyncadd.s32 $0xFFFFC000  }
0x58: {  	[spmem:s2] =	stream.indirect.scatter.add.f32 [tilespmem:s23], [sflag:$0x4], $0x80, s8, s24, $0xb8;
	[tilespmem:$0x1D700] =	vst v63  }
0x59: {  	_ = 	snop  }
0x5a: {  	[spmem:s3] =	stream.indirect.scatter.add.f32 [tilespmem:s25], [sflag:$0x6], $0x1, s8, s24, $0xb8;
	[tilespmem:$0x1D700] =	vst v63  }
0x5b: {  	_ =	swait.ge [sflag:s28], $0x4000  }
0x5c: {  	[sflag:s28] =	ssyncset.done $0x0  }
0x5d: {  	[sflag:s28] =	ssyncadd.s32 $0xFFFFC000  }
0x5e: {  	_ =	swait.ge [sflag:s29], $0x80  }
0x5f: {  	[sflag:s29] =	ssyncset.done $0x0  }
0x60: {  	s11 =	sadd.s32 s10, s15;
	[sflag:s29] =	ssyncadd.s32 $0xFFFFFF80  }
0x61: {  	[tilespmem:s22], [sflag:$0x1] =	stream.linear.gather [hbm4b:s11+s4], $0x4000, $0x38;
	[tilespmem:$0x1D700] =	vst v63  }
0x62: {  	_ =	swait.ge [sflag:s30], $0x4000  }
.Ltmp0:
0x63: {  	[sflag:s30] =	ssyncset.done $0x0;
	(pc) =	sbr.rel @p0 .LBB2_2-.Ltmp0, $4  }
0x64: {  	[sflag:s30] =	ssyncadd.s32 $0xFFFFC000  }
0x65: {  	_ =	swait.ge [sflag:s31], $0x80  }
0x66: {  	[sflag:s31] =	ssyncset.done $0x0  }
0x67: {  	s10 =	sadd.s32 s10, s14;
	s8 =	sadd.s32 $0x100, s8;
	[sflag:s31] =	ssyncadd.s32 $0xFFFFFF80  }
0x68: {  	[tilespmem:s23], [sflag:$0x2] =	stream.linear.gather [hbm4b:s10+s4], $0x4000, $0x38;
	[tilespmem:$0x1D700] =	vst v63  }
0x69: {  	_ =	swait.ge [sflag:s19], $0x4000  }
0x6a: {  	[sflag:s19] =	ssyncset.done $0x0  }
0x6b: {  	[sflag:s19] =	ssyncadd.s32 $0xFFFFC000  }
0x6c: {  	[spmem:s2] =	stream.indirect.scatter.add.f32 [tilespmem:s22], [sflag:$0x3], $0x80, s1, s24, $0xb8;
	[tilespmem:$0x1D700] =	vst v63  }
0x6d: {  	_ = 	snop  }
0x6e: {  	[spmem:s3] =	stream.indirect.scatter.add.f32 [tilespmem:s25], [sflag:$0x5], $0x1, s1, s24, $0xb8;
	[tilespmem:$0x1D700] =	vst v63  }
0x6f: {  	_ =	swait.ge [sflag:s26], $0x4000  }
0x70: {  	[sflag:s26] =	ssyncset.done $0x0  }
0x71: {  	[sflag:s26] =	ssyncadd.s32 $0xFFFFC000  }
0x72: {  	[spmem:s2] =	stream.indirect.scatter.add.f32 [tilespmem:s23], [sflag:$0x4], $0x80, s0, s24, $0xb8;
	[tilespmem:$0x1D700] =	vst v63  }
0x73: {  	_ = 	snop  }
0x74: {  	[spmem:s3] =	stream.indirect.scatter.add.f32 [tilespmem:s25], [sflag:$0x6], $0x1, s0, s24, $0xb8;
	[tilespmem:$0x1D700] =	vst v63  }
0x75: {  	_ =	swait.ge [sflag:s28], $0x4000  }
0x76: {  	[sflag:s28] =	ssyncset.done $0x0  }
0x77: {  	[sflag:s28] =	ssyncadd.s32 $0xFFFFC000  }
0x78: {  	_ =	swait.ge [sflag:s29], $0x80  }
0x79: {  	[sflag:s29] =	ssyncset.done $0x0  }
0x7a: {  	[sflag:s29] =	ssyncadd.s32 $0xFFFFFF80  }
0x7b: {  	_ =	swait.ge [sflag:s30], $0x4000  }
0x7c: {  	[sflag:s30] =	ssyncset.done $0x0  }
0x7d: {  	[sflag:s30] =	ssyncadd.s32 $0xFFFFC000  }
0x7e: {  	_ =	swait.ge [sflag:s31], $0x80  }
0x7f: {  	[sflag:s31] =	ssyncset.done $0x0  }
0x80: {  	[sflag:s31] =	ssyncadd.s32 $0xFFFFFF80  }
0x81: {  	[bflag:$0x0] =	sbarrier.arrive $0xFFFF  }
0x82: {  	s7 =	rddreg [dreg:$0x9]  }
0x83: {  	[hbm:s7], [sflag:s6] =	dma.local [spmem:s16], $0x2800  }
0x84: {  	s5 =	sadd.s32 $0x1, s5;
	_ =	swait.ge [sflag:s17], $0x2800  }
0x85: {  	p0 =	sne.s32 s5, s13;
	[sflag:s17] =	ssyncset.done $0x0  }
.Ltmp1:
0x86: {  	[sflag:s17] =	ssyncadd.s32 $0xFFFFD800;
	(pc) =	sbr.rel @p0 .LBB2_1-.Ltmp1, $4  }
0x87: {  	[hbm:s12@s21], [sflag:s6] =	dma.strided [spmem:s18@s20], $0x50, s19, $0x10   }
0x88: {  	_ =	swait.ge [sflag:s17], $0x50  }
0x89: {  	[sflag:s17] =	ssyncset.done $0x0  }
0x8a: {  	[sflag:s17] =	ssyncadd.s32 $0xFFFFFFB0  }
0x8b: {  	_ =	sfence.sel $0x180000  }
0x8c: {  	[bflag:$0x0] =	sbarrier.arrive $0xFFFF  }
0x8d: {  	_ =	strace $0x90000050  }
0x8e: {  	s0 =	stileid.u32;
	[bflag:$0x2] =	sbarrier.arrive $0xFFFF  }
0x8f: {  	p0 =	sne.s32 s0, $0x0;
	s0 =	rddreg [dreg:$0x4]  }
0x90: {  	s0 =	sadd.s32 @!p0 $0x100000, s0  }
0x91: {  	[sflag:s0] =	ssyncadd.tile.s32 @!p0 $0x1;
	_ =	shalt  }
.Lfunc_end2:
_tile_overlayer_lowered:
.L_overlay_start_2:
0x92: {  	(tag) =	ssettag $0x2  }
0x93: {  	s0 =	rddreg [dreg:$0x0];
	s2 =	stileid.u32  }
0x94: {  	s1 =	rddreg [dreg:$0x1];
	p0 =	sne.s32 s2, $0x0  }
0x95: {  	s3 =	rddreg [dreg:$0x2];
	[bflag:$0x3] =	sbarrier.arrive $0xFFFF;
	s2 =	simm.s32 @!p0 $0x1C07  }
0x96: {  	[timem:s3], [sflag:s2] =	dma.local @!p0 [hbm:s0], s1  }
0x97: {  	s0 =	simm.s32 @!p0 $0x7  }
0x98: {  	_ =	swait.ge @!p0 [sflag:s0], s1  }
0x99: {  	s1 =	ssub.s32 @!p0 $0x0, s1;
	[sflag:s0] =	ssyncset.done @!p0 $0x0  }
0x9a: {  	[sflag:s0] =	ssyncadd.s32 @!p0 s1  }
0x9b: {  	[bflag:$0x3] =	sbarrier.arrive $0xFFFF  }
0x9c: {  	_ =	shalt  }

</sc_bundles>
